<compile_context>
chip_gen: v7x
topology: tpu7x:2x2x1
jax: 0.10.2.dev20260603
libtpu: 0.0.44.dev20260713+nightly
codegen_flags: <defaults>
</compile_context>

<pallas_src>
import functools

import jax
import jax.numpy as jnp
from jax import lax
from jax.experimental import pallas as pl
from jax.experimental.pallas import tpu as pltpu
from jax.experimental.pallas import tpu_sc as plsc


def _conv2d(x, w, b, stride, pad):
    y = lax.conv_general_dilated(x, w, (stride, stride), ((pad, pad), (pad, pad)),
                                 dimension_numbers=('NCHW', 'OIHW', 'NCHW'))
    return y + b[None, :, None, None]


def _conv_t2d_ref(x, w, b, stride, pad):
    assert stride == 2 and pad == 1
    N, C, H, W = x.shape
    xd = jnp.zeros((N, C, (H - 1) * 2 + 1, (W - 1) * 2 + 1), x.dtype)
    xd = xd.at[:, :, ::2, ::2].set(x)
    xe = xd[:, :, ::2, ::2]
    return _conv_t2d(xe, w, b, 2, 1)


def _conv_t2d(x, w, b, stride, pad):
    assert stride == 2 and w.shape[2] == 4 and w.shape[3] == 4 and pad == 1
    w2 = jnp.flip(w, axis=(2, 3)).transpose(1, 0, 2, 3)
    O = w.shape[1]
    N, C, H, W = x.shape
    ks = [w2[:, :, r::2, s::2] for r in (0, 1) for s in (0, 1)]
    kall = jnp.concatenate(ks, axis=0)
    xp = jnp.pad(x, ((0, 0), (0, 0), (1, 1), (1, 1)))
    y = lax.conv_general_dilated(xp, kall, (1, 1), ((0, 0), (0, 0)),
                                 dimension_numbers=('NCHW', 'OIHW', 'NCHW'))
    ys = {}
    for r in (0, 1):
        for s in (0, 1):
            c0 = (2 * r + s) * O
            ys[(r, s)] = y[:, c0:c0 + O, r:r + H, s:s + W]
    t0 = jnp.stack([ys[(0, 0)], ys[(0, 1)]], axis=-1)
    t1 = jnp.stack([ys[(1, 0)], ys[(1, 1)]], axis=-1)
    out = jnp.stack([t0, t1], axis=3)
    out = out.reshape(N, O, 2 * H, 2 * W)
    return out + b[None, :, None, None]


def _batchnorm(x, g, b, eps=1e-5):
    m = jnp.mean(x, axis=(0, 2, 3), keepdims=True)
    v = jnp.var(x, axis=(0, 2, 3), keepdims=True)
    xh = (x - m) / jnp.sqrt(v + eps)
    return xh * g[None, :, None, None] + b[None, :, None, None]


def _batchnorm_1p(x, g, b, eps=1e-5):
    m = jnp.mean(x, axis=(0, 2, 3), keepdims=True)
    ms = jnp.mean(x * x, axis=(0, 2, 3), keepdims=True)
    v = jnp.maximum(ms - m * m, 0.0)
    scale = g[None, :, None, None] / jnp.sqrt(v + eps)
    return (x - m) * scale + b[None, :, None, None]


def _vq_argmin_body(qi_ref, cb_ref, idx_ref):
    qi = qi_ref[:]
    cb = cb_ref[:]
    K = cb.shape[0]
    qn = jnp.sum(qi * qi, axis=1, keepdims=True)
    cn = jnp.sum(cb * cb, axis=1)[None, :]
    prod = lax.dot_general(qi, cb, (((1,), (1,)), ((), ())),
                           preferred_element_type=jnp.float32)
    d2 = jnp.maximum(qn + cn - 2.0 * prod, 0.0)
    minval = jnp.min(d2, axis=1, keepdims=True)
    kiota = lax.broadcasted_iota(jnp.int32, d2.shape, 1)
    idx = jnp.min(jnp.where(d2 == minval, kiota, K), axis=1)
    idx_ref[:] = idx[None, :]


_SC_MESH = plsc.VectorSubcoreMesh(core_axis_name="c", subcore_axis_name="s")


def _vq_gather_body(n_valid, idx_hbm, cb_hbm, qi_hbm, quant_hbm, part_hbm,
                    idx_v, rows_v, qi_v, acc_v, sem):
    nc = 2
    wid = lax.axis_index("s") * nc + lax.axis_index("c")
    base = wid * 16
    pltpu.sync_copy(idx_hbm.at[pl.ds(base, 16)], idx_v)
    pltpu.async_copy(cb_hbm.at[idx_v], rows_v, sem).wait()
    pltpu.sync_copy(qi_hbm.at[pl.ds(base, 16)], qi_v)
    acc1 = jnp.zeros((16,), jnp.float32)
    acc2 = jnp.zeros((16,), jnp.float32)
    for i in range(16):
        m = jnp.where(base + i < n_valid, 1.0, 0.0)
        for g in range(8):
            vq = rows_v[i, pl.ds(g * 16, 16)]
            vz = qi_v[i, pl.ds(g * 16, 16)]
            diff = vq - vz
            acc1 = acc1 + m * (diff * diff)
            acc2 = acc2 + m * (vq - vz * vz)
    acc_v[0, :] = acc1
    acc_v[1, :] = acc2
    pltpu.sync_copy(rows_v, quant_hbm.at[pl.ds(base, 16)])
    pltpu.sync_copy(acc_v, part_hbm.at[wid])


def _vq_loss_body(n_valid, part_ref, loss_ref):
    part = part_ref[:]
    denom = jnp.float32(n_valid * 128)
    commitment = jnp.sum(part[:, 0, :]) / denom
    codebook_loss = jnp.sum(part[:, 1, :]) / denom
    loss = codebook_loss + 0.25 * commitment
    loss_ref[:] = jnp.full(loss_ref.shape, loss, jnp.float32)


def _vq_quantize(qi_flat, cb):
    N, C = qi_flat.shape
    K = cb.shape[0]
    NP = 512
    qi_pad = jnp.pad(qi_flat, ((0, NP - N), (0, 0)))
    idx2 = pl.pallas_call(
        _vq_argmin_body,
        out_shape=jax.ShapeDtypeStruct((1, NP), jnp.int32),
    )(qi_pad, cb)
    idx = idx2.reshape(NP)

    sc_kernel = functools.partial(
        pl.kernel,
        mesh=_SC_MESH,
        out_type=[
            jax.ShapeDtypeStruct((NP, C), jnp.float32),
            jax.ShapeDtypeStruct((32, 2, 16), jnp.float32),
        ],
        scratch_types=[
            pltpu.VMEM((16,), jnp.int32),
            pltpu.VMEM((16, C), jnp.float32),
            pltpu.VMEM((16, C), jnp.float32),
            pltpu.VMEM((2, 16), jnp.float32),
            pltpu.SemaphoreType.DMA,
        ],
    )
    quant_pad, part = sc_kernel(functools.partial(_vq_gather_body, N))(
        idx, cb, qi_pad)

    lossbuf = pl.pallas_call(
        functools.partial(_vq_loss_body, N),
        out_shape=jax.ShapeDtypeStruct((8, 128), jnp.float32),
    )(part)
    return quant_pad[:N], lossbuf[0, 0]


def kernel(x, params):
    beta = 0.25
    h = x
    for i in range(5):
        h = _conv2d(h, params[f'enc_w{i}'], params[f'enc_b{i}'], 2, 1)
        h = _batchnorm(h, params[f'enc_g{i}'], params[f'enc_be{i}'])
        h = jax.nn.relu(h)
    qi = _conv2d(h, params['pre_w'], params['pre_b'], 1, 0)
    B, C, H, W = qi.shape
    qi_flat = qi.transpose(0, 2, 3, 1).reshape(-1, C)

    quant, quantize_losses = _vq_quantize(qi_flat, params['codebook'])

    quant = quant.reshape(B, H, W, C).transpose(0, 3, 1, 2)
    d = _conv2d(quant, params['post_w'], params['post_b'], 1, 0)
    for i in range(5):
        t2d = _conv_t2d if i < 4 else _conv_t2d_ref
        d = t2d(d, params[f'dec_w{i}'], params[f'dec_b{i}'], 2, 1)
        d = _batchnorm_1p(d, params[f'dec_g{i}'], params[f'dec_be{i}'])
        if i < 4:
            d = jax.nn.relu(d)
        else:
            d = jax.nn.sigmoid(d)
    return d, quantize_losses

# --- scband reference (transcript-rebuilt; emitter-appended) ---
"""Pipeline reference for scband-vqvae-10608569221657 (READ-ONLY COPY).

The authoritative reference and input builder live on the scoring server;
editing this copy changes nothing except your own understanding.
"""

import jax, jax.numpy as jnp
from jax import lax
import numpy as np


def conv2d(x, w, b, stride, pad):
    y = lax.conv_general_dilated(x, w, (stride, stride), ((pad, pad), (pad, pad)),
                                 dimension_numbers=('NCHW', 'OIHW', 'NCHW'))
    return y + b[None, :, None, None]


def conv_t2d(x, w, b, stride, pad):
    # torch ConvTranspose2d(w: (in, out, kH, kW)) == dilated conv with flipped, transposed kernel
    w2 = jnp.flip(w, axis=(2, 3)).transpose(1, 0, 2, 3)
    k = w.shape[2]
    p = k - 1 - pad
    N, C, H, W = x.shape
    xd = jnp.zeros((N, C, (H - 1) * stride + 1, (W - 1) * stride + 1), x.dtype)
    xd = xd.at[:, :, ::stride, ::stride].set(x)
    y = lax.conv_general_dilated(xd, w2, (1, 1), ((p, p), (p, p)),
                                 dimension_numbers=('NCHW', 'OIHW', 'NCHW'))
    return y + b[None, :, None, None]


def batchnorm(x, g, b, eps=1e-5):
    # training-mode BatchNorm2d (batch statistics, biased variance)
    m = jnp.mean(x, axis=(0, 2, 3), keepdims=True)
    v = jnp.var(x, axis=(0, 2, 3), keepdims=True)
    xh = (x - m) / jnp.sqrt(v + eps)
    return xh * g[None, :, None, None] + b[None, :, None, None]


def setup_inputs(seed=0) -> dict:
    key = jax.random.key(seed)

    def nrm(i, shape, scale=0.05):
        return jax.random.normal(jax.random.fold_in(key, i), shape, dtype=jnp.float32) * scale

    x = jax.random.uniform(jax.random.fold_in(key, 1000), (8, 3, 224, 224), dtype=jnp.float32)
    ch = [3, 64, 128, 256, 512, 1024]
    params = {}
    for i in range(5):
        params[f'enc_w{i}'] = nrm(i, (ch[i + 1], ch[i], 4, 4))
        params[f'enc_b{i}'] = jnp.zeros((ch[i + 1],), jnp.float32)
        params[f'enc_g{i}'] = jnp.ones((ch[i + 1],), jnp.float32)
        params[f'enc_be{i}'] = jnp.zeros((ch[i + 1],), jnp.float32)
    params['pre_w'] = nrm(10, (128, 1024, 1, 1))
    params['pre_b'] = jnp.zeros((128,), jnp.float32)
    params['codebook'] = jax.random.normal(jax.random.fold_in(key, 11), (512, 128), dtype=jnp.float32)
    params['post_w'] = nrm(12, (1024, 128, 1, 1))
    params['post_b'] = jnp.zeros((1024,), jnp.float32)
    dch = [1024, 512, 256, 128, 64, 3]
    for i in range(5):
        params[f'dec_w{i}'] = nrm(20 + i, (dch[i], dch[i + 1], 4, 4))
        params[f'dec_b{i}'] = jnp.zeros((dch[i + 1],), jnp.float32)
        params[f'dec_g{i}'] = jnp.ones((dch[i + 1],), jnp.float32)
        params[f'dec_be{i}'] = jnp.zeros((dch[i + 1],), jnp.float32)
    return {'x': x, 'params': params}


def reference(x, params):
    beta = 0.25
    h = x
    for i in range(5):
        h = conv2d(h, params[f'enc_w{i}'], params[f'enc_b{i}'], 2, 1)
        h = batchnorm(h, params[f'enc_g{i}'], params[f'enc_be{i}'])
        h = jax.nn.relu(h)
    qi = conv2d(h, params['pre_w'], params['pre_b'], 1, 0)
    B, C, H, W = qi.shape
    qi = qi.transpose(0, 2, 3, 1).reshape(B, -1, C)
    cb = params['codebook']
    # euclidean cdist(q, codebook) via expansion
    d2 = (jnp.sum(qi ** 2, axis=-1, keepdims=True)
          + jnp.sum(cb ** 2, axis=-1)[None, None, :]
          - 2.0 * jnp.einsum('bnc,kc->bnk', qi, cb))
    dist = jnp.sqrt(jnp.maximum(d2, 0.0))
    idx = jnp.argmin(dist, axis=-1)
    quant_out = jnp.take(cb, idx.reshape(-1), axis=0)
    qi_flat = qi.reshape(-1, C)
    commitment_loss = jnp.mean((lax.stop_gradient(quant_out) - qi_flat) ** 2)
    codebook_loss = jnp.mean(quant_out - lax.stop_gradient(qi_flat) ** 2)
    quantize_losses = codebook_loss + beta * commitment_loss
    quant_out = qi_flat + lax.stop_gradient(quant_out - qi_flat)
    quant_out = quant_out.reshape(B, H, W, C).transpose(0, 3, 1, 2)
    d = conv2d(quant_out, params['post_w'], params['post_b'], 1, 0)
    for i in range(5):
        d = conv_t2d(d, params[f'dec_w{i}'], params[f'dec_b{i}'], 2, 1)
        d = batchnorm(d, params[f'dec_g{i}'], params[f'dec_be{i}'])
        if i < 4:
            d = jax.nn.relu(d)
        else:
            d = jax.nn.sigmoid(d)
    return d, quantize_losses

if __name__ == "__main__":
    import jax
    _d = setup_inputs()
    print(jax.jit(kernel)(*tuple(_d.values())))

</pallas_src>

<mosaic_0001>
#map = affine_map<(d0, d1) -> (0)>
#map1 = affine_map<(d0, d1) -> (0, 0)>
#map2 = affine_map<(d0, d1) -> (0, 0, 0)>
module attributes {stable_mosaic.version = 14 : i64} {
  func.func @_vq_gather_body(%arg0: i32, %arg1: i32, %arg2: memref<512xi32, #tpu.memory_space<hbm>>, %arg3: memref<512x128xf32, #tpu.memory_space<hbm>>, %arg4: memref<512x128xf32, #tpu.memory_space<hbm>>, %arg5: memref<512x128xf32, #tpu.memory_space<hbm>>, %arg6: memref<32x2x16xf32, #tpu.memory_space<hbm>>, %arg7: memref<16xi32, #tpu.memory_space<vmem>>, %arg8: memref<16x128xf32, #tpu.memory_space<vmem>>, %arg9: memref<16x128xf32, #tpu.memory_space<vmem>>, %arg10: memref<2x16xf32, #tpu.memory_space<vmem>>, %arg11: memref<!tpu.dma_semaphore, #tpu.memory_space<semaphore_mem>>) attributes {dimension_semantics = [#tpu.dimension_semantics<core_parallel>, #tpu.dimension_semantics<subcore_parallel>], iteration_bounds = array<i64: 2, 16>, scalar_prefetch = 0 : i64, scratch_operands = 5 : i64, tpu.core_type = #tpu.core_type<sc_vector_subcore>, window_params = [{transform_indices = #map}, {transform_indices = #map1}, {transform_indices = #map1}, {transform_indices = #map1}, {transform_indices = #map2}]} {
    %mul3A = arith.constant 2 : i32
    %mul3A_0 = arith.muli %arg1, %mul3A : i32
    %add3A = arith.addi %mul3A_0, %arg0 : i32
    %mul3A_1 = arith.constant 16 : i32
    %mul3A_2 = arith.muli %add3A, %mul3A_1 : i32
    "tpu.region"() ({
      %run_scoped3A = tpu.sem_alloc : memref<!tpu.dma_semaphore, #tpu.memory_space<semaphore_mem>>
      %dma_start3A_2688 = tpu.memref_slice %arg2[%mul3A_2] : memref<512xi32, #tpu.memory_space<hbm>> -> memref<16xi32, #tpu.memory_space<hbm>>
      %dma_start3A_2689 = tpu.memref_slice %arg2[%mul3A_2] : memref<512xi32, #tpu.memory_space<hbm>> -> memref<16xi32, #tpu.memory_space<hbm>>
      tpu.enqueue_dma source(%dma_start3A_2689 : memref<16xi32, #tpu.memory_space<hbm>>) target(%arg7 : memref<16xi32, #tpu.memory_space<vmem>>) target_semaphore(%run_scoped3A : memref<!tpu.dma_semaphore, #tpu.memory_space<semaphore_mem>>)
      %dma_wait3A_2690 = tpu.memref_slice %arg2[%mul3A_2] : memref<512xi32, #tpu.memory_space<hbm>> -> memref<16xi32, #tpu.memory_space<hbm>>
      %dma_wait3A_2691 = tpu.memref_slice %arg2[%mul3A_2] : memref<512xi32, #tpu.memory_space<hbm>> -> memref<16xi32, #tpu.memory_space<hbm>>
      tpu.wait_dma2 semaphore(%run_scoped3A : memref<!tpu.dma_semaphore, #tpu.memory_space<semaphore_mem>>) src(%dma_wait3A_2691 : memref<16xi32, #tpu.memory_space<hbm>>) dst(%arg7 : memref<16xi32, #tpu.memory_space<vmem>>)
      tpu.yield
    }) : () -> ()
    %dma_start3A = arith.constant 0 : i32
    %dma_start3A_3 = arith.constant 0 : i32
    %dma_start3A_4 = tpu.memref_slice %arg3[%dma_start3A, %dma_start3A_3] : memref<512x128xf32, #tpu.memory_space<hbm>> -> memref<512x128xf32, #tpu.memory_space<hbm>>
    tpu.enqueue_indirect_dma source(%dma_start3A_4 : memref<512x128xf32, #tpu.memory_space<hbm>>) target(%arg8 : memref<16x128xf32, #tpu.memory_space<vmem>>) offsets(%arg7 : memref<16xi32, #tpu.memory_space<vmem>>) semaphore(%arg11 : memref<!tpu.dma_semaphore, #tpu.memory_space<semaphore_mem>>)
    %dma_wait3A = arith.constant 0 : i32
    %dma_wait3A_5 = arith.constant 0 : i32
    %dma_wait3A_6 = tpu.memref_slice %arg3[%dma_wait3A, %dma_wait3A_5] : memref<512x128xf32, #tpu.memory_space<hbm>> -> memref<512x128xf32, #tpu.memory_space<hbm>>
    tpu.wait_indirect_dma semaphore(%arg11 : memref<!tpu.dma_semaphore, #tpu.memory_space<semaphore_mem>>) src(%dma_wait3A_6 : memref<512x128xf32, #tpu.memory_space<hbm>>) dst(%arg8 : memref<16x128xf32, #tpu.memory_space<vmem>>)
    "tpu.region"() ({
      %run_scoped3A = tpu.sem_alloc : memref<!tpu.dma_semaphore, #tpu.memory_space<semaphore_mem>>
      %dma_start3A_2688 = arith.constant 0 : i32
      %dma_start3A_2689 = tpu.memref_slice %arg4[%mul3A_2, %dma_start3A_2688] : memref<512x128xf32, #tpu.memory_space<hbm>> -> memref<16x128xf32, #tpu.memory_space<hbm>>
      %dma_start3A_2690 = arith.constant 0 : i32
      %dma_start3A_2691 = tpu.memref_slice %arg4[%mul3A_2, %dma_start3A_2690] : memref<512x128xf32, #tpu.memory_space<hbm>> -> memref<16x128xf32, #tpu.memory_space<hbm>>
      tpu.enqueue_dma source(%dma_start3A_2691 : memref<16x128xf32, #tpu.memory_space<hbm>>) target(%arg9 : memref<16x128xf32, #tpu.memory_space<vmem>>) target_semaphore(%run_scoped3A : memref<!tpu.dma_semaphore, #tpu.memory_space<semaphore_mem>>)
      %dma_wait3A_2692 = arith.constant 0 : i32
      %dma_wait3A_2693 = tpu.memref_slice %arg4[%mul3A_2, %dma_wait3A_2692] : memref<512x128xf32, #tpu.memory_space<hbm>> -> memref<16x128xf32, #tpu.memory_space<hbm>>
      %dma_wait3A_2694 = arith.constant 0 : i32
      %dma_wait3A_2695 = tpu.memref_slice %arg4[%mul3A_2, %dma_wait3A_2694] : memref<512x128xf32, #tpu.memory_space<hbm>> -> memref<16x128xf32, #tpu.memory_space<hbm>>
      tpu.wait_dma2 semaphore(%run_scoped3A : memref<!tpu.dma_semaphore, #tpu.memory_space<semaphore_mem>>) src(%dma_wait3A_2695 : memref<16x128xf32, #tpu.memory_space<hbm>>) dst(%arg9 : memref<16x128xf32, #tpu.memory_space<vmem>>)
      tpu.yield
    }) : () -> ()
    %broadcast_in_dim3A = arith.constant 0.000000e+00 : f32
    %broadcast_in_dim3A_7 = vector.broadcast %broadcast_in_dim3A : f32 to vector<16xf32>
    %broadcast_in_dim3A_8 = arith.constant 0.000000e+00 : f32
    %broadcast_in_dim3A_9 = vector.broadcast %broadcast_in_dim3A_8 : f32 to vector<16xf32>
    %add3A_10 = arith.constant 0 : i32
    %add3A_11 = arith.addi %mul3A_2, %add3A_10 : i32
    %lt3A = arith.constant 392 : i32
    %lt3A_12 = arith.cmpi slt, %add3A_11, %lt3A : i32
    %jit3A = arith.constant 1.000000e+00 : f32
    %jit3A_13 = arith.constant 0.000000e+00 : f32
    %select_n3A = arith.select %lt3A_12, %jit3A, %jit3A_13 : f32
    %get3A = arith.constant 0 : i32
    %get3A_14 = arith.index_cast %get3A : i32 to index
    %get3A_15 = arith.constant 0 : index
    %get3A_16 = tpu.vector_load %arg8[%get3A_14, %get3A_15] {strides = array<i32>} : memref<16x128xf32, #tpu.memory_space<vmem>>, vector<1x16xf32>,
    %get3A_17 = vector.shape_cast %get3A_16 : vector<1x16xf32> to vector<16xf32>
    %get3A_18 = arith.constant 0 : i32
    %get3A_19 = arith.index_cast %get3A_18 : i32 to index
    %get3A_20 = arith.constant 0 : index
    %get3A_21 = tpu.vector_load %arg9[%get3A_19, %get3A_20] {strides = array<i32>} : memref<16x128xf32, #tpu.memory_space<vmem>>, vector<1x16xf32>,
    %get3A_22 = vector.shape_cast %get3A_21 : vector<1x16xf32> to vector<16xf32>
    %sub3A = arith.subf %get3A_17, %get3A_22 : vector<16xf32>
    %mul3A_23 = arith.mulf %sub3A, %sub3A : vector<16xf32>
    %mul3A_24 = vector.broadcast %select_n3A : f32 to vector<16xf32>
    %mul3A_25 = arith.mulf %mul3A_24, %mul3A_23 : vector<16xf32>
    %add3A_26 = arith.addf %broadcast_in_dim3A_7, %mul3A_25 : vector<16xf32>
    %mul3A_27 = arith.mulf %get3A_22, %get3A_22 : vector<16xf32>
    %sub3A_28 = arith.subf %get3A_17, %mul3A_27 : vector<16xf32>
    %mul3A_29 = vector.broadcast %select_n3A : f32 to vector<16xf32>
    %mul3A_30 = arith.mulf %mul3A_29, %sub3A_28 : vector<16xf32>
    %add3A_31 = arith.addf %broadcast_in_dim3A_9, %mul3A_30 : vector<16xf32>
    %get3A_32 = arith.constant 0 : i32
    %get3A_33 = arith.index_cast %get3A_32 : i32 to index
    %get3A_34 = arith.constant 16 : index
    %get3A_35 = tpu.vector_load %arg8[%get3A_33, %get3A_34] {strides = array<i32>} : memref<16x128xf32, #tpu.memory_space<vmem>>, vector<1x16xf32>,
    %get3A_36 = vector.shape_cast %get3A_35 : vector<1x16xf32> to vector<16xf32>
    %get3A_37 = arith.constant 0 : i32
    %get3A_38 = arith.index_cast %get3A_37 : i32 to index
    %get3A_39 = arith.constant 16 : index
    %get3A_40 = tpu.vector_load %arg9[%get3A_38, %get3A_39] {strides = array<i32>} : memref<16x128xf32, #tpu.memory_space<vmem>>, vector<1x16xf32>,
    %get3A_41 = vector.shape_cast %get3A_40 : vector<1x16xf32> to vector<16xf32>
    %sub3A_42 = arith.subf %get3A_36, %get3A_41 : vector<16xf32>
    %mul3A_43 = arith.mulf %sub3A_42, %sub3A_42 : vector<16xf32>
    %mul3A_44 = vector.broadcast %select_n3A : f32 to vector<16xf32>
    %mul3A_45 = arith.mulf %mul3A_44, %mul3A_43 : vector<16xf32>
    %add3A_46 = arith.addf %add3A_26, %mul3A_45 : vector<16xf32>
    %mul3A_47 = arith.mulf %get3A_41, %get3A_41 : vector<16xf32>
    %sub3A_48 = arith.subf %get3A_36, %mul3A_47 : vector<16xf32>
    %mul3A_49 = vector.broadcast %select_n3A : f32 to vector<16xf32>
    %mul3A_50 = arith.mulf %mul3A_49, %sub3A_48 : vector<16xf32>
    %add3A_51 = arith.addf %add3A_31, %mul3A_50 : vector<16xf32>
    %get3A_52 = arith.constant 0 : i32
    %get3A_53 = arith.index_cast %get3A_52 : i32 to index
    %get3A_54 = arith.constant 32 : index
    %get3A_55 = tpu.vector_load %arg8[%get3A_53, %get3A_54] {strides = array<i32>} : memref<16x128xf32, #tpu.memory_space<vmem>>, vector<1x16xf32>,
    %get3A_56 = vector.shape_cast %get3A_55 : vector<1x16xf32> to vector<16xf32>
    %get3A_57 = arith.constant 0 : i32
    %get3A_58 = arith.index_cast %get3A_57 : i32 to index
    %get3A_59 = arith.constant 32 : index
    %get3A_60 = tpu.vector_load %arg9[%get3A_58, %get3A_59] {strides = array<i32>} : memref<16x128xf32, #tpu.memory_space<vmem>>, vector<1x16xf32>,
    %get3A_61 = vector.shape_cast %get3A_60 : vector<1x16xf32> to vector<16xf32>
    %sub3A_62 = arith.subf %get3A_56, %get3A_61 : vector<16xf32>
    %mul3A_63 = arith.mulf %sub3A_62, %sub3A_62 : vector<16xf32>
    %mul3A_64 = vector.broadcast %select_n3A : f32 to vector<16xf32>
    %mul3A_65 = arith.mulf %mul3A_64, %mul3A_63 : vector<16xf32>
    %add3A_66 = arith.addf %add3A_46, %mul3A_65 : vector<16xf32>
    %mul3A_67 = arith.mulf %get3A_61, %get3A_61 : vector<16xf32>
    %sub3A_68 = arith.subf %get3A_56, %mul3A_67 : vector<16xf32>
    %mul3A_69 = vector.broadcast %select_n3A : f32 to vector<16xf32>
    %mul3A_70 = arith.mulf %mul3A_69, %sub3A_68 : vector<16xf32>
    %add3A_71 = arith.addf %add3A_51, %mul3A_70 : vector<16xf32>
    %get3A_72 = arith.constant 0 : i32
    %get3A_73 = arith.index_cast %get3A_72 : i32 to index
    %get3A_74 = arith.constant 48 : index
    %get3A_75 = tpu.vector_load %arg8[%get3A_73, %get3A_74] {strides = array<i32>} : memref<16x128xf32, #tpu.memory_space<vmem>>, vector<1x16xf32>,
    %get3A_76 = vector.shape_cast %get3A_75 : vector<1x16xf32> to vector<16xf32>
    %get3A_77 = arith.constant 0 : i32
    %get3A_78 = arith.index_cast %get3A_77 : i32 to index
    %get3A_79 = arith.constant 48 : index
    %get3A_80 = tpu.vector_load %arg9[%get3A_78, %get3A_79] {strides = array<i32>} : memref<16x128xf32, #tpu.memory_space<vmem>>, vector<1x16xf32>,
    %get3A_81 = vector.shape_cast %get3A_80 : vector<1x16xf32> to vector<16xf32>
    %sub3A_82 = arith.subf %get3A_76, %get3A_81 : vector<16xf32>
    %mul3A_83 = arith.mulf %sub3A_82, %sub3A_82 : vector<16xf32>
    %mul3A_84 = vector.broadcast %select_n3A : f32 to vector<16xf32>
    %mul3A_85 = arith.mulf %mul3A_84, %mul3A_83 : vector<16xf32>
    %add3A_86 = arith.addf %add3A_66, %mul3A_85 : vector<16xf32>
    %mul3A_87 = arith.mulf %get3A_81, %get3A_81 : vector<16xf32>
    %sub3A_88 = arith.subf %get3A_76, %mul3A_87 : vector<16xf32>
    %mul3A_89 = vector.broadcast %select_n3A : f32 to vector<16xf32>
    %mul3A_90 = arith.mulf %mul3A_89, %sub3A_88 : vector<16xf32>
    %add3A_91 = arith.addf %add3A_71, %mul3A_90 : vector<16xf32>
    %get3A_92 = arith.constant 0 : i32
    %get3A_93 = arith.index_cast %get3A_92 : i32 to index
    %get3A_94 = arith.constant 64 : index
    %get3A_95 = tpu.vector_load %arg8[%get3A_93, %get3A_94] {strides = array<i32>} : memref<16x128xf32, #tpu.memory_space<vmem>>, vector<1x16xf32>,
    %get3A_96 = vector.shape_cast %get3A_95 : vector<1x16xf32> to vector<16xf32>
    %get3A_97 = arith.constant 0 : i32
    %get3A_98 = arith.index_cast %get3A_97 : i32 to index
    %get3A_99 = arith.constant 64 : index
    %get3A_100 = tpu.vector_load %arg9[%get3A_98, %get3A_99] {strides = array<i32>} : memref<16x128xf32, #tpu.memory_space<vmem>>, vector<1x16xf32>,
    %get3A_101 = vector.shape_cast %get3A_100 : vector<1x16xf32> to vector<16xf32>
    %sub3A_102 = arith.subf %get3A_96, %get3A_101 : vector<16xf32>
    %mul3A_103 = arith.mulf %sub3A_102, %sub3A_102 : vector<16xf32>
    %mul3A_104 = vector.broadcast %select_n3A : f32 to vector<16xf32>
    %mul3A_105 = arith.mulf %mul3A_104, %mul3A_103 : vector<16xf32>
    %add3A_106 = arith.addf %add3A_86, %mul3A_105 : vector<16xf32>
    %mul3A_107 = arith.mulf %get3A_101, %get3A_101 : vector<16xf32>
    %sub3A_108 = arith.subf %get3A_96, %mul3A_107 : vector<16xf32>
    %mul3A_109 = vector.broadcast %select_n3A : f32 to vector<16xf32>
    %mul3A_110 = arith.mulf %mul3A_109, %sub3A_108 : vector<16xf32>
    %add3A_111 = arith.addf %add3A_91, %mul3A_110 : vector<16xf32>
    %get3A_112 = arith.constant 0 : i32
    %get3A_113 = arith.index_cast %get3A_112 : i32 to index
    %get3A_114 = arith.constant 80 : index
    %get3A_115 = tpu.vector_load %arg8[%get3A_113, %get3A_114] {strides = array<i32>} : memref<16x128xf32, #tpu.memory_space<vmem>>, vector<1x16xf32>,
    %get3A_116 = vector.shape_cast %get3A_115 : vector<1x16xf32> to vector<16xf32>
    %get3A_117 = arith.constant 0 : i32
    %get3A_118 = arith.index_cast %get3A_117 : i32 to index
    %get3A_119 = arith.constant 80 : index
    %get3A_120 = tpu.vector_load %arg9[%get3A_118, %get3A_119] {strides = array<i32>} : memref<16x128xf32, #tpu.memory_space<vmem>>, vector<1x16xf32>,
    %get3A_121 = vector.shape_cast %get3A_120 : vector<1x16xf32> to vector<16xf32>
    %sub3A_122 = arith.subf %get3A_116, %get3A_121 : vector<16xf32>
    %mul3A_123 = arith.mulf %sub3A_122, %sub3A_122 : vector<16xf32>
    %mul3A_124 = vector.broadcast %select_n3A : f32 to vector<16xf32>
    %mul3A_125 = arith.mulf %mul3A_124, %mul3A_123 : vector<16xf32>
    %add3A_126 = arith.addf %add3A_106, %mul3A_125 : vector<16xf32>
    %mul3A_127 = arith.mulf %get3A_121, %get3A_121 : vector<16xf32>
    %sub3A_128 = arith.subf %get3A_116, %mul3A_127 : vector<16xf32>
    %mul3A_129 = vector.broadcast %select_n3A : f32 to vector<16xf32>
    %mul3A_130 = arith.mulf %mul3A_129, %sub3A_128 : vector<16xf32>
    %add3A_131 = arith.addf %add3A_111, %mul3A_130 : vector<16xf32>
    %get3A_132 = arith.constant 0 : i32
    %get3A_133 = arith.index_cast %get3A_132 : i32 to index
    %get3A_134 = arith.constant 96 : index
    %get3A_135 = tpu.vector_load %arg8[%get3A_133, %get3A_134] {strides = array<i32>} : memref<16x128xf32, #tpu.memory_space<vmem>>, vector<1x16xf32>,
    %get3A_136 = vector.shape_cast %get3A_135 : vector<1x16xf32> to vector<16xf32>
    %get3A_137 = arith.constant 0 : i32
    %get3A_138 = arith.index_cast %get3A_137 : i32 to index
    %get3A_139 = arith.constant 96 : index
    %get3A_140 = tpu.vector_load %arg9[%get3A_138, %get3A_139] {strides = array<i32>} : memref<16x128xf32, #tpu.memory_space<vmem>>, vector<1x16xf32>,
    %get3A_141 = vector.shape_cast %get3A_140 : vector<1x16xf32> to vector<16xf32>
    %sub3A_142 = arith.subf %get3A_136, %get3A_141 : vector<16xf32>
    %mul3A_143 = arith.mulf %sub3A_142, %sub3A_142 : vector<16xf32>
    %mul3A_144 = vector.broadcast %select_n3A : f32 to vector<16xf32>
    %mul3A_145 = arith.mulf %mul3A_144, %mul3A_143 : vector<16xf32>
    %add3A_146 = arith.addf %add3A_126, %mul3A_145 : vector<16xf32>
    %mul3A_147 = arith.mulf %get3A_141, %get3A_141 : vector<16xf32>
    %sub3A_148 = arith.subf %get3A_136, %mul3A_147 : vector<16xf32>
    %mul3A_149 = vector.broadcast %select_n3A : f32 to vector<16xf32>
    %mul3A_150 = arith.mulf %mul3A_149, %sub3A_148 : vector<16xf32>
    %add3A_151 = arith.addf %add3A_131, %mul3A_150 : vector<16xf32>
    %get3A_152 = arith.constant 0 : i32
    %get3A_153 = arith.index_cast %get3A_152 : i32 to index
    %get3A_154 = arith.constant 112 : index
    %get3A_155 = tpu.vector_load %arg8[%get3A_153, %get3A_154] {strides = array<i32>} : memref<16x128xf32, #tpu.memory_space<vmem>>, vector<1x16xf32>,
    %get3A_156 = vector.shape_cast %get3A_155 : vector<1x16xf32> to vector<16xf32>
    %get3A_157 = arith.constant 0 : i32
    %get3A_158 = arith.index_cast %get3A_157 : i32 to index
    %get3A_159 = arith.constant 112 : index
    %get3A_160 = tpu.vector_load %arg9[%get3A_158, %get3A_159] {strides = array<i32>} : memref<16x128xf32, #tpu.memory_space<vmem>>, vector<1x16xf32>,
    %get3A_161 = vector.shape_cast %get3A_160 : vector<1x16xf32> to vector<16xf32>
    %sub3A_162 = arith.subf %get3A_156, %get3A_161 : vector<16xf32>
    %mul3A_163 = arith.mulf %sub3A_162, %sub3A_162 : vector<16xf32>
    %mul3A_164 = vector.broadcast %select_n3A : f32 to vector<16xf32>
    %mul3A_165 = arith.mulf %mul3A_164, %mul3A_163 : vector<16xf32>
    %add3A_166 = arith.addf %add3A_146, %mul3A_165 : vector<16xf32>
    %mul3A_167 = arith.mulf %get3A_161, %get3A_161 : vector<16xf32>
    %sub3A_168 = arith.subf %get3A_156, %mul3A_167 : vector<16xf32>
    %mul3A_169 = vector.broadcast %select_n3A : f32 to vector<16xf32>
    %mul3A_170 = arith.mulf %mul3A_169, %sub3A_168 : vector<16xf32>
    %add3A_171 = arith.addf %add3A_151, %mul3A_170 : vector<16xf32>
    %add3A_172 = arith.constant 1 : i32
    %add3A_173 = arith.addi %mul3A_2, %add3A_172 : i32
    %lt3A_174 = arith.constant 392 : i32
    %lt3A_175 = arith.cmpi slt, %add3A_173, %lt3A_174 : i32
    %jit3A_176 = arith.constant 1.000000e+00 : f32
    %jit3A_177 = arith.constant 0.000000e+00 : f32
    %select_n3A_178 = arith.select %lt3A_175, %jit3A_176, %jit3A_177 : f32
    %get3A_179 = arith.constant 1 : i32
    %get3A_180 = arith.index_cast %get3A_179 : i32 to index
    %get3A_181 = arith.constant 0 : index
    %get3A_182 = tpu.vector_load %arg8[%get3A_180, %get3A_181] {strides = array<i32>} : memref<16x128xf32, #tpu.memory_space<vmem>>, vector<1x16xf32>,
    %get3A_183 = vector.shape_cast %get3A_182 : vector<1x16xf32> to vector<16xf32>
    %get3A_184 = arith.constant 1 : i32
    %get3A_185 = arith.index_cast %get3A_184 : i32 to index
    %get3A_186 = arith.constant 0 : index
    %get3A_187 = tpu.vector_load %arg9[%get3A_185, %get3A_186] {strides = array<i32>} : memref<16x128xf32, #tpu.memory_space<vmem>>, vector<1x16xf32>,
    %get3A_188 = vector.shape_cast %get3A_187 : vector<1x16xf32> to vector<16xf32>
    %sub3A_189 = arith.subf %get3A_183, %get3A_188 : vector<16xf32>
    %mul3A_190 = arith.mulf %sub3A_189, %sub3A_189 : vector<16xf32>
    %mul3A_191 = vector.broadcast %select_n3A_178 : f32 to vector<16xf32>
    %mul3A_192 = arith.mulf %mul3A_191, %mul3A_190 : vector<16xf32>
    %add3A_193 = arith.addf %add3A_166, %mul3A_192 : vector<16xf32>
    %mul3A_194 = arith.mulf %get3A_188, %get3A_188 : vector<16xf32>
    %sub3A_195 = arith.subf %get3A_183, %mul3A_194 : vector<16xf32>
    %mul3A_196 = vector.broadcast %select_n3A_178 : f32 to vector<16xf32>
    %mul3A_197 = arith.mulf %mul3A_196, %sub3A_195 : vector<16xf32>
    %add3A_198 = arith.addf %add3A_171, %mul3A_197 : vector<16xf32>
    %get3A_199 = arith.constant 1 : i32
    %get3A_200 = arith.index_cast %get3A_199 : i32 to index
    %get3A_201 = arith.constant 16 : index
    %get3A_202 = tpu.vector_load %arg8[%get3A_200, %get3A_201] {strides = array<i32>} : memref<16x128xf32, #tpu.memory_space<vmem>>, vector<1x16xf32>,
    %get3A_203 = vector.shape_cast %get3A_202 : vector<1x16xf32> to vector<16xf32>
    %get3A_204 = arith.constant 1 : i32
    %get3A_205 = arith.index_cast %get3A_204 : i32 to index
    %get3A_206 = arith.constant 16 : index
    %get3A_207 = tpu.vector_load %arg9[%get3A_205, %get3A_206] {strides = array<i32>} : memref<16x128xf32, #tpu.memory_space<vmem>>, vector<1x16xf32>,
    %get3A_208 = vector.shape_cast %get3A_207 : vector<1x16xf32> to vector<16xf32>
    %sub3A_209 = arith.subf %get3A_203, %get3A_208 : vector<16xf32>
    %mul3A_210 = arith.mulf %sub3A_209, %sub3A_209 : vector<16xf32>
    %mul3A_211 = vector.broadcast %select_n3A_178 : f32 to vector<16xf32>
    %mul3A_212 = arith.mulf %mul3A_211, %mul3A_210 : vector<16xf32>
    %add3A_213 = arith.addf %add3A_193, %mul3A_212 : vector<16xf32>
    %mul3A_214 = arith.mulf %get3A_208, %get3A_208 : vector<16xf32>
    %sub3A_215 = arith.subf %get3A_203, %mul3A_214 : vector<16xf32>
    %mul3A_216 = vector.broadcast %select_n3A_178 : f32 to vector<16xf32>
    %mul3A_217 = arith.mulf %mul3A_216, %sub3A_215 : vector<16xf32>
    %add3A_218 = arith.addf %add3A_198, %mul3A_217 : vector<16xf32>
    %get3A_219 = arith.constant 1 : i32
    %get3A_220 = arith.index_cast %get3A_219 : i32 to index
    %get3A_221 = arith.constant 32 : index
    %get3A_222 = tpu.vector_load %arg8[%get3A_220, %get3A_221] {strides = array<i32>} : memref<16x128xf32, #tpu.memory_space<vmem>>, vector<1x16xf32>,
    %get3A_223 = vector.shape_cast %get3A_222 : vector<1x16xf32> to vector<16xf32>
    %get3A_224 = arith.constant 1 : i32
    %get3A_225 = arith.index_cast %get3A_224 : i32 to index
    %get3A_226 = arith.constant 32 : index
    %get3A_227 = tpu.vector_load %arg9[%get3A_225, %get3A_226] {strides = array<i32>} : memref<16x128xf32, #tpu.memory_space<vmem>>, vector<1x16xf32>,
    %get3A_228 = vector.shape_cast %get3A_227 : vector<1x16xf32> to vector<16xf32>
    %sub3A_229 = arith.subf %get3A_223, %get3A_228 : vector<16xf32>
    %mul3A_230 = arith.mulf %sub3A_229, %sub3A_229 : vector<16xf32>
    %mul3A_231 = vector.broadcast %select_n3A_178 : f32 to vector<16xf32>
    %mul3A_232 = arith.mulf %mul3A_231, %mul3A_230 : vector<16xf32>
    %add3A_233 = arith.addf %add3A_213, %mul3A_232 : vector<16xf32>
    %mul3A_234 = arith.mulf %get3A_228, %get3A_228 : vector<16xf32>
    %sub3A_235 = arith.subf %get3A_223, %mul3A_234 : vector<16xf32>
    %mul3A_236 = vector.broadcast %select_n3A_178 : f32 to vector<16xf32>
    %mul3A_237 = arith.mulf %mul3A_236, %sub3A_235 : vector<16xf32>
    %add3A_238 = arith.addf %add3A_218, %mul3A_237 : vector<16xf32>
    %get3A_239 = arith.constant 1 : i32
    %get3A_240 = arith.index_cast %get3A_239 : i32 to index
    %get3A_241 = arith.constant 48 : index
    %get3A_242 = tpu.vector_load %arg8[%get3A_240, %get3A_241] {strides = array<i32>} : memref<16x128xf32, #tpu.memory_space<vmem>>, vector<1x16xf32>,
    %get3A_243 = vector.shape_cast %get3A_242 : vector<1x16xf32> to vector<16xf32>
    %get3A_244 = arith.constant 1 : i32
    %get3A_245 = arith.index_cast %get3A_244 : i32 to index
    %get3A_246 = arith.constant 48 : index
    %get3A_247 = tpu.vector_load %arg9[%get3A_245, %get3A_246] {strides = array<i32>} : memref<16x128xf32, #tpu.memory_space<vmem>>, vector<1x16xf32>,
    %get3A_248 = vector.shape_cast %get3A_247 : vector<1x16xf32> to vector<16xf32>
    %sub3A_249 = arith.subf %get3A_243, %get3A_248 : vector<16xf32>
    %mul3A_250 = arith.mulf %sub3A_249, %sub3A_249 : vector<16xf32>
    %mul3A_251 = vector.broadcast %select_n3A_178 : f32 to vector<16xf32>
    %mul3A_252 = arith.mulf %mul3A_251, %mul3A_250 : vector<16xf32>
    %add3A_253 = arith.addf %add3A_233, %mul3A_252 : vector<16xf32>
    %mul3A_254 = arith.mulf %get3A_248, %get3A_248 : vector<16xf32>
    %sub3A_255 = arith.subf %get3A_243, %mul3A_254 : vector<16xf32>
    %mul3A_256 = vector.broadcast %select_n3A_178 : f32 to vector<16xf32>
    %mul3A_257 = arith.mulf %mul3A_256, %sub3A_255 : vector<16xf32>
    %add3A_258 = arith.addf %add3A_238, %mul3A_257 : vector<16xf32>
    %get3A_259 = arith.constant 1 : i32
    %get3A_260 = arith.index_cast %get3A_259 : i32 to index
    %get3A_261 = arith.constant 64 : index
    %get3A_262 = tpu.vector_load %arg8[%get3A_260, %get3A_261] {strides = array<i32>} : memref<16x128xf32, #tpu.memory_space<vmem>>, vector<1x16xf32>,
    %get3A_263 = vector.shape_cast %get3A_262 : vector<1x16xf32> to vector<16xf32>
    %get3A_264 = arith.constant 1 : i32
    %get3A_265 = arith.index_cast %get3A_264 : i32 to index
    %get3A_266 = arith.constant 64 : index
    %get3A_267 = tpu.vector_load %arg9[%get3A_265, %get3A_266] {strides = array<i32>} : memref<16x128xf32, #tpu.memory_space<vmem>>, vector<1x16xf32>,
    %get3A_268 = vector.shape_cast %get3A_267 : vector<1x16xf32> to vector<16xf32>
    %sub3A_269 = arith.subf %get3A_263, %get3A_268 : vector<16xf32>
    %mul3A_270 = arith.mulf %sub3A_269, %sub3A_269 : vector<16xf32>
    %mul3A_271 = vector.broadcast %select_n3A_178 : f32 to vector<16xf32>
    %mul3A_272 = arith.mulf %mul3A_271, %mul3A_270 : vector<16xf32>
    %add3A_273 = arith.addf %add3A_253, %mul3A_272 : vector<16xf32>
    %mul3A_274 = arith.mulf %get3A_268, %get3A_268 : vector<16xf32>
    %sub3A_275 = arith.subf %get3A_263, %mul3A_274 : vector<16xf32>
    %mul3A_276 = vector.broadcast %select_n3A_178 : f32 to vector<16xf32>
    %mul3A_277 = arith.mulf %mul3A_276, %sub3A_275 : vector<16xf32>
    %add3A_278 = arith.addf %add3A_258, %mul3A_277 : vector<16xf32>
    %get3A_279 = arith.constant 1 : i32
    %get3A_280 = arith.index_cast %get3A_279 : i32 to index
    %get3A_281 = arith.constant 80 : index
    %get3A_282 = tpu.vector_load %arg8[%get3A_280, %get3A_281] {strides = array<i32>} : memref<16x128xf32, #tpu.memory_space<vmem>>, vector<1x16xf32>,
    %get3A_283 = vector.shape_cast %get3A_282 : vector<1x16xf32> to vector<16xf32>
    %get3A_284 = arith.constant 1 : i32
    %get3A_285 = arith.index_cast %get3A_284 : i32 to index
    %get3A_286 = arith.constant 80 : index
    %get3A_287 = tpu.vector_load %arg9[%get3A_285, %get3A_286] {strides = array<i32>} : memref<16x128xf32, #tpu.memory_space<vmem>>, vector<1x16xf32>,
    %get3A_288 = vector.shape_cast %get3A_287 : vector<1x16xf32> to vector<16xf32>
    %sub3A_289 = arith.subf %get3A_283, %get3A_288 : vector<16xf32>
    %mul3A_290 = arith.mulf %sub3A_289, %sub3A_289 : vector<16xf32>
    %mul3A_291 = vector.broadcast %select_n3A_178 : f32 to vector<16xf32>
    %mul3A_292 = arith.mulf %mul3A_291, %mul3A_290 : vector<16xf32>
    %add3A_293 = arith.addf %add3A_273, %mul3A_292 : vector<16xf32>
    %mul3A_294 = arith.mulf %get3A_288, %get3A_288 : vector<16xf32>
    %sub3A_295 = arith.subf %get3A_283, %mul3A_294 : vector<16xf32>
    %mul3A_296 = vector.broadcast %select_n3A_178 : f32 to vector<16xf32>
    %mul3A_297 = arith.mulf %mul3A_296, %sub3A_295 : vector<16xf32>
    %add3A_298 = arith.addf %add3A_278, %mul3A_297 : vector<16xf32>
    %get3A_299 = arith.constant 1 : i32
    %get3A_300 = arith.index_cast %get3A_299 : i32 to index
    %get3A_301 = arith.constant 96 : index
    %get3A_302 = tpu.vector_load %arg8[%get3A_300, %get3A_301] {strides = array<i32>} : memref<16x128xf32, #tpu.memory_space<vmem>>, vector<1x16xf32>,
    %get3A_303 = vector.shape_cast %get3A_302 : vector<1x16xf32> to vector<16xf32>
    %get3A_304 = arith.constant 1 : i32
    %get3A_305 = arith.index_cast %get3A_304 : i32 to index
    %get3A_306 = arith.constant 96 : index
    %get3A_307 = tpu.vector_load %arg9[%get3A_305, %get3A_306] {strides = array<i32>} : memref<16x128xf32, #tpu.memory_space<vmem>>, vector<1x16xf32>,
    %get3A_308 = vector.shape_cast %get3A_307 : vector<1x16xf32> to vector<16xf32>
    %sub3A_309 = arith.subf %get3A_303, %get3A_308 : vector<16xf32>
    %mul3A_310 = arith.mulf %sub3A_309, %sub3A_309 : vector<16xf32>
    %mul3A_311 = vector.broadcast %select_n3A_178 : f32 to vector<16xf32>
    %mul3A_312 = arith.mulf %mul3A_311, %mul3A_310 : vector<16xf32>
    %add3A_313 = arith.addf %add3A_293, %mul3A_312 : vector<16xf32>
    %mul3A_314 = arith.mulf %get3A_308, %get3A_308 : vector<16xf32>
    %sub3A_315 = arith.subf %get3A_303, %mul3A_314 : vector<16xf32>
    %mul3A_316 = vector.broadcast %select_n3A_178 : f32 to vector<16xf32>
    %mul3A_317 = arith.mulf %mul3A_316, %sub3A_315 : vector<16xf32>
    %add3A_318 = arith.addf %add3A_298, %mul3A_317 : vector<16xf32>
    %get3A_319 = arith.constant 1 : i32
    %get3A_320 = arith.index_cast %get3A_319 : i32 to index
    %get3A_321 = arith.constant 112 : index
    %get3A_322 = tpu.vector_load %arg8[%get3A_320, %get3A_321] {strides = array<i32>} : memref<16x128xf32, #tpu.memory_space<vmem>>, vector<1x16xf32>,
    %get3A_323 = vector.shape_cast %get3A_322 : vector<1x16xf32> to vector<16xf32>
    %get3A_324 = arith.constant 1 : i32
    %get3A_325 = arith.index_cast %get3A_324 : i32 to index
    %get3A_326 = arith.constant 112 : index
    %get3A_327 = tpu.vector_load %arg9[%get3A_325, %get3A_326] {strides = array<i32>} : memref<16x128xf32, #tpu.memory_space<vmem>>, vector<1x16xf32>,
    %get3A_328 = vector.shape_cast %get3A_327 : vector<1x16xf32> to vector<16xf32>
    %sub3A_329 = arith.subf %get3A_323, %get3A_328 : vector<16xf32>
    %mul3A_330 = arith.mulf %sub3A_329, %sub3A_329 : vector<16xf32>
    %mul3A_331 = vector.broadcast %select_n3A_178 : f32 to vector<16xf32>
    %mul3A_332 = arith.mulf %mul3A_331, %mul3A_330 : vector<16xf32>
    %add3A_333 = arith.addf %add3A_313, %mul3A_332 : vector<16xf32>
    %mul3A_334 = arith.mulf %get3A_328, %get3A_328 : vector<16xf32>
    %sub3A_335 = arith.subf %get3A_323, %mul3A_334 : vector<16xf32>
    %mul3A_336 = vector.broadcast %select_n3A_178 : f32 to vector<16xf32>
    %mul3A_337 = arith.mulf %mul3A_336, %sub3A_335 : vector<16xf32>
    %add3A_338 = arith.addf %add3A_318, %mul3A_337 : vector<16xf32>
    %add3A_339 = arith.constant 2 : i32
    %add3A_340 = arith.addi %mul3A_2, %add3A_339 : i32
    %lt3A_341 = arith.constant 392 : i32
    %lt3A_342 = arith.cmpi slt, %add3A_340, %lt3A_341 : i32
    %jit3A_343 = arith.constant 1.000000e+00 : f32
    %jit3A_344 = arith.constant 0.000000e+00 : f32
    %select_n3A_345 = arith.select %lt3A_342, %jit3A_343, %jit3A_344 : f32
    %get3A_346 = arith.constant 2 : i32
    %get3A_347 = arith.index_cast %get3A_346 : i32 to index
    %get3A_348 = arith.constant 0 : index
    %get3A_349 = tpu.vector_load %arg8[%get3A_347, %get3A_348] {strides = array<i32>} : memref<16x128xf32, #tpu.memory_space<vmem>>, vector<1x16xf32>,
    %get3A_350 = vector.shape_cast %get3A_349 : vector<1x16xf32> to vector<16xf32>
    %get3A_351 = arith.constant 2 : i32
    %get3A_352 = arith.index_cast %get3A_351 : i32 to index
    %get3A_353 = arith.constant 0 : index
    %get3A_354 = tpu.vector_load %arg9[%get3A_352, %get3A_353] {strides = array<i32>} : memref<16x128xf32, #tpu.memory_space<vmem>>, vector<1x16xf32>,
    %get3A_355 = vector.shape_cast %get3A_354 : vector<1x16xf32> to vector<16xf32>
    %sub3A_356 = arith.subf %get3A_350, %get3A_355 : vector<16xf32>
    %mul3A_357 = arith.mulf %sub3A_356, %sub3A_356 : vector<16xf32>
    %mul3A_358 = vector.broadcast %select_n3A_345 : f32 to vector<16xf32>
    %mul3A_359 = arith.mulf %mul3A_358, %mul3A_357 : vector<16xf32>
    %add3A_360 = arith.addf %add3A_333, %mul3A_359 : vector<16xf32>
    %mul3A_361 = arith.mulf %get3A_355, %get3A_355 : vector<16xf32>
    %sub3A_362 = arith.subf %get3A_350, %mul3A_361 : vector<16xf32>
    %mul3A_363 = vector.broadcast %select_n3A_345 : f32 to vector<16xf32>
    %mul3A_364 = arith.mulf %mul3A_363, %sub3A_362 : vector<16xf32>
    %add3A_365 = arith.addf %add3A_338, %mul3A_364 : vector<16xf32>
    %get3A_366 = arith.constant 2 : i32
    %get3A_367 = arith.index_cast %get3A_366 : i32 to index
    %get3A_368 = arith.constant 16 : index
    %get3A_369 = tpu.vector_load %arg8[%get3A_367, %get3A_368] {strides = array<i32>} : memref<16x128xf32, #tpu.memory_space<vmem>>, vector<1x16xf32>,
    %get3A_370 = vector.shape_cast %get3A_369 : vector<1x16xf32> to vector<16xf32>
    %get3A_371 = arith.constant 2 : i32
    %get3A_372 = arith.index_cast %get3A_371 : i32 to index
    %get3A_373 = arith.constant 16 : index
    %get3A_374 = tpu.vector_load %arg9[%get3A_372, %get3A_373] {strides = array<i32>} : memref<16x128xf32, #tpu.memory_space<vmem>>, vector<1x16xf32>,
    %get3A_375 = vector.shape_cast %get3A_374 : vector<1x16xf32> to vector<16xf32>
    %sub3A_376 = arith.subf %get3A_370, %get3A_375 : vector<16xf32>
    %mul3A_377 = arith.mulf %sub3A_376, %sub3A_376 : vector<16xf32>
    %mul3A_378 = vector.broadcast %select_n3A_345 : f32 to vector<16xf32>
    %mul3A_379 = arith.mulf %mul3A_378, %mul3A_377 : vector<16xf32>
    %add3A_380 = arith.addf %add3A_360, %mul3A_379 : vector<16xf32>
    %mul3A_381 = arith.mulf %get3A_375, %get3A_375 : vector<16xf32>
    %sub3A_382 = arith.subf %get3A_370, %mul3A_381 : vector<16xf32>
    %mul3A_383 = vector.broadcast %select_n3A_345 : f32 to vector<16xf32>
    %mul3A_384 = arith.mulf %mul3A_383, %sub3A_382 : vector<16xf32>
    %add3A_385 = arith.addf %add3A_365, %mul3A_384 : vector<16xf32>
    %get3A_386 = arith.constant 2 : i32
    %get3A_387 = arith.index_cast %get3A_386 : i32 to index
    %get3A_388 = arith.constant 32 : index
    %get3A_389 = tpu.vector_load %arg8[%get3A_387, %get3A_388] {strides = array<i32>} : memref<16x128xf32, #tpu.memory_space<vmem>>, vector<1x16xf32>,
    %get3A_390 = vector.shape_cast %get3A_389 : vector<1x16xf32> to vector<16xf32>
    %get3A_391 = arith.constant 2 : i32
    %get3A_392 = arith.index_cast %get3A_391 : i32 to index
    %get3A_393 = arith.constant 32 : index
    %get3A_394 = tpu.vector_load %arg9[%get3A_392, %get3A_393] {strides = array<i32>} : memref<16x128xf32, #tpu.memory_space<vmem>>, vector<1x16xf32>,
    %get3A_395 = vector.shape_cast %get3A_394 : vector<1x16xf32> to vector<16xf32>
    %sub3A_396 = arith.subf %get3A_390, %get3A_395 : vector<16xf32>
    %mul3A_397 = arith.mulf %sub3A_396, %sub3A_396 : vector<16xf32>
    %mul3A_398 = vector.broadcast %select_n3A_345 : f32 to vector<16xf32>
    %mul3A_399 = arith.mulf %mul3A_398, %mul3A_397 : vector<16xf32>
    %add3A_400 = arith.addf %add3A_380, %mul3A_399 : vector<16xf32>
    %mul3A_401 = arith.mulf %get3A_395, %get3A_395 : vector<16xf32>
    %sub3A_402 = arith.subf %get3A_390, %mul3A_401 : vector<16xf32>
    %mul3A_403 = vector.broadcast %select_n3A_345 : f32 to vector<16xf32>
    %mul3A_404 = arith.mulf %mul3A_403, %sub3A_402 : vector<16xf32>
    %add3A_405 = arith.addf %add3A_385, %mul3A_404 : vector<16xf32>
    %get3A_406 = arith.constant 2 : i32
    %get3A_407 = arith.index_cast %get3A_406 : i32 to index
    %get3A_408 = arith.constant 48 : index
    %get3A_409 = tpu.vector_load %arg8[%get3A_407, %get3A_408] {strides = array<i32>} : memref<16x128xf32, #tpu.memory_space<vmem>>, vector<1x16xf32>,
    %get3A_410 = vector.shape_cast %get3A_409 : vector<1x16xf32> to vector<16xf32>
    %get3A_411 = arith.constant 2 : i32
    %get3A_412 = arith.index_cast %get3A_411 : i32 to index
    %get3A_413 = arith.constant 48 : index
    %get3A_414 = tpu.vector_load %arg9[%get3A_412, %get3A_413] {strides = array<i32>} : memref<16x128xf32, #tpu.memory_space<vmem>>, vector<1x16xf32>,
    %get3A_415 = vector.shape_cast %get3A_414 : vector<1x16xf32> to vector<16xf32>
    %sub3A_416 = arith.subf %get3A_410, %get3A_415 : vector<16xf32>
    %mul3A_417 = arith.mulf %sub3A_416, %sub3A_416 : vector<16xf32>
    %mul3A_418 = vector.broadcast %select_n3A_345 : f32 to vector<16xf32>
    %mul3A_419 = arith.mulf %mul3A_418, %mul3A_417 : vector<16xf32>
    %add3A_420 = arith.addf %add3A_400, %mul3A_419 : vector<16xf32>
    %mul3A_421 = arith.mulf %get3A_415, %get3A_415 : vector<16xf32>
    %sub3A_422 = arith.subf %get3A_410, %mul3A_421 : vector<16xf32>
    %mul3A_423 = vector.broadcast %select_n3A_345 : f32 to vector<16xf32>
    %mul3A_424 = arith.mulf %mul3A_423, %sub3A_422 : vector<16xf32>
    %add3A_425 = arith.addf %add3A_405, %mul3A_424 : vector<16xf32>
    %get3A_426 = arith.constant 2 : i32
    %get3A_427 = arith.index_cast %get3A_426 : i32 to index
    %get3A_428 = arith.constant 64 : index
    %get3A_429 = tpu.vector_load %arg8[%get3A_427, %get3A_428] {strides = array<i32>} : memref<16x128xf32, #tpu.memory_space<vmem>>, vector<1x16xf32>,
    %get3A_430 = vector.shape_cast %get3A_429 : vector<1x16xf32> to vector<16xf32>
    %get3A_431 = arith.constant 2 : i32
    %get3A_432 = arith.index_cast %get3A_431 : i32 to index
    %get3A_433 = arith.constant 64 : index
    %get3A_434 = tpu.vector_load %arg9[%get3A_432, %get3A_433] {strides = array<i32>} : memref<16x128xf32, #tpu.memory_space<vmem>>, vector<1x16xf32>,
    %get3A_435 = vector.shape_cast %get3A_434 : vector<1x16xf32> to vector<16xf32>
    %sub3A_436 = arith.subf %get3A_430, %get3A_435 : vector<16xf32>
    %mul3A_437 = arith.mulf %sub3A_436, %sub3A_436 : vector<16xf32>
    %mul3A_438 = vector.broadcast %select_n3A_345 : f32 to vector<16xf32>
    %mul3A_439 = arith.mulf %mul3A_438, %mul3A_437 : vector<16xf32>
    %add3A_440 = arith.addf %add3A_420, %mul3A_439 : vector<16xf32>
    %mul3A_441 = arith.mulf %get3A_435, %get3A_435 : vector<16xf32>
    %sub3A_442 = arith.subf %get3A_430, %mul3A_441 : vector<16xf32>
    %mul3A_443 = vector.broadcast %select_n3A_345 : f32 to vector<16xf32>
    %mul3A_444 = arith.mulf %mul3A_443, %sub3A_442 : vector<16xf32>
    %add3A_445 = arith.addf %add3A_425, %mul3A_444 : vector<16xf32>
    %get3A_446 = arith.constant 2 : i32
    %get3A_447 = arith.index_cast %get3A_446 : i32 to index
    %get3A_448 = arith.constant 80 : index
    %get3A_449 = tpu.vector_load %arg8[%get3A_447, %get3A_448] {strides = array<i32>} : memref<16x128xf32, #tpu.memory_space<vmem>>, vector<1x16xf32>,
    %get3A_450 = vector.shape_cast %get3A_449 : vector<1x16xf32> to vector<16xf32>
    %get3A_451 = arith.constant 2 : i32
    %get3A_452 = arith.index_cast %get3A_451 : i32 to index
    %get3A_453 = arith.constant 80 : index
    %get3A_454 = tpu.vector_load %arg9[%get3A_452, %get3A_453] {strides = array<i32>} : memref<16x128xf32, #tpu.memory_space<vmem>>, vector<1x16xf32>,
    %get3A_455 = vector.shape_cast %get3A_454 : vector<1x16xf32> to vector<16xf32>
    %sub3A_456 = arith.subf %get3A_450, %get3A_455 : vector<16xf32>
    %mul3A_457 = arith.mulf %sub3A_456, %sub3A_456 : vector<16xf32>
    %mul3A_458 = vector.broadcast %select_n3A_345 : f32 to vector<16xf32>
    %mul3A_459 = arith.mulf %mul3A_458, %mul3A_457 : vector<16xf32>
    %add3A_460 = arith.addf %add3A_440, %mul3A_459 : vector<16xf32>
    %mul3A_461 = arith.mulf %get3A_455, %get3A_455 : vector<16xf32>
    %sub3A_462 = arith.subf %get3A_450, %mul3A_461 : vector<16xf32>
    %mul3A_463 = vector.broadcast %select_n3A_345 : f32 to vector<16xf32>
    %mul3A_464 = arith.mulf %mul3A_463, %sub3A_462 : vector<16xf32>
    %add3A_465 = arith.addf %add3A_445, %mul3A_464 : vector<16xf32>
    %get3A_466 = arith.constant 2 : i32
    %get3A_467 = arith.index_cast %get3A_466 : i32 to index
    %get3A_468 = arith.constant 96 : index
    %get3A_469 = tpu.vector_load %arg8[%get3A_467, %get3A_468] {strides = array<i32>} : memref<16x128xf32, #tpu.memory_space<vmem>>, vector<1x16xf32>,
    %get3A_470 = vector.shape_cast %get3A_469 : vector<1x16xf32> to vector<16xf32>
    %get3A_471 = arith.constant 2 : i32
    %get3A_472 = arith.index_cast %get3A_471 : i32 to index
    %get3A_473 = arith.constant 96 : index
    %get3A_474 = tpu.vector_load %arg9[%get3A_472, %get3A_473] {strides = array<i32>} : memref<16x128xf32, #tpu.memory_space<vmem>>, vector<1x16xf32>,
    %get3A_475 = vector.shape_cast %get3A_474 : vector<1x16xf32> to vector<16xf32>
    %sub3A_476 = arith.subf %get3A_470, %get3A_475 : vector<16xf32>
    %mul3A_477 = arith.mulf %sub3A_476, %sub3A_476 : vector<16xf32>
    %mul3A_478 = vector.broadcast %select_n3A_345 : f32 to vector<16xf32>
    %mul3A_479 = arith.mulf %mul3A_478, %mul3A_477 : vector<16xf32>
    %add3A_480 = arith.addf %add3A_460, %mul3A_479 : vector<16xf32>
    %mul3A_481 = arith.mulf %get3A_475, %get3A_475 : vector<16xf32>
    %sub3A_482 = arith.subf %get3A_470, %mul3A_481 : vector<16xf32>
    %mul3A_483 = vector.broadcast %select_n3A_345 : f32 to vector<16xf32>
    %mul3A_484 = arith.mulf %mul3A_483, %sub3A_482 : vector<16xf32>
    %add3A_485 = arith.addf %add3A_465, %mul3A_484 : vector<16xf32>
    %get3A_486 = arith.constant 2 : i32
    %get3A_487 = arith.index_cast %get3A_486 : i32 to index
    %get3A_488 = arith.constant 112 : index
    %get3A_489 = tpu.vector_load %arg8[%get3A_487, %get3A_488] {strides = array<i32>} : memref<16x128xf32, #tpu.memory_space<vmem>>, vector<1x16xf32>,
    %get3A_490 = vector.shape_cast %get3A_489 : vector<1x16xf32> to vector<16xf32>
    %get3A_491 = arith.constant 2 : i32
    %get3A_492 = arith.index_cast %get3A_491 : i32 to index
    %get3A_493 = arith.constant 112 : index
    %get3A_494 = tpu.vector_load %arg9[%get3A_492, %get3A_493] {strides = array<i32>} : memref<16x128xf32, #tpu.memory_space<vmem>>, vector<1x16xf32>,
    %get3A_495 = vector.shape_cast %get3A_494 : vector<1x16xf32> to vector<16xf32>
    %sub3A_496 = arith.subf %get3A_490, %get3A_495 : vector<16xf32>
    %mul3A_497 = arith.mulf %sub3A_496, %sub3A_496 : vector<16xf32>
    %mul3A_498 = vector.broadcast %select_n3A_345 : f32 to vector<16xf32>
    %mul3A_499 = arith.mulf %mul3A_498, %mul3A_497 : vector<16xf32>
    %add3A_500 = arith.addf %add3A_480, %mul3A_499 : vector<16xf32>
    %mul3A_501 = arith.mulf %get3A_495, %get3A_495 : vector<16xf32>
    %sub3A_502 = arith.subf %get3A_490, %mul3A_501 : vector<16xf32>
    %mul3A_503 = vector.broadcast %select_n3A_345 : f32 to vector<16xf32>
    %mul3A_504 = arith.mulf %mul3A_503, %sub3A_502 : vector<16xf32>
    %add3A_505 = arith.addf %add3A_485, %mul3A_504 : vector<16xf32>
    %add3A_506 = arith.constant 3 : i32
    %add3A_507 = arith.addi %mul3A_2, %add3A_506 : i32
    %lt3A_508 = arith.constant 392 : i32
    %lt3A_509 = arith.cmpi slt, %add3A_507, %lt3A_508 : i32
    %jit3A_510 = arith.constant 1.000000e+00 : f32
    %jit3A_511 = arith.constant 0.000000e+00 : f32
    %select_n3A_512 = arith.select %lt3A_509, %jit3A_510, %jit3A_511 : f32
    %get3A_513 = arith.constant 3 : i32
    %get3A_514 = arith.index_cast %get3A_513 : i32 to index
    %get3A_515 = arith.constant 0 : index
    %get3A_516 = tpu.vector_load %arg8[%get3A_514, %get3A_515] {strides = array<i32>} : memref<16x128xf32, #tpu.memory_space<vmem>>, vector<1x16xf32>,
    %get3A_517 = vector.shape_cast %get3A_516 : vector<1x16xf32> to vector<16xf32>
    %get3A_518 = arith.constant 3 : i32
    %get3A_519 = arith.index_cast %get3A_518 : i32 to index
    %get3A_520 = arith.constant 0 : index
    %get3A_521 = tpu.vector_load %arg9[%get3A_519, %get3A_520] {strides = array<i32>} : memref<16x128xf32, #tpu.memory_space<vmem>>, vector<1x16xf32>,
    %get3A_522 = vector.shape_cast %get3A_521 : vector<1x16xf32> to vector<16xf32>
    %sub3A_523 = arith.subf %get3A_517, %get3A_522 : vector<16xf32>
    %mul3A_524 = arith.mulf %sub3A_523, %sub3A_523 : vector<16xf32>
    %mul3A_525 = vector.broadcast %select_n3A_512 : f32 to vector<16xf32>
    %mul3A_526 = arith.mulf %mul3A_525, %mul3A_524 : vector<16xf32>
    %add3A_527 = arith.addf %add3A_500, %mul3A_526 : vector<16xf32>
    %mul3A_528 = arith.mulf %get3A_522, %get3A_522 : vector<16xf32>
    %sub3A_529 = arith.subf %get3A_517, %mul3A_528 : vector<16xf32>
    %mul3A_530 = vector.broadcast %select_n3A_512 : f32 to vector<16xf32>
    %mul3A_531 = arith.mulf %mul3A_530, %sub3A_529 : vector<16xf32>
    %add3A_532 = arith.addf %add3A_505, %mul3A_531 : vector<16xf32>
    %get3A_533 = arith.constant 3 : i32
    %get3A_534 = arith.index_cast %get3A_533 : i32 to index
    %get3A_535 = arith.constant 16 : index
    %get3A_536 = tpu.vector_load %arg8[%get3A_534, %get3A_535] {strides = array<i32>} : memref<16x128xf32, #tpu.memory_space<vmem>>, vector<1x16xf32>,
    %get3A_537 = vector.shape_cast %get3A_536 : vector<1x16xf32> to vector<16xf32>
    %get3A_538 = arith.constant 3 : i32
    %get3A_539 = arith.index_cast %get3A_538 : i32 to index
    %get3A_540 = arith.constant 16 : index
    %get3A_541 = tpu.vector_load %arg9[%get3A_539, %get3A_540] {strides = array<i32>} : memref<16x128xf32, #tpu.memory_space<vmem>>, vector<1x16xf32>,
    %get3A_542 = vector.shape_cast %get3A_541 : vector<1x16xf32> to vector<16xf32>
    %sub3A_543 = arith.subf %get3A_537, %get3A_542 : vector<16xf32>
    %mul3A_544 = arith.mulf %sub3A_543, %sub3A_543 : vector<16xf32>
    %mul3A_545 = vector.broadcast %select_n3A_512 : f32 to vector<16xf32>
    %mul3A_546 = arith.mulf %mul3A_545, %mul3A_544 : vector<16xf32>
    %add3A_547 = arith.addf %add3A_527, %mul3A_546 : vector<16xf32>
    %mul3A_548 = arith.mulf %get3A_542, %get3A_542 : vector<16xf32>
    %sub3A_549 = arith.subf %get3A_537, %mul3A_548 : vector<16xf32>
    %mul3A_550 = vector.broadcast %select_n3A_512 : f32 to vector<16xf32>
    %mul3A_551 = arith.mulf %mul3A_550, %sub3A_549 : vector<16xf32>
    %add3A_552 = arith.addf %add3A_532, %mul3A_551 : vector<16xf32>
    %get3A_553 = arith.constant 3 : i32
    %get3A_554 = arith.index_cast %get3A_553 : i32 to index
    %get3A_555 = arith.constant 32 : index
    %get3A_556 = tpu.vector_load %arg8[%get3A_554, %get3A_555] {strides = array<i32>} : memref<16x128xf32, #tpu.memory_space<vmem>>, vector<1x16xf32>,
    %get3A_557 = vector.shape_cast %get3A_556 : vector<1x16xf32> to vector<16xf32>
    %get3A_558 = arith.constant 3 : i32
    %get3A_559 = arith.index_cast %get3A_558 : i32 to index
    %get3A_560 = arith.constant 32 : index
    %get3A_561 = tpu.vector_load %arg9[%get3A_559, %get3A_560] {strides = array<i32>} : memref<16x128xf32, #tpu.memory_space<vmem>>, vector<1x16xf32>,
    %get3A_562 = vector.shape_cast %get3A_561 : vector<1x16xf32> to vector<16xf32>
    %sub3A_563 = arith.subf %get3A_557, %get3A_562 : vector<16xf32>
    %mul3A_564 = arith.mulf %sub3A_563, %sub3A_563 : vector<16xf32>
    %mul3A_565 = vector.broadcast %select_n3A_512 : f32 to vector<16xf32>
    %mul3A_566 = arith.mulf %mul3A_565, %mul3A_564 : vector<16xf32>
    %add3A_567 = arith.addf %add3A_547, %mul3A_566 : vector<16xf32>
    %mul3A_568 = arith.mulf %get3A_562, %get3A_562 : vector<16xf32>
    %sub3A_569 = arith.subf %get3A_557, %mul3A_568 : vector<16xf32>
    %mul3A_570 = vector.broadcast %select_n3A_512 : f32 to vector<16xf32>
    %mul3A_571 = arith.mulf %mul3A_570, %sub3A_569 : vector<16xf32>
    %add3A_572 = arith.addf %add3A_552, %mul3A_571 : vector<16xf32>
    %get3A_573 = arith.constant 3 : i32
    %get3A_574 = arith.index_cast %get3A_573 : i32 to index
    %get3A_575 = arith.constant 48 : index
    %get3A_576 = tpu.vector_load %arg8[%get3A_574, %get3A_575] {strides = array<i32>} : memref<16x128xf32, #tpu.memory_space<vmem>>, vector<1x16xf32>,
    %get3A_577 = vector.shape_cast %get3A_576 : vector<1x16xf32> to vector<16xf32>
    %get3A_578 = arith.constant 3 : i32
    %get3A_579 = arith.index_cast %get3A_578 : i32 to index
    %get3A_580 = arith.constant 48 : index
    %get3A_581 = tpu.vector_load %arg9[%get3A_579, %get3A_580] {strides = array<i32>} : memref<16x128xf32, #tpu.memory_space<vmem>>, vector<1x16xf32>,
    %get3A_582 = vector.shape_cast %get3A_581 : vector<1x16xf32> to vector<16xf32>
    %sub3A_583 = arith.subf %get3A_577, %get3A_582 : vector<16xf32>
    %mul3A_584 = arith.mulf %sub3A_583, %sub3A_583 : vector<16xf32>
    %mul3A_585 = vector.broadcast %select_n3A_512 : f32 to vector<16xf32>
    %mul3A_586 = arith.mulf %mul3A_585, %mul3A_584 : vector<16xf32>
    %add3A_587 = arith.addf %add3A_567, %mul3A_586 : vector<16xf32>
    %mul3A_588 = arith.mulf %get3A_582, %get3A_582 : vector<16xf32>
    %sub3A_589 = arith.subf %get3A_577, %mul3A_588 : vector<16xf32>
    %mul3A_590 = vector.broadcast %select_n3A_512 : f32 to vector<16xf32>
    %mul3A_591 = arith.mulf %mul3A_590, %sub3A_589 : vector<16xf32>
    %add3A_592 = arith.addf %add3A_572, %mul3A_591 : vector<16xf32>
    %get3A_593 = arith.constant 3 : i32
    %get3A_594 = arith.index_cast %get3A_593 : i32 to index
    %get3A_595 = arith.constant 64 : index
    %get3A_596 = tpu.vector_load %arg8[%get3A_594, %get3A_595] {strides = array<i32>} : memref<16x128xf32, #tpu.memory_space<vmem>>, vector<1x16xf32>,
    %get3A_597 = vector.shape_cast %get3A_596 : vector<1x16xf32> to vector<16xf32>
    %get3A_598 = arith.constant 3 : i32
    %get3A_599 = arith.index_cast %get3A_598 : i32 to index
    %get3A_600 = arith.constant 64 : index
    %get3A_601 = tpu.vector_load %arg9[%get3A_599, %get3A_600] {strides = array<i32>} : memref<16x128xf32, #tpu.memory_space<vmem>>, vector<1x16xf32>,
    %get3A_602 = vector.shape_cast %get3A_601 : vector<1x16xf32> to vector<16xf32>
    %sub3A_603 = arith.subf %get3A_597, %get3A_602 : vector<16xf32>
    %mul3A_604 = arith.mulf %sub3A_603, %sub3A_603 : vector<16xf32>
    %mul3A_605 = vector.broadcast %select_n3A_512 : f32 to vector<16xf32>
    %mul3A_606 = arith.mulf %mul3A_605, %mul3A_604 : vector<16xf32>
    %add3A_607 = arith.addf %add3A_587, %mul3A_606 : vector<16xf32>
    %mul3A_608 = arith.mulf %get3A_602, %get3A_602 : vector<16xf32>
    %sub3A_609 = arith.subf %get3A_597, %mul3A_608 : vector<16xf32>
    %mul3A_610 = vector.broadcast %select_n3A_512 : f32 to vector<16xf32>
    %mul3A_611 = arith.mulf %mul3A_610, %sub3A_609 : vector<16xf32>
    %add3A_612 = arith.addf %add3A_592, %mul3A_611 : vector<16xf32>
    %get3A_613 = arith.constant 3 : i32
    %get3A_614 = arith.index_cast %get3A_613 : i32 to index
    %get3A_615 = arith.constant 80 : index
    %get3A_616 = tpu.vector_load %arg8[%get3A_614, %get3A_615] {strides = array<i32>} : memref<16x128xf32, #tpu.memory_space<vmem>>, vector<1x16xf32>,
    %get3A_617 = vector.shape_cast %get3A_616 : vector<1x16xf32> to vector<16xf32>
    %get3A_618 = arith.constant 3 : i32
    %get3A_619 = arith.index_cast %get3A_618 : i32 to index
    %get3A_620 = arith.constant 80 : index
    %get3A_621 = tpu.vector_load %arg9[%get3A_619, %get3A_620] {strides = array<i32>} : memref<16x128xf32, #tpu.memory_space<vmem>>, vector<1x16xf32>,
    %get3A_622 = vector.shape_cast %get3A_621 : vector<1x16xf32> to vector<16xf32>
    %sub3A_623 = arith.subf %get3A_617, %get3A_622 : vector<16xf32>
    %mul3A_624 = arith.mulf %sub3A_623, %sub3A_623 : vector<16xf32>
    %mul3A_625 = vector.broadcast %select_n3A_512 : f32 to vector<16xf32>
    %mul3A_626 = arith.mulf %mul3A_625, %mul3A_624 : vector<16xf32>
    %add3A_627 = arith.addf %add3A_607, %mul3A_626 : vector<16xf32>
    %mul3A_628 = arith.mulf %get3A_622, %get3A_622 : vector<16xf32>
    %sub3A_629 = arith.subf %get3A_617, %mul3A_628 : vector<16xf32>
    %mul3A_630 = vector.broadcast %select_n3A_512 : f32 to vector<16xf32>
    %mul3A_631 = arith.mulf %mul3A_630, %sub3A_629 : vector<16xf32>
    %add3A_632 = arith.addf %add3A_612, %mul3A_631 : vector<16xf32>
    %get3A_633 = arith.constant 3 : i32
    %get3A_634 = arith.index_cast %get3A_633 : i32 to index
    %get3A_635 = arith.constant 96 : index
    %get3A_636 = tpu.vector_load %arg8[%get3A_634, %get3A_635] {strides = array<i32>} : memref<16x128xf32, #tpu.memory_space<vmem>>, vector<1x16xf32>,
    %get3A_637 = vector.shape_cast %get3A_636 : vector<1x16xf32> to vector<16xf32>
    %get3A_638 = arith.constant 3 : i32
    %get3A_639 = arith.index_cast %get3A_638 : i32 to index
    %get3A_640 = arith.constant 96 : index
    %get3A_641 = tpu.vector_load %arg9[%get3A_639, %get3A_640] {strides = array<i32>} : memref<16x128xf32, #tpu.memory_space<vmem>>, vector<1x16xf32>,
    %get3A_642 = vector.shape_cast %get3A_641 : vector<1x16xf32> to vector<16xf32>
    %sub3A_643 = arith.subf %get3A_637, %get3A_642 : vector<16xf32>
    %mul3A_644 = arith.mulf %sub3A_643, %sub3A_643 : vector<16xf32>
    %mul3A_645 = vector.broadcast %select_n3A_512 : f32 to vector<16xf32>
    %mul3A_646 = arith.mulf %mul3A_645, %mul3A_644 : vector<16xf32>
    %add3A_647 = arith.addf %add3A_627, %mul3A_646 : vector<16xf32>
    %mul3A_648 = arith.mulf %get3A_642, %get3A_642 : vector<16xf32>
    %sub3A_649 = arith.subf %get3A_637, %mul3A_648 : vector<16xf32>
    %mul3A_650 = vector.broadcast %select_n3A_512 : f32 to vector<16xf32>
    %mul3A_651 = arith.mulf %mul3A_650, %sub3A_649 : vector<16xf32>
    %add3A_652 = arith.addf %add3A_632, %mul3A_651 : vector<16xf32>
    %get3A_653 = arith.constant 3 : i32
    %get3A_654 = arith.index_cast %get3A_653 : i32 to index
    %get3A_655 = arith.constant 112 : index
    %get3A_656 = tpu.vector_load %arg8[%get3A_654, %get3A_655] {strides = array<i32>} : memref<16x128xf32, #tpu.memory_space<vmem>>, vector<1x16xf32>,
    %get3A_657 = vector.shape_cast %get3A_656 : vector<1x16xf32> to vector<16xf32>
    %get3A_658 = arith.constant 3 : i32
    %get3A_659 = arith.index_cast %get3A_658 : i32 to index
    %get3A_660 = arith.constant 112 : index
    %get3A_661 = tpu.vector_load %arg9[%get3A_659, %get3A_660] {strides = array<i32>} : memref<16x128xf32, #tpu.memory_space<vmem>>, vector<1x16xf32>,
    %get3A_662 = vector.shape_cast %get3A_661 : vector<1x16xf32> to vector<16xf32>
    %sub3A_663 = arith.subf %get3A_657, %get3A_662 : vector<16xf32>
    %mul3A_664 = arith.mulf %sub3A_663, %sub3A_663 : vector<16xf32>
    %mul3A_665 = vector.broadcast %select_n3A_512 : f32 to vector<16xf32>
    %mul3A_666 = arith.mulf %mul3A_665, %mul3A_664 : vector<16xf32>
    %add3A_667 = arith.addf %add3A_647, %mul3A_666 : vector<16xf32>
    %mul3A_668 = arith.mulf %get3A_662, %get3A_662 : vector<16xf32>
    %sub3A_669 = arith.subf %get3A_657, %mul3A_668 : vector<16xf32>
    %mul3A_670 = vector.broadcast %select_n3A_512 : f32 to vector<16xf32>
    %mul3A_671 = arith.mulf %mul3A_670, %sub3A_669 : vector<16xf32>
    %add3A_672 = arith.addf %add3A_652, %mul3A_671 : vector<16xf32>
    %add3A_673 = arith.constant 4 : i32
    %add3A_674 = arith.addi %mul3A_2, %add3A_673 : i32
    %lt3A_675 = arith.constant 392 : i32
    %lt3A_676 = arith.cmpi slt, %add3A_674, %lt3A_675 : i32
    %jit3A_677 = arith.constant 1.000000e+00 : f32
    %jit3A_678 = arith.constant 0.000000e+00 : f32
    %select_n3A_679 = arith.select %lt3A_676, %jit3A_677, %jit3A_678 : f32
    %get3A_680 = arith.constant 4 : i32
    %get3A_681 = arith.index_cast %get3A_680 : i32 to index
    %get3A_682 = arith.constant 0 : index
    %get3A_683 = tpu.vector_load %arg8[%get3A_681, %get3A_682] {strides = array<i32>} : memref<16x128xf32, #tpu.memory_space<vmem>>, vector<1x16xf32>,
    %get3A_684 = vector.shape_cast %get3A_683 : vector<1x16xf32> to vector<16xf32>
    %get3A_685 = arith.constant 4 : i32
    %get3A_686 = arith.index_cast %get3A_685 : i32 to index
    %get3A_687 = arith.constant 0 : index
    %get3A_688 = tpu.vector_load %arg9[%get3A_686, %get3A_687] {strides = array<i32>} : memref<16x128xf32, #tpu.memory_space<vmem>>, vector<1x16xf32>,
    %get3A_689 = vector.shape_cast %get3A_688 : vector<1x16xf32> to vector<16xf32>
    %sub3A_690 = arith.subf %get3A_684, %get3A_689 : vector<16xf32>
    %mul3A_691 = arith.mulf %sub3A_690, %sub3A_690 : vector<16xf32>
    %mul3A_692 = vector.broadcast %select_n3A_679 : f32 to vector<16xf32>
    %mul3A_693 = arith.mulf %mul3A_692, %mul3A_691 : vector<16xf32>
    %add3A_694 = arith.addf %add3A_667, %mul3A_693 : vector<16xf32>
    %mul3A_695 = arith.mulf %get3A_689, %get3A_689 : vector<16xf32>
    %sub3A_696 = arith.subf %get3A_684, %mul3A_695 : vector<16xf32>
    %mul3A_697 = vector.broadcast %select_n3A_679 : f32 to vector<16xf32>
    %mul3A_698 = arith.mulf %mul3A_697, %sub3A_696 : vector<16xf32>
    %add3A_699 = arith.addf %add3A_672, %mul3A_698 : vector<16xf32>
    %get3A_700 = arith.constant 4 : i32
    %get3A_701 = arith.index_cast %get3A_700 : i32 to index
    %get3A_702 = arith.constant 16 : index
    %get3A_703 = tpu.vector_load %arg8[%get3A_701, %get3A_702] {strides = array<i32>} : memref<16x128xf32, #tpu.memory_space<vmem>>, vector<1x16xf32>,
    %get3A_704 = vector.shape_cast %get3A_703 : vector<1x16xf32> to vector<16xf32>
    %get3A_705 = arith.constant 4 : i32
    %get3A_706 = arith.index_cast %get3A_705 : i32 to index
    %get3A_707 = arith.constant 16 : index
    %get3A_708 = tpu.vector_load %arg9[%get3A_706, %get3A_707] {strides = array<i32>} : memref<16x128xf32, #tpu.memory_space<vmem>>, vector<1x16xf32>,
    %get3A_709 = vector.shape_cast %get3A_708 : vector<1x16xf32> to vector<16xf32>
    %sub3A_710 = arith.subf %get3A_704, %get3A_709 : vector<16xf32>
    %mul3A_711 = arith.mulf %sub3A_710, %sub3A_710 : vector<16xf32>
    %mul3A_712 = vector.broadcast %select_n3A_679 : f32 to vector<16xf32>
    %mul3A_713 = arith.mulf %mul3A_712, %mul3A_711 : vector<16xf32>
    %add3A_714 = arith.addf %add3A_694, %mul3A_713 : vector<16xf32>
    %mul3A_715 = arith.mulf %get3A_709, %get3A_709 : vector<16xf32>
    %sub3A_716 = arith.subf %get3A_704, %mul3A_715 : vector<16xf32>
    %mul3A_717 = vector.broadcast %select_n3A_679 : f32 to vector<16xf32>
    %mul3A_718 = arith.mulf %mul3A_717, %sub3A_716 : vector<16xf32>
    %add3A_719 = arith.addf %add3A_699, %mul3A_718 : vector<16xf32>
    %get3A_720 = arith.constant 4 : i32
    %get3A_721 = arith.index_cast %get3A_720 : i32 to index
    %get3A_722 = arith.constant 32 : index
    %get3A_723 = tpu.vector_load %arg8[%get3A_721, %get3A_722] {strides = array<i32>} : memref<16x128xf32, #tpu.memory_space<vmem>>, vector<1x16xf32>,
    %get3A_724 = vector.shape_cast %get3A_723 : vector<1x16xf32> to vector<16xf32>
    %get3A_725 = arith.constant 4 : i32
    %get3A_726 = arith.index_cast %get3A_725 : i32 to index
    %get3A_727 = arith.constant 32 : index
    %get3A_728 = tpu.vector_load %arg9[%get3A_726, %get3A_727] {strides = array<i32>} : memref<16x128xf32, #tpu.memory_space<vmem>>, vector<1x16xf32>,
    %get3A_729 = vector.shape_cast %get3A_728 : vector<1x16xf32> to vector<16xf32>
    %sub3A_730 = arith.subf %get3A_724, %get3A_729 : vector<16xf32>
    %mul3A_731 = arith.mulf %sub3A_730, %sub3A_730 : vector<16xf32>
    %mul3A_732 = vector.broadcast %select_n3A_679 : f32 to vector<16xf32>
    %mul3A_733 = arith.mulf %mul3A_732, %mul3A_731 : vector<16xf32>
    %add3A_734 = arith.addf %add3A_714, %mul3A_733 : vector<16xf32>
    %mul3A_735 = arith.mulf %get3A_729, %get3A_729 : vector<16xf32>
    %sub3A_736 = arith.subf %get3A_724, %mul3A_735 : vector<16xf32>
    %mul3A_737 = vector.broadcast %select_n3A_679 : f32 to vector<16xf32>
    %mul3A_738 = arith.mulf %mul3A_737, %sub3A_736 : vector<16xf32>
    %add3A_739 = arith.addf %add3A_719, %mul3A_738 : vector<16xf32>
    %get3A_740 = arith.constant 4 : i32
    %get3A_741 = arith.index_cast %get3A_740 : i32 to index
    %get3A_742 = arith.constant 48 : index
    %get3A_743 = tpu.vector_load %arg8[%get3A_741, %get3A_742] {strides = array<i32>} : memref<16x128xf32, #tpu.memory_space<vmem>>, vector<1x16xf32>,
    %get3A_744 = vector.shape_cast %get3A_743 : vector<1x16xf32> to vector<16xf32>
    %get3A_745 = arith.constant 4 : i32
    %get3A_746 = arith.index_cast %get3A_745 : i32 to index
    %get3A_747 = arith.constant 48 : index
    %get3A_748 = tpu.vector_load %arg9[%get3A_746, %get3A_747] {strides = array<i32>} : memref<16x128xf32, #tpu.memory_space<vmem>>, vector<1x16xf32>,
    %get3A_749 = vector.shape_cast %get3A_748 : vector<1x16xf32> to vector<16xf32>
    %sub3A_750 = arith.subf %get3A_744, %get3A_749 : vector<16xf32>
    %mul3A_751 = arith.mulf %sub3A_750, %sub3A_750 : vector<16xf32>
    %mul3A_752 = vector.broadcast %select_n3A_679 : f32 to vector<16xf32>
    %mul3A_753 = arith.mulf %mul3A_752, %mul3A_751 : vector<16xf32>
    %add3A_754 = arith.addf %add3A_734, %mul3A_753 : vector<16xf32>
    %mul3A_755 = arith.mulf %get3A_749, %get3A_749 : vector<16xf32>
    %sub3A_756 = arith.subf %get3A_744, %mul3A_755 : vector<16xf32>
    %mul3A_757 = vector.broadcast %select_n3A_679 : f32 to vector<16xf32>
    %mul3A_758 = arith.mulf %mul3A_757, %sub3A_756 : vector<16xf32>
    %add3A_759 = arith.addf %add3A_739, %mul3A_758 : vector<16xf32>
    %get3A_760 = arith.constant 4 : i32
    %get3A_761 = arith.index_cast %get3A_760 : i32 to index
    %get3A_762 = arith.constant 64 : index
    %get3A_763 = tpu.vector_load %arg8[%get3A_761, %get3A_762] {strides = array<i32>} : memref<16x128xf32, #tpu.memory_space<vmem>>, vector<1x16xf32>,
    %get3A_764 = vector.shape_cast %get3A_763 : vector<1x16xf32> to vector<16xf32>
    %get3A_765 = arith.constant 4 : i32
    %get3A_766 = arith.index_cast %get3A_765 : i32 to index
    %get3A_767 = arith.constant 64 : index
    %get3A_768 = tpu.vector_load %arg9[%get3A_766, %get3A_767] {strides = array<i32>} : memref<16x128xf32, #tpu.memory_space<vmem>>, vector<1x16xf32>,
    %get3A_769 = vector.shape_cast %get3A_768 : vector<1x16xf32> to vector<16xf32>
    %sub3A_770 = arith.subf %get3A_764, %get3A_769 : vector<16xf32>
    %mul3A_771 = arith.mulf %sub3A_770, %sub3A_770 : vector<16xf32>
    %mul3A_772 = vector.broadcast %select_n3A_679 : f32 to vector<16xf32>
    %mul3A_773 = arith.mulf %mul3A_772, %mul3A_771 : vector<16xf32>
    %add3A_774 = arith.addf %add3A_754, %mul3A_773 : vector<16xf32>
    %mul3A_775 = arith.mulf %get3A_769, %get3A_769 : vector<16xf32>
    %sub3A_776 = arith.subf %get3A_764, %mul3A_775 : vector<16xf32>
    %mul3A_777 = vector.broadcast %select_n3A_679 : f32 to vector<16xf32>
    %mul3A_778 = arith.mulf %mul3A_777, %sub3A_776 : vector<16xf32>
    %add3A_779 = arith.addf %add3A_759, %mul3A_778 : vector<16xf32>
    %get3A_780 = arith.constant 4 : i32
    %get3A_781 = arith.index_cast %get3A_780 : i32 to index
    %get3A_782 = arith.constant 80 : index
    %get3A_783 = tpu.vector_load %arg8[%get3A_781, %get3A_782] {strides = array<i32>} : memref<16x128xf32, #tpu.memory_space<vmem>>, vector<1x16xf32>,
    %get3A_784 = vector.shape_cast %get3A_783 : vector<1x16xf32> to vector<16xf32>
    %get3A_785 = arith.constant 4 : i32
    %get3A_786 = arith.index_cast %get3A_785 : i32 to index
    %get3A_787 = arith.constant 80 : index
    %get3A_788 = tpu.vector_load %arg9[%get3A_786, %get3A_787] {strides = array<i32>} : memref<16x128xf32, #tpu.memory_space<vmem>>, vector<1x16xf32>,
    %get3A_789 = vector.shape_cast %get3A_788 : vector<1x16xf32> to vector<16xf32>
    %sub3A_790 = arith.subf %get3A_784, %get3A_789 : vector<16xf32>
    %mul3A_791 = arith.mulf %sub3A_790, %sub3A_790 : vector<16xf32>
    %mul3A_792 = vector.broadcast %select_n3A_679 : f32 to vector<16xf32>
    %mul3A_793 = arith.mulf %mul3A_792, %mul3A_791 : vector<16xf32>
    %add3A_794 = arith.addf %add3A_774, %mul3A_793 : vector<16xf32>
    %mul3A_795 = arith.mulf %get3A_789, %get3A_789 : vector<16xf32>
    %sub3A_796 = arith.subf %get3A_784, %mul3A_795 : vector<16xf32>
    %mul3A_797 = vector.broadcast %select_n3A_679 : f32 to vector<16xf32>
    %mul3A_798 = arith.mulf %mul3A_797, %sub3A_796 : vector<16xf32>
    %add3A_799 = arith.addf %add3A_779, %mul3A_798 : vector<16xf32>
    %get3A_800 = arith.constant 4 : i32
    %get3A_801 = arith.index_cast %get3A_800 : i32 to index
    %get3A_802 = arith.constant 96 : index
    %get3A_803 = tpu.vector_load %arg8[%get3A_801, %get3A_802] {strides = array<i32>} : memref<16x128xf32, #tpu.memory_space<vmem>>, vector<1x16xf32>,
    %get3A_804 = vector.shape_cast %get3A_803 : vector<1x16xf32> to vector<16xf32>
    %get3A_805 = arith.constant 4 : i32
    %get3A_806 = arith.index_cast %get3A_805 : i32 to index
    %get3A_807 = arith.constant 96 : index
    %get3A_808 = tpu.vector_load %arg9[%get3A_806, %get3A_807] {strides = array<i32>} : memref<16x128xf32, #tpu.memory_space<vmem>>, vector<1x16xf32>,
    %get3A_809 = vector.shape_cast %get3A_808 : vector<1x16xf32> to vector<16xf32>
    %sub3A_810 = arith.subf %get3A_804, %get3A_809 : vector<16xf32>
    %mul3A_811 = arith.mulf %sub3A_810, %sub3A_810 : vector<16xf32>
    %mul3A_812 = vector.broadcast %select_n3A_679 : f32 to vector<16xf32>
    %mul3A_813 = arith.mulf %mul3A_812, %mul3A_811 : vector<16xf32>
    %add3A_814 = arith.addf %add3A_794, %mul3A_813 : vector<16xf32>
    %mul3A_815 = arith.mulf %get3A_809, %get3A_809 : vector<16xf32>
    %sub3A_816 = arith.subf %get3A_804, %mul3A_815 : vector<16xf32>
    %mul3A_817 = vector.broadcast %select_n3A_679 : f32 to vector<16xf32>
    %mul3A_818 = arith.mulf %mul3A_817, %sub3A_816 : vector<16xf32>
    %add3A_819 = arith.addf %add3A_799, %mul3A_818 : vector<16xf32>
    %get3A_820 = arith.constant 4 : i32
    %get3A_821 = arith.index_cast %get3A_820 : i32 to index
    %get3A_822 = arith.constant 112 : index
    %get3A_823 = tpu.vector_load %arg8[%get3A_821, %get3A_822] {strides = array<i32>} : memref<16x128xf32, #tpu.memory_space<vmem>>, vector<1x16xf32>,
    %get3A_824 = vector.shape_cast %get3A_823 : vector<1x16xf32> to vector<16xf32>
    %get3A_825 = arith.constant 4 : i32
    %get3A_826 = arith.index_cast %get3A_825 : i32 to index
    %get3A_827 = arith.constant 112 : index
    %get3A_828 = tpu.vector_load %arg9[%get3A_826, %get3A_827] {strides = array<i32>} : memref<16x128xf32, #tpu.memory_space<vmem>>, vector<1x16xf32>,
    %get3A_829 = vector.shape_cast %get3A_828 : vector<1x16xf32> to vector<16xf32>
    %sub3A_830 = arith.subf %get3A_824, %get3A_829 : vector<16xf32>
    %mul3A_831 = arith.mulf %sub3A_830, %sub3A_830 : vector<16xf32>
    %mul3A_832 = vector.broadcast %select_n3A_679 : f32 to vector<16xf32>
    %mul3A_833 = arith.mulf %mul3A_832, %mul3A_831 : vector<16xf32>
    %add3A_834 = arith.addf %add3A_814, %mul3A_833 : vector<16xf32>
    %mul3A_835 = arith.mulf %get3A_829, %get3A_829 : vector<16xf32>
    %sub3A_836 = arith.subf %get3A_824, %mul3A_835 : vector<16xf32>
    %mul3A_837 = vector.broadcast %select_n3A_679 : f32 to vector<16xf32>
    %mul3A_838 = arith.mulf %mul3A_837, %sub3A_836 : vector<16xf32>
    %add3A_839 = arith.addf %add3A_819, %mul3A_838 : vector<16xf32>
    %add3A_840 = arith.constant 5 : i32
    %add3A_841 = arith.addi %mul3A_2, %add3A_840 : i32
    %lt3A_842 = arith.constant 392 : i32
    %lt3A_843 = arith.cmpi slt, %add3A_841, %lt3A_842 : i32
    %jit3A_844 = arith.constant 1.000000e+00 : f32
    %jit3A_845 = arith.constant 0.000000e+00 : f32
    %select_n3A_846 = arith.select %lt3A_843, %jit3A_844, %jit3A_845 : f32
    %get3A_847 = arith.constant 5 : i32
    %get3A_848 = arith.index_cast %get3A_847 : i32 to index
    %get3A_849 = arith.constant 0 : index
    %get3A_850 = tpu.vector_load %arg8[%get3A_848, %get3A_849] {strides = array<i32>} : memref<16x128xf32, #tpu.memory_space<vmem>>, vector<1x16xf32>,
    %get3A_851 = vector.shape_cast %get3A_850 : vector<1x16xf32> to vector<16xf32>
    %get3A_852 = arith.constant 5 : i32
    %get3A_853 = arith.index_cast %get3A_852 : i32 to index
    %get3A_854 = arith.constant 0 : index
    %get3A_855 = tpu.vector_load %arg9[%get3A_853, %get3A_854] {strides = array<i32>} : memref<16x128xf32, #tpu.memory_space<vmem>>, vector<1x16xf32>,
    %get3A_856 = vector.shape_cast %get3A_855 : vector<1x16xf32> to vector<16xf32>
    %sub3A_857 = arith.subf %get3A_851, %get3A_856 : vector<16xf32>
    %mul3A_858 = arith.mulf %sub3A_857, %sub3A_857 : vector<16xf32>
    %mul3A_859 = vector.broadcast %select_n3A_846 : f32 to vector<16xf32>
    %mul3A_860 = arith.mulf %mul3A_859, %mul3A_858 : vector<16xf32>
    %add3A_861 = arith.addf %add3A_834, %mul3A_860 : vector<16xf32>
    %mul3A_862 = arith.mulf %get3A_856, %get3A_856 : vector<16xf32>
    %sub3A_863 = arith.subf %get3A_851, %mul3A_862 : vector<16xf32>
    %mul3A_864 = vector.broadcast %select_n3A_846 : f32 to vector<16xf32>
    %mul3A_865 = arith.mulf %mul3A_864, %sub3A_863 : vector<16xf32>
    %add3A_866 = arith.addf %add3A_839, %mul3A_865 : vector<16xf32>
    %get3A_867 = arith.constant 5 : i32
    %get3A_868 = arith.index_cast %get3A_867 : i32 to index
    %get3A_869 = arith.constant 16 : index
    %get3A_870 = tpu.vector_load %arg8[%get3A_868, %get3A_869] {strides = array<i32>} : memref<16x128xf32, #tpu.memory_space<vmem>>, vector<1x16xf32>,
    %get3A_871 = vector.shape_cast %get3A_870 : vector<1x16xf32> to vector<16xf32>
    %get3A_872 = arith.constant 5 : i32
    %get3A_873 = arith.index_cast %get3A_872 : i32 to index
    %get3A_874 = arith.constant 16 : index
    %get3A_875 = tpu.vector_load %arg9[%get3A_873, %get3A_874] {strides = array<i32>} : memref<16x128xf32, #tpu.memory_space<vmem>>, vector<1x16xf32>,
    %get3A_876 = vector.shape_cast %get3A_875 : vector<1x16xf32> to vector<16xf32>
    %sub3A_877 = arith.subf %get3A_871, %get3A_876 : vector<16xf32>
    %mul3A_878 = arith.mulf %sub3A_877, %sub3A_877 : vector<16xf32>
    %mul3A_879 = vector.broadcast %select_n3A_846 : f32 to vector<16xf32>
    %mul3A_880 = arith.mulf %mul3A_879, %mul3A_878 : vector<16xf32>
    %add3A_881 = arith.addf %add3A_861, %mul3A_880 : vector<16xf32>
    %mul3A_882 = arith.mulf %get3A_876, %get3A_876 : vector<16xf32>
    %sub3A_883 = arith.subf %get3A_871, %mul3A_882 : vector<16xf32>
    %mul3A_884 = vector.broadcast %select_n3A_846 : f32 to vector<16xf32>
    %mul3A_885 = arith.mulf %mul3A_884, %sub3A_883 : vector<16xf32>
    %add3A_886 = arith.addf %add3A_866, %mul3A_885 : vector<16xf32>
    %get3A_887 = arith.constant 5 : i32
    %get3A_888 = arith.index_cast %get3A_887 : i32 to index
    %get3A_889 = arith.constant 32 : index
    %get3A_890 = tpu.vector_load %arg8[%get3A_888, %get3A_889] {strides = array<i32>} : memref<16x128xf32, #tpu.memory_space<vmem>>, vector<1x16xf32>,
    %get3A_891 = vector.shape_cast %get3A_890 : vector<1x16xf32> to vector<16xf32>
    %get3A_892 = arith.constant 5 : i32
    %get3A_893 = arith.index_cast %get3A_892 : i32 to index
    %get3A_894 = arith.constant 32 : index
    %get3A_895 = tpu.vector_load %arg9[%get3A_893, %get3A_894] {strides = array<i32>} : memref<16x128xf32, #tpu.memory_space<vmem>>, vector<1x16xf32>,
    %get3A_896 = vector.shape_cast %get3A_895 : vector<1x16xf32> to vector<16xf32>
    %sub3A_897 = arith.subf %get3A_891, %get3A_896 : vector<16xf32>
    %mul3A_898 = arith.mulf %sub3A_897, %sub3A_897 : vector<16xf32>
    %mul3A_899 = vector.broadcast %select_n3A_846 : f32 to vector<16xf32>
    %mul3A_900 = arith.mulf %mul3A_899, %mul3A_898 : vector<16xf32>
    %add3A_901 = arith.addf %add3A_881, %mul3A_900 : vector<16xf32>
    %mul3A_902 = arith.mulf %get3A_896, %get3A_896 : vector<16xf32>
    %sub3A_903 = arith.subf %get3A_891, %mul3A_902 : vector<16xf32>
    %mul3A_904 = vector.broadcast %select_n3A_846 : f32 to vector<16xf32>
    %mul3A_905 = arith.mulf %mul3A_904, %sub3A_903 : vector<16xf32>
    %add3A_906 = arith.addf %add3A_886, %mul3A_905 : vector<16xf32>
    %get3A_907 = arith.constant 5 : i32
    %get3A_908 = arith.index_cast %get3A_907 : i32 to index
    %get3A_909 = arith.constant 48 : index
    %get3A_910 = tpu.vector_load %arg8[%get3A_908, %get3A_909] {strides = array<i32>} : memref<16x128xf32, #tpu.memory_space<vmem>>, vector<1x16xf32>,
    %get3A_911 = vector.shape_cast %get3A_910 : vector<1x16xf32> to vector<16xf32>
    %get3A_912 = arith.constant 5 : i32
    %get3A_913 = arith.index_cast %get3A_912 : i32 to index
    %get3A_914 = arith.constant 48 : index
    %get3A_915 = tpu.vector_load %arg9[%get3A_913, %get3A_914] {strides = array<i32>} : memref<16x128xf32, #tpu.memory_space<vmem>>, vector<1x16xf32>,
    %get3A_916 = vector.shape_cast %get3A_915 : vector<1x16xf32> to vector<16xf32>
    %sub3A_917 = arith.subf %get3A_911, %get3A_916 : vector<16xf32>
    %mul3A_918 = arith.mulf %sub3A_917, %sub3A_917 : vector<16xf32>
    %mul3A_919 = vector.broadcast %select_n3A_846 : f32 to vector<16xf32>
    %mul3A_920 = arith.mulf %mul3A_919, %mul3A_918 : vector<16xf32>
    %add3A_921 = arith.addf %add3A_901, %mul3A_920 : vector<16xf32>
    %mul3A_922 = arith.mulf %get3A_916, %get3A_916 : vector<16xf32>
    %sub3A_923 = arith.subf %get3A_911, %mul3A_922 : vector<16xf32>
    %mul3A_924 = vector.broadcast %select_n3A_846 : f32 to vector<16xf32>
    %mul3A_925 = arith.mulf %mul3A_924, %sub3A_923 : vector<16xf32>
    %add3A_926 = arith.addf %add3A_906, %mul3A_925 : vector<16xf32>
    %get3A_927 = arith.constant 5 : i32
    %get3A_928 = arith.index_cast %get3A_927 : i32 to index
    %get3A_929 = arith.constant 64 : index
    %get3A_930 = tpu.vector_load %arg8[%get3A_928, %get3A_929] {strides = array<i32>} : memref<16x128xf32, #tpu.memory_space<vmem>>, vector<1x16xf32>,
    %get3A_931 = vector.shape_cast %get3A_930 : vector<1x16xf32> to vector<16xf32>
    %get3A_932 = arith.constant 5 : i32
    %get3A_933 = arith.index_cast %get3A_932 : i32 to index
    %get3A_934 = arith.constant 64 : index
    %get3A_935 = tpu.vector_load %arg9[%get3A_933, %get3A_934] {strides = array<i32>} : memref<16x128xf32, #tpu.memory_space<vmem>>, vector<1x16xf32>,
    %get3A_936 = vector.shape_cast %get3A_935 : vector<1x16xf32> to vector<16xf32>
    %sub3A_937 = arith.subf %get3A_931, %get3A_936 : vector<16xf32>
    %mul3A_938 = arith.mulf %sub3A_937, %sub3A_937 : vector<16xf32>
    %mul3A_939 = vector.broadcast %select_n3A_846 : f32 to vector<16xf32>
    %mul3A_940 = arith.mulf %mul3A_939, %mul3A_938 : vector<16xf32>
    %add3A_941 = arith.addf %add3A_921, %mul3A_940 : vector<16xf32>
    %mul3A_942 = arith.mulf %get3A_936, %get3A_936 : vector<16xf32>
    %sub3A_943 = arith.subf %get3A_931, %mul3A_942 : vector<16xf32>
    %mul3A_944 = vector.broadcast %select_n3A_846 : f32 to vector<16xf32>
    %mul3A_945 = arith.mulf %mul3A_944, %sub3A_943 : vector<16xf32>
    %add3A_946 = arith.addf %add3A_926, %mul3A_945 : vector<16xf32>
    %get3A_947 = arith.constant 5 : i32
    %get3A_948 = arith.index_cast %get3A_947 : i32 to index
    %get3A_949 = arith.constant 80 : index
    %get3A_950 = tpu.vector_load %arg8[%get3A_948, %get3A_949] {strides = array<i32>} : memref<16x128xf32, #tpu.memory_space<vmem>>, vector<1x16xf32>,
    %get3A_951 = vector.shape_cast %get3A_950 : vector<1x16xf32> to vector<16xf32>
    %get3A_952 = arith.constant 5 : i32
    %get3A_953 = arith.index_cast %get3A_952 : i32 to index
    %get3A_954 = arith.constant 80 : index
    %get3A_955 = tpu.vector_load %arg9[%get3A_953, %get3A_954] {strides = array<i32>} : memref<16x128xf32, #tpu.memory_space<vmem>>, vector<1x16xf32>,
    %get3A_956 = vector.shape_cast %get3A_955 : vector<1x16xf32> to vector<16xf32>
    %sub3A_957 = arith.subf %get3A_951, %get3A_956 : vector<16xf32>
    %mul3A_958 = arith.mulf %sub3A_957, %sub3A_957 : vector<16xf32>
    %mul3A_959 = vector.broadcast %select_n3A_846 : f32 to vector<16xf32>
    %mul3A_960 = arith.mulf %mul3A_959, %mul3A_958 : vector<16xf32>
    %add3A_961 = arith.addf %add3A_941, %mul3A_960 : vector<16xf32>
    %mul3A_962 = arith.mulf %get3A_956, %get3A_956 : vector<16xf32>
    %sub3A_963 = arith.subf %get3A_951, %mul3A_962 : vector<16xf32>
    %mul3A_964 = vector.broadcast %select_n3A_846 : f32 to vector<16xf32>
    %mul3A_965 = arith.mulf %mul3A_964, %sub3A_963 : vector<16xf32>
    %add3A_966 = arith.addf %add3A_946, %mul3A_965 : vector<16xf32>
    %get3A_967 = arith.constant 5 : i32
    %get3A_968 = arith.index_cast %get3A_967 : i32 to index
    %get3A_969 = arith.constant 96 : index
    %get3A_970 = tpu.vector_load %arg8[%get3A_968, %get3A_969] {strides = array<i32>} : memref<16x128xf32, #tpu.memory_space<vmem>>, vector<1x16xf32>,
    %get3A_971 = vector.shape_cast %get3A_970 : vector<1x16xf32> to vector<16xf32>
    %get3A_972 = arith.constant 5 : i32
    %get3A_973 = arith.index_cast %get3A_972 : i32 to index
    %get3A_974 = arith.constant 96 : index
    %get3A_975 = tpu.vector_load %arg9[%get3A_973, %get3A_974] {strides = array<i32>} : memref<16x128xf32, #tpu.memory_space<vmem>>, vector<1x16xf32>,
    %get3A_976 = vector.shape_cast %get3A_975 : vector<1x16xf32> to vector<16xf32>
    %sub3A_977 = arith.subf %get3A_971, %get3A_976 : vector<16xf32>
    %mul3A_978 = arith.mulf %sub3A_977, %sub3A_977 : vector<16xf32>
    %mul3A_979 = vector.broadcast %select_n3A_846 : f32 to vector<16xf32>
    %mul3A_980 = arith.mulf %mul3A_979, %mul3A_978 : vector<16xf32>
    %add3A_981 = arith.addf %add3A_961, %mul3A_980 : vector<16xf32>
    %mul3A_982 = arith.mulf %get3A_976, %get3A_976 : vector<16xf32>
    %sub3A_983 = arith.subf %get3A_971, %mul3A_982 : vector<16xf32>
    %mul3A_984 = vector.broadcast %select_n3A_846 : f32 to vector<16xf32>
    %mul3A_985 = arith.mulf %mul3A_984, %sub3A_983 : vector<16xf32>
    %add3A_986 = arith.addf %add3A_966, %mul3A_985 : vector<16xf32>
    %get3A_987 = arith.constant 5 : i32
    %get3A_988 = arith.index_cast %get3A_987 : i32 to index
    %get3A_989 = arith.constant 112 : index
    %get3A_990 = tpu.vector_load %arg8[%get3A_988, %get3A_989] {strides = array<i32>} : memref<16x128xf32, #tpu.memory_space<vmem>>, vector<1x16xf32>,
    %get3A_991 = vector.shape_cast %get3A_990 : vector<1x16xf32> to vector<16xf32>
    %get3A_992 = arith.constant 5 : i32
    %get3A_993 = arith.index_cast %get3A_992 : i32 to index
    %get3A_994 = arith.constant 112 : index
    %get3A_995 = tpu.vector_load %arg9[%get3A_993, %get3A_994] {strides = array<i32>} : memref<16x128xf32, #tpu.memory_space<vmem>>, vector<1x16xf32>,
    %get3A_996 = vector.shape_cast %get3A_995 : vector<1x16xf32> to vector<16xf32>
    %sub3A_997 = arith.subf %get3A_991, %get3A_996 : vector<16xf32>
    %mul3A_998 = arith.mulf %sub3A_997, %sub3A_997 : vector<16xf32>
    %mul3A_999 = vector.broadcast %select_n3A_846 : f32 to vector<16xf32>
    %mul3A_1000 = arith.mulf %mul3A_999, %mul3A_998 : vector<16xf32>
    %add3A_1001 = arith.addf %add3A_981, %mul3A_1000 : vector<16xf32>
    %mul3A_1002 = arith.mulf %get3A_996, %get3A_996 : vector<16xf32>
    %sub3A_1003 = arith.subf %get3A_991, %mul3A_1002 : vector<16xf32>
    %mul3A_1004 = vector.broadcast %select_n3A_846 : f32 to vector<16xf32>
    %mul3A_1005 = arith.mulf %mul3A_1004, %sub3A_1003 : vector<16xf32>
    %add3A_1006 = arith.addf %add3A_986, %mul3A_1005 : vector<16xf32>
    %add3A_1007 = arith.constant 6 : i32
    %add3A_1008 = arith.addi %mul3A_2, %add3A_1007 : i32
    %lt3A_1009 = arith.constant 392 : i32
    %lt3A_1010 = arith.cmpi slt, %add3A_1008, %lt3A_1009 : i32
    %jit3A_1011 = arith.constant 1.000000e+00 : f32
    %jit3A_1012 = arith.constant 0.000000e+00 : f32
    %select_n3A_1013 = arith.select %lt3A_1010, %jit3A_1011, %jit3A_1012 : f32
    %get3A_1014 = arith.constant 6 : i32
    %get3A_1015 = arith.index_cast %get3A_1014 : i32 to index
    %get3A_1016 = arith.constant 0 : index
    %get3A_1017 = tpu.vector_load %arg8[%get3A_1015, %get3A_1016] {strides = array<i32>} : memref<16x128xf32, #tpu.memory_space<vmem>>, vector<1x16xf32>,
    %get3A_1018 = vector.shape_cast %get3A_1017 : vector<1x16xf32> to vector<16xf32>
    %get3A_1019 = arith.constant 6 : i32
    %get3A_1020 = arith.index_cast %get3A_1019 : i32 to index
    %get3A_1021 = arith.constant 0 : index
    %get3A_1022 = tpu.vector_load %arg9[%get3A_1020, %get3A_1021] {strides = array<i32>} : memref<16x128xf32, #tpu.memory_space<vmem>>, vector<1x16xf32>,
    %get3A_1023 = vector.shape_cast %get3A_1022 : vector<1x16xf32> to vector<16xf32>
    %sub3A_1024 = arith.subf %get3A_1018, %get3A_1023 : vector<16xf32>
    %mul3A_1025 = arith.mulf %sub3A_1024, %sub3A_1024 : vector<16xf32>
    %mul3A_1026 = vector.broadcast %select_n3A_1013 : f32 to vector<16xf32>
    %mul3A_1027 = arith.mulf %mul3A_1026, %mul3A_1025 : vector<16xf32>
    %add3A_1028 = arith.addf %add3A_1001, %mul3A_1027 : vector<16xf32>
    %mul3A_1029 = arith.mulf %get3A_1023, %get3A_1023 : vector<16xf32>
    %sub3A_1030 = arith.subf %get3A_1018, %mul3A_1029 : vector<16xf32>
    %mul3A_1031 = vector.broadcast %select_n3A_1013 : f32 to vector<16xf32>
    %mul3A_1032 = arith.mulf %mul3A_1031, %sub3A_1030 : vector<16xf32>
    %add3A_1033 = arith.addf %add3A_1006, %mul3A_1032 : vector<16xf32>
    %get3A_1034 = arith.constant 6 : i32
    %get3A_1035 = arith.index_cast %get3A_1034 : i32 to index
    %get3A_1036 = arith.constant 16 : index
    %get3A_1037 = tpu.vector_load %arg8[%get3A_1035, %get3A_1036] {strides = array<i32>} : memref<16x128xf32, #tpu.memory_space<vmem>>, vector<1x16xf32>,
    %get3A_1038 = vector.shape_cast %get3A_1037 : vector<1x16xf32> to vector<16xf32>
    %get3A_1039 = arith.constant 6 : i32
    %get3A_1040 = arith.index_cast %get3A_1039 : i32 to index
    %get3A_1041 = arith.constant 16 : index
    %get3A_1042 = tpu.vector_load %arg9[%get3A_1040, %get3A_1041] {strides = array<i32>} : memref<16x128xf32, #tpu.memory_space<vmem>>, vector<1x16xf32>,
    %get3A_1043 = vector.shape_cast %get3A_1042 : vector<1x16xf32> to vector<16xf32>
    %sub3A_1044 = arith.subf %get3A_1038, %get3A_1043 : vector<16xf32>
    %mul3A_1045 = arith.mulf %sub3A_1044, %sub3A_1044 : vector<16xf32>
    %mul3A_1046 = vector.broadcast %select_n3A_1013 : f32 to vector<16xf32>
    %mul3A_1047 = arith.mulf %mul3A_1046, %mul3A_1045 : vector<16xf32>
    %add3A_1048 = arith.addf %add3A_1028, %mul3A_1047 : vector<16xf32>
    %mul3A_1049 = arith.mulf %get3A_1043, %get3A_1043 : vector<16xf32>
    %sub3A_1050 = arith.subf %get3A_1038, %mul3A_1049 : vector<16xf32>
    %mul3A_1051 = vector.broadcast %select_n3A_1013 : f32 to vector<16xf32>
    %mul3A_1052 = arith.mulf %mul3A_1051, %sub3A_1050 : vector<16xf32>
    %add3A_1053 = arith.addf %add3A_1033, %mul3A_1052 : vector<16xf32>
    %get3A_1054 = arith.constant 6 : i32
    %get3A_1055 = arith.index_cast %get3A_1054 : i32 to index
    %get3A_1056 = arith.constant 32 : index
    %get3A_1057 = tpu.vector_load %arg8[%get3A_1055, %get3A_1056] {strides = array<i32>} : memref<16x128xf32, #tpu.memory_space<vmem>>, vector<1x16xf32>,
    %get3A_1058 = vector.shape_cast %get3A_1057 : vector<1x16xf32> to vector<16xf32>
    %get3A_1059 = arith.constant 6 : i32
    %get3A_1060 = arith.index_cast %get3A_1059 : i32 to index
    %get3A_1061 = arith.constant 32 : index
    %get3A_1062 = tpu.vector_load %arg9[%get3A_1060, %get3A_1061] {strides = array<i32>} : memref<16x128xf32, #tpu.memory_space<vmem>>, vector<1x16xf32>,
    %get3A_1063 = vector.shape_cast %get3A_1062 : vector<1x16xf32> to vector<16xf32>
    %sub3A_1064 = arith.subf %get3A_1058, %get3A_1063 : vector<16xf32>
    %mul3A_1065 = arith.mulf %sub3A_1064, %sub3A_1064 : vector<16xf32>
    %mul3A_1066 = vector.broadcast %select_n3A_1013 : f32 to vector<16xf32>
    %mul3A_1067 = arith.mulf %mul3A_1066, %mul3A_1065 : vector<16xf32>
    %add3A_1068 = arith.addf %add3A_1048, %mul3A_1067 : vector<16xf32>
    %mul3A_1069 = arith.mulf %get3A_1063, %get3A_1063 : vector<16xf32>
    %sub3A_1070 = arith.subf %get3A_1058, %mul3A_1069 : vector<16xf32>
    %mul3A_1071 = vector.broadcast %select_n3A_1013 : f32 to vector<16xf32>
    %mul3A_1072 = arith.mulf %mul3A_1071, %sub3A_1070 : vector<16xf32>
    %add3A_1073 = arith.addf %add3A_1053, %mul3A_1072 : vector<16xf32>
    %get3A_1074 = arith.constant 6 : i32
    %get3A_1075 = arith.index_cast %get3A_1074 : i32 to index
    %get3A_1076 = arith.constant 48 : index
    %get3A_1077 = tpu.vector_load %arg8[%get3A_1075, %get3A_1076] {strides = array<i32>} : memref<16x128xf32, #tpu.memory_space<vmem>>, vector<1x16xf32>,
    %get3A_1078 = vector.shape_cast %get3A_1077 : vector<1x16xf32> to vector<16xf32>
    %get3A_1079 = arith.constant 6 : i32
    %get3A_1080 = arith.index_cast %get3A_1079 : i32 to index
    %get3A_1081 = arith.constant 48 : index
    %get3A_1082 = tpu.vector_load %arg9[%get3A_1080, %get3A_1081] {strides = array<i32>} : memref<16x128xf32, #tpu.memory_space<vmem>>, vector<1x16xf32>,
    %get3A_1083 = vector.shape_cast %get3A_1082 : vector<1x16xf32> to vector<16xf32>
    %sub3A_1084 = arith.subf %get3A_1078, %get3A_1083 : vector<16xf32>
    %mul3A_1085 = arith.mulf %sub3A_1084, %sub3A_1084 : vector<16xf32>
    %mul3A_1086 = vector.broadcast %select_n3A_1013 : f32 to vector<16xf32>
    %mul3A_1087 = arith.mulf %mul3A_1086, %mul3A_1085 : vector<16xf32>
    %add3A_1088 = arith.addf %add3A_1068, %mul3A_1087 : vector<16xf32>
    %mul3A_1089 = arith.mulf %get3A_1083, %get3A_1083 : vector<16xf32>
    %sub3A_1090 = arith.subf %get3A_1078, %mul3A_1089 : vector<16xf32>
    %mul3A_1091 = vector.broadcast %select_n3A_1013 : f32 to vector<16xf32>
    %mul3A_1092 = arith.mulf %mul3A_1091, %sub3A_1090 : vector<16xf32>
    %add3A_1093 = arith.addf %add3A_1073, %mul3A_1092 : vector<16xf32>
    %get3A_1094 = arith.constant 6 : i32
    %get3A_1095 = arith.index_cast %get3A_1094 : i32 to index
    %get3A_1096 = arith.constant 64 : index
    %get3A_1097 = tpu.vector_load %arg8[%get3A_1095, %get3A_1096] {strides = array<i32>} : memref<16x128xf32, #tpu.memory_space<vmem>>, vector<1x16xf32>,
    %get3A_1098 = vector.shape_cast %get3A_1097 : vector<1x16xf32> to vector<16xf32>
    %get3A_1099 = arith.constant 6 : i32
    %get3A_1100 = arith.index_cast %get3A_1099 : i32 to index
    %get3A_1101 = arith.constant 64 : index
    %get3A_1102 = tpu.vector_load %arg9[%get3A_1100, %get3A_1101] {strides = array<i32>} : memref<16x128xf32, #tpu.memory_space<vmem>>, vector<1x16xf32>,
    %get3A_1103 = vector.shape_cast %get3A_1102 : vector<1x16xf32> to vector<16xf32>
    %sub3A_1104 = arith.subf %get3A_1098, %get3A_1103 : vector<16xf32>
    %mul3A_1105 = arith.mulf %sub3A_1104, %sub3A_1104 : vector<16xf32>
    %mul3A_1106 = vector.broadcast %select_n3A_1013 : f32 to vector<16xf32>
    %mul3A_1107 = arith.mulf %mul3A_1106, %mul3A_1105 : vector<16xf32>
    %add3A_1108 = arith.addf %add3A_1088, %mul3A_1107 : vector<16xf32>
    %mul3A_1109 = arith.mulf %get3A_1103, %get3A_1103 : vector<16xf32>
    %sub3A_1110 = arith.subf %get3A_1098, %mul3A_1109 : vector<16xf32>
    %mul3A_1111 = vector.broadcast %select_n3A_1013 : f32 to vector<16xf32>
    %mul3A_1112 = arith.mulf %mul3A_1111, %sub3A_1110 : vector<16xf32>
    %add3A_1113 = arith.addf %add3A_1093, %mul3A_1112 : vector<16xf32>
    %get3A_1114 = arith.constant 6 : i32
    %get3A_1115 = arith.index_cast %get3A_1114 : i32 to index
    %get3A_1116 = arith.constant 80 : index
    %get3A_1117 = tpu.vector_load %arg8[%get3A_1115, %get3A_1116] {strides = array<i32>} : memref<16x128xf32, #tpu.memory_space<vmem>>, vector<1x16xf32>,
    %get3A_1118 = vector.shape_cast %get3A_1117 : vector<1x16xf32> to vector<16xf32>
    %get3A_1119 = arith.constant 6 : i32
    %get3A_1120 = arith.index_cast %get3A_1119 : i32 to index
    %get3A_1121 = arith.constant 80 : index
    %get3A_1122 = tpu.vector_load %arg9[%get3A_1120, %get3A_1121] {strides = array<i32>} : memref<16x128xf32, #tpu.memory_space<vmem>>, vector<1x16xf32>,
    %get3A_1123 = vector.shape_cast %get3A_1122 : vector<1x16xf32> to vector<16xf32>
    %sub3A_1124 = arith.subf %get3A_1118, %get3A_1123 : vector<16xf32>
    %mul3A_1125 = arith.mulf %sub3A_1124, %sub3A_1124 : vector<16xf32>
    %mul3A_1126 = vector.broadcast %select_n3A_1013 : f32 to vector<16xf32>
    %mul3A_1127 = arith.mulf %mul3A_1126, %mul3A_1125 : vector<16xf32>
    %add3A_1128 = arith.addf %add3A_1108, %mul3A_1127 : vector<16xf32>
    %mul3A_1129 = arith.mulf %get3A_1123, %get3A_1123 : vector<16xf32>
    %sub3A_1130 = arith.subf %get3A_1118, %mul3A_1129 : vector<16xf32>
    %mul3A_1131 = vector.broadcast %select_n3A_1013 : f32 to vector<16xf32>
    %mul3A_1132 = arith.mulf %mul3A_1131, %sub3A_1130 : vector<16xf32>
    %add3A_1133 = arith.addf %add3A_1113, %mul3A_1132 : vector<16xf32>
    %get3A_1134 = arith.constant 6 : i32
    %get3A_1135 = arith.index_cast %get3A_1134 : i32 to index
    %get3A_1136 = arith.constant 96 : index
    %get3A_1137 = tpu.vector_load %arg8[%get3A_1135, %get3A_1136] {strides = array<i32>} : memref<16x128xf32, #tpu.memory_space<vmem>>, vector<1x16xf32>,
    %get3A_1138 = vector.shape_cast %get3A_1137 : vector<1x16xf32> to vector<16xf32>
    %get3A_1139 = arith.constant 6 : i32
    %get3A_1140 = arith.index_cast %get3A_1139 : i32 to index
    %get3A_1141 = arith.constant 96 : index
    %get3A_1142 = tpu.vector_load %arg9[%get3A_1140, %get3A_1141] {strides = array<i32>} : memref<16x128xf32, #tpu.memory_space<vmem>>, vector<1x16xf32>,
    %get3A_1143 = vector.shape_cast %get3A_1142 : vector<1x16xf32> to vector<16xf32>
    %sub3A_1144 = arith.subf %get3A_1138, %get3A_1143 : vector<16xf32>
    %mul3A_1145 = arith.mulf %sub3A_1144, %sub3A_1144 : vector<16xf32>
    %mul3A_1146 = vector.broadcast %select_n3A_1013 : f32 to vector<16xf32>
    %mul3A_1147 = arith.mulf %mul3A_1146, %mul3A_1145 : vector<16xf32>
    %add3A_1148 = arith.addf %add3A_1128, %mul3A_1147 : vector<16xf32>
    %mul3A_1149 = arith.mulf %get3A_1143, %get3A_1143 : vector<16xf32>
    %sub3A_1150 = arith.subf %get3A_1138, %mul3A_1149 : vector<16xf32>
    %mul3A_1151 = vector.broadcast %select_n3A_1013 : f32 to vector<16xf32>
    %mul3A_1152 = arith.mulf %mul3A_1151, %sub3A_1150 : vector<16xf32>
    %add3A_1153 = arith.addf %add3A_1133, %mul3A_1152 : vector<16xf32>
    %get3A_1154 = arith.constant 6 : i32
    %get3A_1155 = arith.index_cast %get3A_1154 : i32 to index
    %get3A_1156 = arith.constant 112 : index
    %get3A_1157 = tpu.vector_load %arg8[%get3A_1155, %get3A_1156] {strides = array<i32>} : memref<16x128xf32, #tpu.memory_space<vmem>>, vector<1x16xf32>,
    %get3A_1158 = vector.shape_cast %get3A_1157 : vector<1x16xf32> to vector<16xf32>
    %get3A_1159 = arith.constant 6 : i32
    %get3A_1160 = arith.index_cast %get3A_1159 : i32 to index
    %get3A_1161 = arith.constant 112 : index
    %get3A_1162 = tpu.vector_load %arg9[%get3A_1160, %get3A_1161] {strides = array<i32>} : memref<16x128xf32, #tpu.memory_space<vmem>>, vector<1x16xf32>,
    %get3A_1163 = vector.shape_cast %get3A_1162 : vector<1x16xf32> to vector<16xf32>
    %sub3A_1164 = arith.subf %get3A_1158, %get3A_1163 : vector<16xf32>
    %mul3A_1165 = arith.mulf %sub3A_1164, %sub3A_1164 : vector<16xf32>
    %mul3A_1166 = vector.broadcast %select_n3A_1013 : f32 to vector<16xf32>
    %mul3A_1167 = arith.mulf %mul3A_1166, %mul3A_1165 : vector<16xf32>
    %add3A_1168 = arith.addf %add3A_1148, %mul3A_1167 : vector<16xf32>
    %mul3A_1169 = arith.mulf %get3A_1163, %get3A_1163 : vector<16xf32>
    %sub3A_1170 = arith.subf %get3A_1158, %mul3A_1169 : vector<16xf32>
    %mul3A_1171 = vector.broadcast %select_n3A_1013 : f32 to vector<16xf32>
    %mul3A_1172 = arith.mulf %mul3A_1171, %sub3A_1170 : vector<16xf32>
    %add3A_1173 = arith.addf %add3A_1153, %mul3A_1172 : vector<16xf32>
    %add3A_1174 = arith.constant 7 : i32
    %add3A_1175 = arith.addi %mul3A_2, %add3A_1174 : i32
    %lt3A_1176 = arith.constant 392 : i32
    %lt3A_1177 = arith.cmpi slt, %add3A_1175, %lt3A_1176 : i32
    %jit3A_1178 = arith.constant 1.000000e+00 : f32
    %jit3A_1179 = arith.constant 0.000000e+00 : f32
    %select_n3A_1180 = arith.select %lt3A_1177, %jit3A_1178, %jit3A_1179 : f32
    %get3A_1181 = arith.constant 7 : i32
    %get3A_1182 = arith.index_cast %get3A_1181 : i32 to index
    %get3A_1183 = arith.constant 0 : index
    %get3A_1184 = tpu.vector_load %arg8[%get3A_1182, %get3A_1183] {strides = array<i32>} : memref<16x128xf32, #tpu.memory_space<vmem>>, vector<1x16xf32>,
    %get3A_1185 = vector.shape_cast %get3A_1184 : vector<1x16xf32> to vector<16xf32>
    %get3A_1186 = arith.constant 7 : i32
    %get3A_1187 = arith.index_cast %get3A_1186 : i32 to index
    %get3A_1188 = arith.constant 0 : index
    %get3A_1189 = tpu.vector_load %arg9[%get3A_1187, %get3A_1188] {strides = array<i32>} : memref<16x128xf32, #tpu.memory_space<vmem>>, vector<1x16xf32>,
    %get3A_1190 = vector.shape_cast %get3A_1189 : vector<1x16xf32> to vector<16xf32>
    %sub3A_1191 = arith.subf %get3A_1185, %get3A_1190 : vector<16xf32>
    %mul3A_1192 = arith.mulf %sub3A_1191, %sub3A_1191 : vector<16xf32>
    %mul3A_1193 = vector.broadcast %select_n3A_1180 : f32 to vector<16xf32>
    %mul3A_1194 = arith.mulf %mul3A_1193, %mul3A_1192 : vector<16xf32>
    %add3A_1195 = arith.addf %add3A_1168, %mul3A_1194 : vector<16xf32>
    %mul3A_1196 = arith.mulf %get3A_1190, %get3A_1190 : vector<16xf32>
    %sub3A_1197 = arith.subf %get3A_1185, %mul3A_1196 : vector<16xf32>
    %mul3A_1198 = vector.broadcast %select_n3A_1180 : f32 to vector<16xf32>
    %mul3A_1199 = arith.mulf %mul3A_1198, %sub3A_1197 : vector<16xf32>
    %add3A_1200 = arith.addf %add3A_1173, %mul3A_1199 : vector<16xf32>
    %get3A_1201 = arith.constant 7 : i32
    %get3A_1202 = arith.index_cast %get3A_1201 : i32 to index
    %get3A_1203 = arith.constant 16 : index
    %get3A_1204 = tpu.vector_load %arg8[%get3A_1202, %get3A_1203] {strides = array<i32>} : memref<16x128xf32, #tpu.memory_space<vmem>>, vector<1x16xf32>,
    %get3A_1205 = vector.shape_cast %get3A_1204 : vector<1x16xf32> to vector<16xf32>
    %get3A_1206 = arith.constant 7 : i32
    %get3A_1207 = arith.index_cast %get3A_1206 : i32 to index
    %get3A_1208 = arith.constant 16 : index
    %get3A_1209 = tpu.vector_load %arg9[%get3A_1207, %get3A_1208] {strides = array<i32>} : memref<16x128xf32, #tpu.memory_space<vmem>>, vector<1x16xf32>,
    %get3A_1210 = vector.shape_cast %get3A_1209 : vector<1x16xf32> to vector<16xf32>
    %sub3A_1211 = arith.subf %get3A_1205, %get3A_1210 : vector<16xf32>
    %mul3A_1212 = arith.mulf %sub3A_1211, %sub3A_1211 : vector<16xf32>
    %mul3A_1213 = vector.broadcast %select_n3A_1180 : f32 to vector<16xf32>
    %mul3A_1214 = arith.mulf %mul3A_1213, %mul3A_1212 : vector<16xf32>
    %add3A_1215 = arith.addf %add3A_1195, %mul3A_1214 : vector<16xf32>
    %mul3A_1216 = arith.mulf %get3A_1210, %get3A_1210 : vector<16xf32>
    %sub3A_1217 = arith.subf %get3A_1205, %mul3A_1216 : vector<16xf32>
    %mul3A_1218 = vector.broadcast %select_n3A_1180 : f32 to vector<16xf32>
    %mul3A_1219 = arith.mulf %mul3A_1218, %sub3A_1217 : vector<16xf32>
    %add3A_1220 = arith.addf %add3A_1200, %mul3A_1219 : vector<16xf32>
    %get3A_1221 = arith.constant 7 : i32
    %get3A_1222 = arith.index_cast %get3A_1221 : i32 to index
    %get3A_1223 = arith.constant 32 : index
    %get3A_1224 = tpu.vector_load %arg8[%get3A_1222, %get3A_1223] {strides = array<i32>} : memref<16x128xf32, #tpu.memory_space<vmem>>, vector<1x16xf32>,
    %get3A_1225 = vector.shape_cast %get3A_1224 : vector<1x16xf32> to vector<16xf32>
    %get3A_1226 = arith.constant 7 : i32
    %get3A_1227 = arith.index_cast %get3A_1226 : i32 to index
    %get3A_1228 = arith.constant 32 : index
    %get3A_1229 = tpu.vector_load %arg9[%get3A_1227, %get3A_1228] {strides = array<i32>} : memref<16x128xf32, #tpu.memory_space<vmem>>, vector<1x16xf32>,
    %get3A_1230 = vector.shape_cast %get3A_1229 : vector<1x16xf32> to vector<16xf32>
    %sub3A_1231 = arith.subf %get3A_1225, %get3A_1230 : vector<16xf32>
    %mul3A_1232 = arith.mulf %sub3A_1231, %sub3A_1231 : vector<16xf32>
    %mul3A_1233 = vector.broadcast %select_n3A_1180 : f32 to vector<16xf32>
    %mul3A_1234 = arith.mulf %mul3A_1233, %mul3A_1232 : vector<16xf32>
    %add3A_1235 = arith.addf %add3A_1215, %mul3A_1234 : vector<16xf32>
    %mul3A_1236 = arith.mulf %get3A_1230, %get3A_1230 : vector<16xf32>
    %sub3A_1237 = arith.subf %get3A_1225, %mul3A_1236 : vector<16xf32>
    %mul3A_1238 = vector.broadcast %select_n3A_1180 : f32 to vector<16xf32>
    %mul3A_1239 = arith.mulf %mul3A_1238, %sub3A_1237 : vector<16xf32>
    %add3A_1240 = arith.addf %add3A_1220, %mul3A_1239 : vector<16xf32>
    %get3A_1241 = arith.constant 7 : i32
    %get3A_1242 = arith.index_cast %get3A_1241 : i32 to index
    %get3A_1243 = arith.constant 48 : index
    %get3A_1244 = tpu.vector_load %arg8[%get3A_1242, %get3A_1243] {strides = array<i32>} : memref<16x128xf32, #tpu.memory_space<vmem>>, vector<1x16xf32>,
    %get3A_1245 = vector.shape_cast %get3A_1244 : vector<1x16xf32> to vector<16xf32>
    %get3A_1246 = arith.constant 7 : i32
    %get3A_1247 = arith.index_cast %get3A_1246 : i32 to index
    %get3A_1248 = arith.constant 48 : index
    %get3A_1249 = tpu.vector_load %arg9[%get3A_1247, %get3A_1248] {strides = array<i32>} : memref<16x128xf32, #tpu.memory_space<vmem>>, vector<1x16xf32>,
    %get3A_1250 = vector.shape_cast %get3A_1249 : vector<1x16xf32> to vector<16xf32>
    %sub3A_1251 = arith.subf %get3A_1245, %get3A_1250 : vector<16xf32>
    %mul3A_1252 = arith.mulf %sub3A_1251, %sub3A_1251 : vector<16xf32>
    %mul3A_1253 = vector.broadcast %select_n3A_1180 : f32 to vector<16xf32>
    %mul3A_1254 = arith.mulf %mul3A_1253, %mul3A_1252 : vector<16xf32>
    %add3A_1255 = arith.addf %add3A_1235, %mul3A_1254 : vector<16xf32>
    %mul3A_1256 = arith.mulf %get3A_1250, %get3A_1250 : vector<16xf32>
    %sub3A_1257 = arith.subf %get3A_1245, %mul3A_1256 : vector<16xf32>
    %mul3A_1258 = vector.broadcast %select_n3A_1180 : f32 to vector<16xf32>
    %mul3A_1259 = arith.mulf %mul3A_1258, %sub3A_1257 : vector<16xf32>
    %add3A_1260 = arith.addf %add3A_1240, %mul3A_1259 : vector<16xf32>
    %get3A_1261 = arith.constant 7 : i32
    %get3A_1262 = arith.index_cast %get3A_1261 : i32 to index
    %get3A_1263 = arith.constant 64 : index
    %get3A_1264 = tpu.vector_load %arg8[%get3A_1262, %get3A_1263] {strides = array<i32>} : memref<16x128xf32, #tpu.memory_space<vmem>>, vector<1x16xf32>,
    %get3A_1265 = vector.shape_cast %get3A_1264 : vector<1x16xf32> to vector<16xf32>
    %get3A_1266 = arith.constant 7 : i32
    %get3A_1267 = arith.index_cast %get3A_1266 : i32 to index
    %get3A_1268 = arith.constant 64 : index
    %get3A_1269 = tpu.vector_load %arg9[%get3A_1267, %get3A_1268] {strides = array<i32>} : memref<16x128xf32, #tpu.memory_space<vmem>>, vector<1x16xf32>,
    %get3A_1270 = vector.shape_cast %get3A_1269 : vector<1x16xf32> to vector<16xf32>
    %sub3A_1271 = arith.subf %get3A_1265, %get3A_1270 : vector<16xf32>
    %mul3A_1272 = arith.mulf %sub3A_1271, %sub3A_1271 : vector<16xf32>
    %mul3A_1273 = vector.broadcast %select_n3A_1180 : f32 to vector<16xf32>
    %mul3A_1274 = arith.mulf %mul3A_1273, %mul3A_1272 : vector<16xf32>
    %add3A_1275 = arith.addf %add3A_1255, %mul3A_1274 : vector<16xf32>
    %mul3A_1276 = arith.mulf %get3A_1270, %get3A_1270 : vector<16xf32>
    %sub3A_1277 = arith.subf %get3A_1265, %mul3A_1276 : vector<16xf32>
    %mul3A_1278 = vector.broadcast %select_n3A_1180 : f32 to vector<16xf32>
    %mul3A_1279 = arith.mulf %mul3A_1278, %sub3A_1277 : vector<16xf32>
    %add3A_1280 = arith.addf %add3A_1260, %mul3A_1279 : vector<16xf32>
    %get3A_1281 = arith.constant 7 : i32
    %get3A_1282 = arith.index_cast %get3A_1281 : i32 to index
    %get3A_1283 = arith.constant 80 : index
    %get3A_1284 = tpu.vector_load %arg8[%get3A_1282, %get3A_1283] {strides = array<i32>} : memref<16x128xf32, #tpu.memory_space<vmem>>, vector<1x16xf32>,
    %get3A_1285 = vector.shape_cast %get3A_1284 : vector<1x16xf32> to vector<16xf32>
    %get3A_1286 = arith.constant 7 : i32
    %get3A_1287 = arith.index_cast %get3A_1286 : i32 to index
    %get3A_1288 = arith.constant 80 : index
    %get3A_1289 = tpu.vector_load %arg9[%get3A_1287, %get3A_1288] {strides = array<i32>} : memref<16x128xf32, #tpu.memory_space<vmem>>, vector<1x16xf32>,
    %get3A_1290 = vector.shape_cast %get3A_1289 : vector<1x16xf32> to vector<16xf32>
    %sub3A_1291 = arith.subf %get3A_1285, %get3A_1290 : vector<16xf32>
    %mul3A_1292 = arith.mulf %sub3A_1291, %sub3A_1291 : vector<16xf32>
    %mul3A_1293 = vector.broadcast %select_n3A_1180 : f32 to vector<16xf32>
    %mul3A_1294 = arith.mulf %mul3A_1293, %mul3A_1292 : vector<16xf32>
    %add3A_1295 = arith.addf %add3A_1275, %mul3A_1294 : vector<16xf32>
    %mul3A_1296 = arith.mulf %get3A_1290, %get3A_1290 : vector<16xf32>
    %sub3A_1297 = arith.subf %get3A_1285, %mul3A_1296 : vector<16xf32>
    %mul3A_1298 = vector.broadcast %select_n3A_1180 : f32 to vector<16xf32>
    %mul3A_1299 = arith.mulf %mul3A_1298, %sub3A_1297 : vector<16xf32>
    %add3A_1300 = arith.addf %add3A_1280, %mul3A_1299 : vector<16xf32>
    %get3A_1301 = arith.constant 7 : i32
    %get3A_1302 = arith.index_cast %get3A_1301 : i32 to index
    %get3A_1303 = arith.constant 96 : index
    %get3A_1304 = tpu.vector_load %arg8[%get3A_1302, %get3A_1303] {strides = array<i32>} : memref<16x128xf32, #tpu.memory_space<vmem>>, vector<1x16xf32>,
    %get3A_1305 = vector.shape_cast %get3A_1304 : vector<1x16xf32> to vector<16xf32>
    %get3A_1306 = arith.constant 7 : i32
    %get3A_1307 = arith.index_cast %get3A_1306 : i32 to index
    %get3A_1308 = arith.constant 96 : index
    %get3A_1309 = tpu.vector_load %arg9[%get3A_1307, %get3A_1308] {strides = array<i32>} : memref<16x128xf32, #tpu.memory_space<vmem>>, vector<1x16xf32>,
    %get3A_1310 = vector.shape_cast %get3A_1309 : vector<1x16xf32> to vector<16xf32>
    %sub3A_1311 = arith.subf %get3A_1305, %get3A_1310 : vector<16xf32>
    %mul3A_1312 = arith.mulf %sub3A_1311, %sub3A_1311 : vector<16xf32>
    %mul3A_1313 = vector.broadcast %select_n3A_1180 : f32 to vector<16xf32>
    %mul3A_1314 = arith.mulf %mul3A_1313, %mul3A_1312 : vector<16xf32>
    %add3A_1315 = arith.addf %add3A_1295, %mul3A_1314 : vector<16xf32>
    %mul3A_1316 = arith.mulf %get3A_1310, %get3A_1310 : vector<16xf32>
    %sub3A_1317 = arith.subf %get3A_1305, %mul3A_1316 : vector<16xf32>
    %mul3A_1318 = vector.broadcast %select_n3A_1180 : f32 to vector<16xf32>
    %mul3A_1319 = arith.mulf %mul3A_1318, %sub3A_1317 : vector<16xf32>
    %add3A_1320 = arith.addf %add3A_1300, %mul3A_1319 : vector<16xf32>
    %get3A_1321 = arith.constant 7 : i32
    %get3A_1322 = arith.index_cast %get3A_1321 : i32 to index
    %get3A_1323 = arith.constant 112 : index
    %get3A_1324 = tpu.vector_load %arg8[%get3A_1322, %get3A_1323] {strides = array<i32>} : memref<16x128xf32, #tpu.memory_space<vmem>>, vector<1x16xf32>,
    %get3A_1325 = vector.shape_cast %get3A_1324 : vector<1x16xf32> to vector<16xf32>
    %get3A_1326 = arith.constant 7 : i32
    %get3A_1327 = arith.index_cast %get3A_1326 : i32 to index
    %get3A_1328 = arith.constant 112 : index
    %get3A_1329 = tpu.vector_load %arg9[%get3A_1327, %get3A_1328] {strides = array<i32>} : memref<16x128xf32, #tpu.memory_space<vmem>>, vector<1x16xf32>,
    %get3A_1330 = vector.shape_cast %get3A_1329 : vector<1x16xf32> to vector<16xf32>
    %sub3A_1331 = arith.subf %get3A_1325, %get3A_1330 : vector<16xf32>
    %mul3A_1332 = arith.mulf %sub3A_1331, %sub3A_1331 : vector<16xf32>
    %mul3A_1333 = vector.broadcast %select_n3A_1180 : f32 to vector<16xf32>
    %mul3A_1334 = arith.mulf %mul3A_1333, %mul3A_1332 : vector<16xf32>
    %add3A_1335 = arith.addf %add3A_1315, %mul3A_1334 : vector<16xf32>
    %mul3A_1336 = arith.mulf %get3A_1330, %get3A_1330 : vector<16xf32>
    %sub3A_1337 = arith.subf %get3A_1325, %mul3A_1336 : vector<16xf32>
    %mul3A_1338 = vector.broadcast %select_n3A_1180 : f32 to vector<16xf32>
    %mul3A_1339 = arith.mulf %mul3A_1338, %sub3A_1337 : vector<16xf32>
    %add3A_1340 = arith.addf %add3A_1320, %mul3A_1339 : vector<16xf32>
    %add3A_1341 = arith.constant 8 : i32
    %add3A_1342 = arith.addi %mul3A_2, %add3A_1341 : i32
    %lt3A_1343 = arith.constant 392 : i32
    %lt3A_1344 = arith.cmpi slt, %add3A_1342, %lt3A_1343 : i32
    %jit3A_1345 = arith.constant 1.000000e+00 : f32
    %jit3A_1346 = arith.constant 0.000000e+00 : f32
    %select_n3A_1347 = arith.select %lt3A_1344, %jit3A_1345, %jit3A_1346 : f32
    %get3A_1348 = arith.constant 8 : i32
    %get3A_1349 = arith.index_cast %get3A_1348 : i32 to index
    %get3A_1350 = arith.constant 0 : index
    %get3A_1351 = tpu.vector_load %arg8[%get3A_1349, %get3A_1350] {strides = array<i32>} : memref<16x128xf32, #tpu.memory_space<vmem>>, vector<1x16xf32>,
    %get3A_1352 = vector.shape_cast %get3A_1351 : vector<1x16xf32> to vector<16xf32>
    %get3A_1353 = arith.constant 8 : i32
    %get3A_1354 = arith.index_cast %get3A_1353 : i32 to index
    %get3A_1355 = arith.constant 0 : index
    %get3A_1356 = tpu.vector_load %arg9[%get3A_1354, %get3A_1355] {strides = array<i32>} : memref<16x128xf32, #tpu.memory_space<vmem>>, vector<1x16xf32>,
    %get3A_1357 = vector.shape_cast %get3A_1356 : vector<1x16xf32> to vector<16xf32>
    %sub3A_1358 = arith.subf %get3A_1352, %get3A_1357 : vector<16xf32>
    %mul3A_1359 = arith.mulf %sub3A_1358, %sub3A_1358 : vector<16xf32>
    %mul3A_1360 = vector.broadcast %select_n3A_1347 : f32 to vector<16xf32>
    %mul3A_1361 = arith.mulf %mul3A_1360, %mul3A_1359 : vector<16xf32>
    %add3A_1362 = arith.addf %add3A_1335, %mul3A_1361 : vector<16xf32>
    %mul3A_1363 = arith.mulf %get3A_1357, %get3A_1357 : vector<16xf32>
    %sub3A_1364 = arith.subf %get3A_1352, %mul3A_1363 : vector<16xf32>
    %mul3A_1365 = vector.broadcast %select_n3A_1347 : f32 to vector<16xf32>
    %mul3A_1366 = arith.mulf %mul3A_1365, %sub3A_1364 : vector<16xf32>
    %add3A_1367 = arith.addf %add3A_1340, %mul3A_1366 : vector<16xf32>
    %get3A_1368 = arith.constant 8 : i32
    %get3A_1369 = arith.index_cast %get3A_1368 : i32 to index
    %get3A_1370 = arith.constant 16 : index
    %get3A_1371 = tpu.vector_load %arg8[%get3A_1369, %get3A_1370] {strides = array<i32>} : memref<16x128xf32, #tpu.memory_space<vmem>>, vector<1x16xf32>,
    %get3A_1372 = vector.shape_cast %get3A_1371 : vector<1x16xf32> to vector<16xf32>
    %get3A_1373 = arith.constant 8 : i32
    %get3A_1374 = arith.index_cast %get3A_1373 : i32 to index
    %get3A_1375 = arith.constant 16 : index
    %get3A_1376 = tpu.vector_load %arg9[%get3A_1374, %get3A_1375] {strides = array<i32>} : memref<16x128xf32, #tpu.memory_space<vmem>>, vector<1x16xf32>,
    %get3A_1377 = vector.shape_cast %get3A_1376 : vector<1x16xf32> to vector<16xf32>
    %sub3A_1378 = arith.subf %get3A_1372, %get3A_1377 : vector<16xf32>
    %mul3A_1379 = arith.mulf %sub3A_1378, %sub3A_1378 : vector<16xf32>
    %mul3A_1380 = vector.broadcast %select_n3A_1347 : f32 to vector<16xf32>
    %mul3A_1381 = arith.mulf %mul3A_1380, %mul3A_1379 : vector<16xf32>
    %add3A_1382 = arith.addf %add3A_1362, %mul3A_1381 : vector<16xf32>
    %mul3A_1383 = arith.mulf %get3A_1377, %get3A_1377 : vector<16xf32>
    %sub3A_1384 = arith.subf %get3A_1372, %mul3A_1383 : vector<16xf32>
    %mul3A_1385 = vector.broadcast %select_n3A_1347 : f32 to vector<16xf32>
    %mul3A_1386 = arith.mulf %mul3A_1385, %sub3A_1384 : vector<16xf32>
    %add3A_1387 = arith.addf %add3A_1367, %mul3A_1386 : vector<16xf32>
    %get3A_1388 = arith.constant 8 : i32
    %get3A_1389 = arith.index_cast %get3A_1388 : i32 to index
    %get3A_1390 = arith.constant 32 : index
    %get3A_1391 = tpu.vector_load %arg8[%get3A_1389, %get3A_1390] {strides = array<i32>} : memref<16x128xf32, #tpu.memory_space<vmem>>, vector<1x16xf32>,
    %get3A_1392 = vector.shape_cast %get3A_1391 : vector<1x16xf32> to vector<16xf32>
    %get3A_1393 = arith.constant 8 : i32
    %get3A_1394 = arith.index_cast %get3A_1393 : i32 to index
    %get3A_1395 = arith.constant 32 : index
    %get3A_1396 = tpu.vector_load %arg9[%get3A_1394, %get3A_1395] {strides = array<i32>} : memref<16x128xf32, #tpu.memory_space<vmem>>, vector<1x16xf32>,
    %get3A_1397 = vector.shape_cast %get3A_1396 : vector<1x16xf32> to vector<16xf32>
    %sub3A_1398 = arith.subf %get3A_1392, %get3A_1397 : vector<16xf32>
    %mul3A_1399 = arith.mulf %sub3A_1398, %sub3A_1398 : vector<16xf32>
    %mul3A_1400 = vector.broadcast %select_n3A_1347 : f32 to vector<16xf32>
    %mul3A_1401 = arith.mulf %mul3A_1400, %mul3A_1399 : vector<16xf32>
    %add3A_1402 = arith.addf %add3A_1382, %mul3A_1401 : vector<16xf32>
    %mul3A_1403 = arith.mulf %get3A_1397, %get3A_1397 : vector<16xf32>
    %sub3A_1404 = arith.subf %get3A_1392, %mul3A_1403 : vector<16xf32>
    %mul3A_1405 = vector.broadcast %select_n3A_1347 : f32 to vector<16xf32>
    %mul3A_1406 = arith.mulf %mul3A_1405, %sub3A_1404 : vector<16xf32>
    %add3A_1407 = arith.addf %add3A_1387, %mul3A_1406 : vector<16xf32>
    %get3A_1408 = arith.constant 8 : i32
    %get3A_1409 = arith.index_cast %get3A_1408 : i32 to index
    %get3A_1410 = arith.constant 48 : index
    %get3A_1411 = tpu.vector_load %arg8[%get3A_1409, %get3A_1410] {strides = array<i32>} : memref<16x128xf32, #tpu.memory_space<vmem>>, vector<1x16xf32>,
    %get3A_1412 = vector.shape_cast %get3A_1411 : vector<1x16xf32> to vector<16xf32>
    %get3A_1413 = arith.constant 8 : i32
    %get3A_1414 = arith.index_cast %get3A_1413 : i32 to index
    %get3A_1415 = arith.constant 48 : index
    %get3A_1416 = tpu.vector_load %arg9[%get3A_1414, %get3A_1415] {strides = array<i32>} : memref<16x128xf32, #tpu.memory_space<vmem>>, vector<1x16xf32>,
    %get3A_1417 = vector.shape_cast %get3A_1416 : vector<1x16xf32> to vector<16xf32>
    %sub3A_1418 = arith.subf %get3A_1412, %get3A_1417 : vector<16xf32>
    %mul3A_1419 = arith.mulf %sub3A_1418, %sub3A_1418 : vector<16xf32>
    %mul3A_1420 = vector.broadcast %select_n3A_1347 : f32 to vector<16xf32>
    %mul3A_1421 = arith.mulf %mul3A_1420, %mul3A_1419 : vector<16xf32>
    %add3A_1422 = arith.addf %add3A_1402, %mul3A_1421 : vector<16xf32>
    %mul3A_1423 = arith.mulf %get3A_1417, %get3A_1417 : vector<16xf32>
    %sub3A_1424 = arith.subf %get3A_1412, %mul3A_1423 : vector<16xf32>
    %mul3A_1425 = vector.broadcast %select_n3A_1347 : f32 to vector<16xf32>
    %mul3A_1426 = arith.mulf %mul3A_1425, %sub3A_1424 : vector<16xf32>
    %add3A_1427 = arith.addf %add3A_1407, %mul3A_1426 : vector<16xf32>
    %get3A_1428 = arith.constant 8 : i32
    %get3A_1429 = arith.index_cast %get3A_1428 : i32 to index
    %get3A_1430 = arith.constant 64 : index
    %get3A_1431 = tpu.vector_load %arg8[%get3A_1429, %get3A_1430] {strides = array<i32>} : memref<16x128xf32, #tpu.memory_space<vmem>>, vector<1x16xf32>,
    %get3A_1432 = vector.shape_cast %get3A_1431 : vector<1x16xf32> to vector<16xf32>
    %get3A_1433 = arith.constant 8 : i32
    %get3A_1434 = arith.index_cast %get3A_1433 : i32 to index
    %get3A_1435 = arith.constant 64 : index
    %get3A_1436 = tpu.vector_load %arg9[%get3A_1434, %get3A_1435] {strides = array<i32>} : memref<16x128xf32, #tpu.memory_space<vmem>>, vector<1x16xf32>,
    %get3A_1437 = vector.shape_cast %get3A_1436 : vector<1x16xf32> to vector<16xf32>
    %sub3A_1438 = arith.subf %get3A_1432, %get3A_1437 : vector<16xf32>
    %mul3A_1439 = arith.mulf %sub3A_1438, %sub3A_1438 : vector<16xf32>
    %mul3A_1440 = vector.broadcast %select_n3A_1347 : f32 to vector<16xf32>
    %mul3A_1441 = arith.mulf %mul3A_1440, %mul3A_1439 : vector<16xf32>
    %add3A_1442 = arith.addf %add3A_1422, %mul3A_1441 : vector<16xf32>
    %mul3A_1443 = arith.mulf %get3A_1437, %get3A_1437 : vector<16xf32>
    %sub3A_1444 = arith.subf %get3A_1432, %mul3A_1443 : vector<16xf32>
    %mul3A_1445 = vector.broadcast %select_n3A_1347 : f32 to vector<16xf32>
    %mul3A_1446 = arith.mulf %mul3A_1445, %sub3A_1444 : vector<16xf32>
    %add3A_1447 = arith.addf %add3A_1427, %mul3A_1446 : vector<16xf32>
    %get3A_1448 = arith.constant 8 : i32
    %get3A_1449 = arith.index_cast %get3A_1448 : i32 to index
    %get3A_1450 = arith.constant 80 : index
    %get3A_1451 = tpu.vector_load %arg8[%get3A_1449, %get3A_1450] {strides = array<i32>} : memref<16x128xf32, #tpu.memory_space<vmem>>, vector<1x16xf32>,
    %get3A_1452 = vector.shape_cast %get3A_1451 : vector<1x16xf32> to vector<16xf32>
    %get3A_1453 = arith.constant 8 : i32
    %get3A_1454 = arith.index_cast %get3A_1453 : i32 to index
    %get3A_1455 = arith.constant 80 : index
    %get3A_1456 = tpu.vector_load %arg9[%get3A_1454, %get3A_1455] {strides = array<i32>} : memref<16x128xf32, #tpu.memory_space<vmem>>, vector<1x16xf32>,
    %get3A_1457 = vector.shape_cast %get3A_1456 : vector<1x16xf32> to vector<16xf32>
    %sub3A_1458 = arith.subf %get3A_1452, %get3A_1457 : vector<16xf32>
    %mul3A_1459 = arith.mulf %sub3A_1458, %sub3A_1458 : vector<16xf32>
    %mul3A_1460 = vector.broadcast %select_n3A_1347 : f32 to vector<16xf32>
    %mul3A_1461 = arith.mulf %mul3A_1460, %mul3A_1459 : vector<16xf32>
    %add3A_1462 = arith.addf %add3A_1442, %mul3A_1461 : vector<16xf32>
    %mul3A_1463 = arith.mulf %get3A_1457, %get3A_1457 : vector<16xf32>
    %sub3A_1464 = arith.subf %get3A_1452, %mul3A_1463 : vector<16xf32>
    %mul3A_1465 = vector.broadcast %select_n3A_1347 : f32 to vector<16xf32>
    %mul3A_1466 = arith.mulf %mul3A_1465, %sub3A_1464 : vector<16xf32>
    %add3A_1467 = arith.addf %add3A_1447, %mul3A_1466 : vector<16xf32>
    %get3A_1468 = arith.constant 8 : i32
    %get3A_1469 = arith.index_cast %get3A_1468 : i32 to index
    %get3A_1470 = arith.constant 96 : index
    %get3A_1471 = tpu.vector_load %arg8[%get3A_1469, %get3A_1470] {strides = array<i32>} : memref<16x128xf32, #tpu.memory_space<vmem>>, vector<1x16xf32>,
    %get3A_1472 = vector.shape_cast %get3A_1471 : vector<1x16xf32> to vector<16xf32>
    %get3A_1473 = arith.constant 8 : i32
    %get3A_1474 = arith.index_cast %get3A_1473 : i32 to index
    %get3A_1475 = arith.constant 96 : index
    %get3A_1476 = tpu.vector_load %arg9[%get3A_1474, %get3A_1475] {strides = array<i32>} : memref<16x128xf32, #tpu.memory_space<vmem>>, vector<1x16xf32>,
    %get3A_1477 = vector.shape_cast %get3A_1476 : vector<1x16xf32> to vector<16xf32>
    %sub3A_1478 = arith.subf %get3A_1472, %get3A_1477 : vector<16xf32>
    %mul3A_1479 = arith.mulf %sub3A_1478, %sub3A_1478 : vector<16xf32>
    %mul3A_1480 = vector.broadcast %select_n3A_1347 : f32 to vector<16xf32>
    %mul3A_1481 = arith.mulf %mul3A_1480, %mul3A_1479 : vector<16xf32>
    %add3A_1482 = arith.addf %add3A_1462, %mul3A_1481 : vector<16xf32>
    %mul3A_1483 = arith.mulf %get3A_1477, %get3A_1477 : vector<16xf32>
    %sub3A_1484 = arith.subf %get3A_1472, %mul3A_1483 : vector<16xf32>
    %mul3A_1485 = vector.broadcast %select_n3A_1347 : f32 to vector<16xf32>
    %mul3A_1486 = arith.mulf %mul3A_1485, %sub3A_1484 : vector<16xf32>
    %add3A_1487 = arith.addf %add3A_1467, %mul3A_1486 : vector<16xf32>
    %get3A_1488 = arith.constant 8 : i32
    %get3A_1489 = arith.index_cast %get3A_1488 : i32 to index
    %get3A_1490 = arith.constant 112 : index
    %get3A_1491 = tpu.vector_load %arg8[%get3A_1489, %get3A_1490] {strides = array<i32>} : memref<16x128xf32, #tpu.memory_space<vmem>>, vector<1x16xf32>,
    %get3A_1492 = vector.shape_cast %get3A_1491 : vector<1x16xf32> to vector<16xf32>
    %get3A_1493 = arith.constant 8 : i32
    %get3A_1494 = arith.index_cast %get3A_1493 : i32 to index
    %get3A_1495 = arith.constant 112 : index
    %get3A_1496 = tpu.vector_load %arg9[%get3A_1494, %get3A_1495] {strides = array<i32>} : memref<16x128xf32, #tpu.memory_space<vmem>>, vector<1x16xf32>,
    %get3A_1497 = vector.shape_cast %get3A_1496 : vector<1x16xf32> to vector<16xf32>
    %sub3A_1498 = arith.subf %get3A_1492, %get3A_1497 : vector<16xf32>
    %mul3A_1499 = arith.mulf %sub3A_1498, %sub3A_1498 : vector<16xf32>
    %mul3A_1500 = vector.broadcast %select_n3A_1347 : f32 to vector<16xf32>
    %mul3A_1501 = arith.mulf %mul3A_1500, %mul3A_1499 : vector<16xf32>
    %add3A_1502 = arith.addf %add3A_1482, %mul3A_1501 : vector<16xf32>
    %mul3A_1503 = arith.mulf %get3A_1497, %get3A_1497 : vector<16xf32>
    %sub3A_1504 = arith.subf %get3A_1492, %mul3A_1503 : vector<16xf32>
    %mul3A_1505 = vector.broadcast %select_n3A_1347 : f32 to vector<16xf32>
    %mul3A_1506 = arith.mulf %mul3A_1505, %sub3A_1504 : vector<16xf32>
    %add3A_1507 = arith.addf %add3A_1487, %mul3A_1506 : vector<16xf32>
    %add3A_1508 = arith.constant 9 : i32
    %add3A_1509 = arith.addi %mul3A_2, %add3A_1508 : i32
    %lt3A_1510 = arith.constant 392 : i32
    %lt3A_1511 = arith.cmpi slt, %add3A_1509, %lt3A_1510 : i32
    %jit3A_1512 = arith.constant 1.000000e+00 : f32
    %jit3A_1513 = arith.constant 0.000000e+00 : f32
    %select_n3A_1514 = arith.select %lt3A_1511, %jit3A_1512, %jit3A_1513 : f32
    %get3A_1515 = arith.constant 9 : i32
    %get3A_1516 = arith.index_cast %get3A_1515 : i32 to index
    %get3A_1517 = arith.constant 0 : index
    %get3A_1518 = tpu.vector_load %arg8[%get3A_1516, %get3A_1517] {strides = array<i32>} : memref<16x128xf32, #tpu.memory_space<vmem>>, vector<1x16xf32>,
    %get3A_1519 = vector.shape_cast %get3A_1518 : vector<1x16xf32> to vector<16xf32>
    %get3A_1520 = arith.constant 9 : i32
    %get3A_1521 = arith.index_cast %get3A_1520 : i32 to index
    %get3A_1522 = arith.constant 0 : index
    %get3A_1523 = tpu.vector_load %arg9[%get3A_1521, %get3A_1522] {strides = array<i32>} : memref<16x128xf32, #tpu.memory_space<vmem>>, vector<1x16xf32>,
    %get3A_1524 = vector.shape_cast %get3A_1523 : vector<1x16xf32> to vector<16xf32>
    %sub3A_1525 = arith.subf %get3A_1519, %get3A_1524 : vector<16xf32>
    %mul3A_1526 = arith.mulf %sub3A_1525, %sub3A_1525 : vector<16xf32>
    %mul3A_1527 = vector.broadcast %select_n3A_1514 : f32 to vector<16xf32>
    %mul3A_1528 = arith.mulf %mul3A_1527, %mul3A_1526 : vector<16xf32>
    %add3A_1529 = arith.addf %add3A_1502, %mul3A_1528 : vector<16xf32>
    %mul3A_1530 = arith.mulf %get3A_1524, %get3A_1524 : vector<16xf32>
    %sub3A_1531 = arith.subf %get3A_1519, %mul3A_1530 : vector<16xf32>
    %mul3A_1532 = vector.broadcast %select_n3A_1514 : f32 to vector<16xf32>
    %mul3A_1533 = arith.mulf %mul3A_1532, %sub3A_1531 : vector<16xf32>
    %add3A_1534 = arith.addf %add3A_1507, %mul3A_1533 : vector<16xf32>
    %get3A_1535 = arith.constant 9 : i32
    %get3A_1536 = arith.index_cast %get3A_1535 : i32 to index
    %get3A_1537 = arith.constant 16 : index
    %get3A_1538 = tpu.vector_load %arg8[%get3A_1536, %get3A_1537] {strides = array<i32>} : memref<16x128xf32, #tpu.memory_space<vmem>>, vector<1x16xf32>,
    %get3A_1539 = vector.shape_cast %get3A_1538 : vector<1x16xf32> to vector<16xf32>
    %get3A_1540 = arith.constant 9 : i32
    %get3A_1541 = arith.index_cast %get3A_1540 : i32 to index
    %get3A_1542 = arith.constant 16 : index
    %get3A_1543 = tpu.vector_load %arg9[%get3A_1541, %get3A_1542] {strides = array<i32>} : memref<16x128xf32, #tpu.memory_space<vmem>>, vector<1x16xf32>,
    %get3A_1544 = vector.shape_cast %get3A_1543 : vector<1x16xf32> to vector<16xf32>
    %sub3A_1545 = arith.subf %get3A_1539, %get3A_1544 : vector<16xf32>
    %mul3A_1546 = arith.mulf %sub3A_1545, %sub3A_1545 : vector<16xf32>
    %mul3A_1547 = vector.broadcast %select_n3A_1514 : f32 to vector<16xf32>
    %mul3A_1548 = arith.mulf %mul3A_1547, %mul3A_1546 : vector<16xf32>
    %add3A_1549 = arith.addf %add3A_1529, %mul3A_1548 : vector<16xf32>
    %mul3A_1550 = arith.mulf %get3A_1544, %get3A_1544 : vector<16xf32>
    %sub3A_1551 = arith.subf %get3A_1539, %mul3A_1550 : vector<16xf32>
    %mul3A_1552 = vector.broadcast %select_n3A_1514 : f32 to vector<16xf32>
    %mul3A_1553 = arith.mulf %mul3A_1552, %sub3A_1551 : vector<16xf32>
    %add3A_1554 = arith.addf %add3A_1534, %mul3A_1553 : vector<16xf32>
    %get3A_1555 = arith.constant 9 : i32
    %get3A_1556 = arith.index_cast %get3A_1555 : i32 to index
    %get3A_1557 = arith.constant 32 : index
    %get3A_1558 = tpu.vector_load %arg8[%get3A_1556, %get3A_1557] {strides = array<i32>} : memref<16x128xf32, #tpu.memory_space<vmem>>, vector<1x16xf32>,
    %get3A_1559 = vector.shape_cast %get3A_1558 : vector<1x16xf32> to vector<16xf32>
    %get3A_1560 = arith.constant 9 : i32
    %get3A_1561 = arith.index_cast %get3A_1560 : i32 to index
    %get3A_1562 = arith.constant 32 : index
    %get3A_1563 = tpu.vector_load %arg9[%get3A_1561, %get3A_1562] {strides = array<i32>} : memref<16x128xf32, #tpu.memory_space<vmem>>, vector<1x16xf32>,
    %get3A_1564 = vector.shape_cast %get3A_1563 : vector<1x16xf32> to vector<16xf32>
    %sub3A_1565 = arith.subf %get3A_1559, %get3A_1564 : vector<16xf32>
    %mul3A_1566 = arith.mulf %sub3A_1565, %sub3A_1565 : vector<16xf32>
    %mul3A_1567 = vector.broadcast %select_n3A_1514 : f32 to vector<16xf32>
    %mul3A_1568 = arith.mulf %mul3A_1567, %mul3A_1566 : vector<16xf32>
    %add3A_1569 = arith.addf %add3A_1549, %mul3A_1568 : vector<16xf32>
    %mul3A_1570 = arith.mulf %get3A_1564, %get3A_1564 : vector<16xf32>
    %sub3A_1571 = arith.subf %get3A_1559, %mul3A_1570 : vector<16xf32>
    %mul3A_1572 = vector.broadcast %select_n3A_1514 : f32 to vector<16xf32>
    %mul3A_1573 = arith.mulf %mul3A_1572, %sub3A_1571 : vector<16xf32>
    %add3A_1574 = arith.addf %add3A_1554, %mul3A_1573 : vector<16xf32>
    %get3A_1575 = arith.constant 9 : i32
    %get3A_1576 = arith.index_cast %get3A_1575 : i32 to index
    %get3A_1577 = arith.constant 48 : index
    %get3A_1578 = tpu.vector_load %arg8[%get3A_1576, %get3A_1577] {strides = array<i32>} : memref<16x128xf32, #tpu.memory_space<vmem>>, vector<1x16xf32>,
    %get3A_1579 = vector.shape_cast %get3A_1578 : vector<1x16xf32> to vector<16xf32>
    %get3A_1580 = arith.constant 9 : i32
    %get3A_1581 = arith.index_cast %get3A_1580 : i32 to index
    %get3A_1582 = arith.constant 48 : index
    %get3A_1583 = tpu.vector_load %arg9[%get3A_1581, %get3A_1582] {strides = array<i32>} : memref<16x128xf32, #tpu.memory_space<vmem>>, vector<1x16xf32>,
    %get3A_1584 = vector.shape_cast %get3A_1583 : vector<1x16xf32> to vector<16xf32>
    %sub3A_1585 = arith.subf %get3A_1579, %get3A_1584 : vector<16xf32>
    %mul3A_1586 = arith.mulf %sub3A_1585, %sub3A_1585 : vector<16xf32>
    %mul3A_1587 = vector.broadcast %select_n3A_1514 : f32 to vector<16xf32>
    %mul3A_1588 = arith.mulf %mul3A_1587, %mul3A_1586 : vector<16xf32>
    %add3A_1589 = arith.addf %add3A_1569, %mul3A_1588 : vector<16xf32>
    %mul3A_1590 = arith.mulf %get3A_1584, %get3A_1584 : vector<16xf32>
    %sub3A_1591 = arith.subf %get3A_1579, %mul3A_1590 : vector<16xf32>
    %mul3A_1592 = vector.broadcast %select_n3A_1514 : f32 to vector<16xf32>
    %mul3A_1593 = arith.mulf %mul3A_1592, %sub3A_1591 : vector<16xf32>
    %add3A_1594 = arith.addf %add3A_1574, %mul3A_1593 : vector<16xf32>
    %get3A_1595 = arith.constant 9 : i32
    %get3A_1596 = arith.index_cast %get3A_1595 : i32 to index
    %get3A_1597 = arith.constant 64 : index
    %get3A_1598 = tpu.vector_load %arg8[%get3A_1596, %get3A_1597] {strides = array<i32>} : memref<16x128xf32, #tpu.memory_space<vmem>>, vector<1x16xf32>,
    %get3A_1599 = vector.shape_cast %get3A_1598 : vector<1x16xf32> to vector<16xf32>
    %get3A_1600 = arith.constant 9 : i32
    %get3A_1601 = arith.index_cast %get3A_1600 : i32 to index
    %get3A_1602 = arith.constant 64 : index
    %get3A_1603 = tpu.vector_load %arg9[%get3A_1601, %get3A_1602] {strides = array<i32>} : memref<16x128xf32, #tpu.memory_space<vmem>>, vector<1x16xf32>,
    %get3A_1604 = vector.shape_cast %get3A_1603 : vector<1x16xf32> to vector<16xf32>
    %sub3A_1605 = arith.subf %get3A_1599, %get3A_1604 : vector<16xf32>
    %mul3A_1606 = arith.mulf %sub3A_1605, %sub3A_1605 : vector<16xf32>
    %mul3A_1607 = vector.broadcast %select_n3A_1514 : f32 to vector<16xf32>
    %mul3A_1608 = arith.mulf %mul3A_1607, %mul3A_1606 : vector<16xf32>
    %add3A_1609 = arith.addf %add3A_1589, %mul3A_1608 : vector<16xf32>
    %mul3A_1610 = arith.mulf %get3A_1604, %get3A_1604 : vector<16xf32>
    %sub3A_1611 = arith.subf %get3A_1599, %mul3A_1610 : vector<16xf32>
    %mul3A_1612 = vector.broadcast %select_n3A_1514 : f32 to vector<16xf32>
    %mul3A_1613 = arith.mulf %mul3A_1612, %sub3A_1611 : vector<16xf32>
    %add3A_1614 = arith.addf %add3A_1594, %mul3A_1613 : vector<16xf32>
    %get3A_1615 = arith.constant 9 : i32
    %get3A_1616 = arith.index_cast %get3A_1615 : i32 to index
    %get3A_1617 = arith.constant 80 : index
    %get3A_1618 = tpu.vector_load %arg8[%get3A_1616, %get3A_1617] {strides = array<i32>} : memref<16x128xf32, #tpu.memory_space<vmem>>, vector<1x16xf32>,
    %get3A_1619 = vector.shape_cast %get3A_1618 : vector<1x16xf32> to vector<16xf32>
    %get3A_1620 = arith.constant 9 : i32
    %get3A_1621 = arith.index_cast %get3A_1620 : i32 to index
    %get3A_1622 = arith.constant 80 : index
    %get3A_1623 = tpu.vector_load %arg9[%get3A_1621, %get3A_1622] {strides = array<i32>} : memref<16x128xf32, #tpu.memory_space<vmem>>, vector<1x16xf32>,
    %get3A_1624 = vector.shape_cast %get3A_1623 : vector<1x16xf32> to vector<16xf32>
    %sub3A_1625 = arith.subf %get3A_1619, %get3A_1624 : vector<16xf32>
    %mul3A_1626 = arith.mulf %sub3A_1625, %sub3A_1625 : vector<16xf32>
    %mul3A_1627 = vector.broadcast %select_n3A_1514 : f32 to vector<16xf32>
    %mul3A_1628 = arith.mulf %mul3A_1627, %mul3A_1626 : vector<16xf32>
    %add3A_1629 = arith.addf %add3A_1609, %mul3A_1628 : vector<16xf32>
    %mul3A_1630 = arith.mulf %get3A_1624, %get3A_1624 : vector<16xf32>
    %sub3A_1631 = arith.subf %get3A_1619, %mul3A_1630 : vector<16xf32>
    %mul3A_1632 = vector.broadcast %select_n3A_1514 : f32 to vector<16xf32>
    %mul3A_1633 = arith.mulf %mul3A_1632, %sub3A_1631 : vector<16xf32>
    %add3A_1634 = arith.addf %add3A_1614, %mul3A_1633 : vector<16xf32>
    %get3A_1635 = arith.constant 9 : i32
    %get3A_1636 = arith.index_cast %get3A_1635 : i32 to index
    %get3A_1637 = arith.constant 96 : index
    %get3A_1638 = tpu.vector_load %arg8[%get3A_1636, %get3A_1637] {strides = array<i32>} : memref<16x128xf32, #tpu.memory_space<vmem>>, vector<1x16xf32>,
    %get3A_1639 = vector.shape_cast %get3A_1638 : vector<1x16xf32> to vector<16xf32>
    %get3A_1640 = arith.constant 9 : i32
    %get3A_1641 = arith.index_cast %get3A_1640 : i32 to index
    %get3A_1642 = arith.constant 96 : index
    %get3A_1643 = tpu.vector_load %arg9[%get3A_1641, %get3A_1642] {strides = array<i32>} : memref<16x128xf32, #tpu.memory_space<vmem>>, vector<1x16xf32>,
    %get3A_1644 = vector.shape_cast %get3A_1643 : vector<1x16xf32> to vector<16xf32>
    %sub3A_1645 = arith.subf %get3A_1639, %get3A_1644 : vector<16xf32>
    %mul3A_1646 = arith.mulf %sub3A_1645, %sub3A_1645 : vector<16xf32>
    %mul3A_1647 = vector.broadcast %select_n3A_1514 : f32 to vector<16xf32>
    %mul3A_1648 = arith.mulf %mul3A_1647, %mul3A_1646 : vector<16xf32>
    %add3A_1649 = arith.addf %add3A_1629, %mul3A_1648 : vector<16xf32>
    %mul3A_1650 = arith.mulf %get3A_1644, %get3A_1644 : vector<16xf32>
    %sub3A_1651 = arith.subf %get3A_1639, %mul3A_1650 : vector<16xf32>
    %mul3A_1652 = vector.broadcast %select_n3A_1514 : f32 to vector<16xf32>
    %mul3A_1653 = arith.mulf %mul3A_1652, %sub3A_1651 : vector<16xf32>
    %add3A_1654 = arith.addf %add3A_1634, %mul3A_1653 : vector<16xf32>
    %get3A_1655 = arith.constant 9 : i32
    %get3A_1656 = arith.index_cast %get3A_1655 : i32 to index
    %get3A_1657 = arith.constant 112 : index
    %get3A_1658 = tpu.vector_load %arg8[%get3A_1656, %get3A_1657] {strides = array<i32>} : memref<16x128xf32, #tpu.memory_space<vmem>>, vector<1x16xf32>,
    %get3A_1659 = vector.shape_cast %get3A_1658 : vector<1x16xf32> to vector<16xf32>
    %get3A_1660 = arith.constant 9 : i32
    %get3A_1661 = arith.index_cast %get3A_1660 : i32 to index
    %get3A_1662 = arith.constant 112 : index
    %get3A_1663 = tpu.vector_load %arg9[%get3A_1661, %get3A_1662] {strides = array<i32>} : memref<16x128xf32, #tpu.memory_space<vmem>>, vector<1x16xf32>,
    %get3A_1664 = vector.shape_cast %get3A_1663 : vector<1x16xf32> to vector<16xf32>
    %sub3A_1665 = arith.subf %get3A_1659, %get3A_1664 : vector<16xf32>
    %mul3A_1666 = arith.mulf %sub3A_1665, %sub3A_1665 : vector<16xf32>
    %mul3A_1667 = vector.broadcast %select_n3A_1514 : f32 to vector<16xf32>
    %mul3A_1668 = arith.mulf %mul3A_1667, %mul3A_1666 : vector<16xf32>
    %add3A_1669 = arith.addf %add3A_1649, %mul3A_1668 : vector<16xf32>
    %mul3A_1670 = arith.mulf %get3A_1664, %get3A_1664 : vector<16xf32>
    %sub3A_1671 = arith.subf %get3A_1659, %mul3A_1670 : vector<16xf32>
    %mul3A_1672 = vector.broadcast %select_n3A_1514 : f32 to vector<16xf32>
    %mul3A_1673 = arith.mulf %mul3A_1672, %sub3A_1671 : vector<16xf32>
    %add3A_1674 = arith.addf %add3A_1654, %mul3A_1673 : vector<16xf32>
    %add3A_1675 = arith.constant 10 : i32
    %add3A_1676 = arith.addi %mul3A_2, %add3A_1675 : i32
    %lt3A_1677 = arith.constant 392 : i32
    %lt3A_1678 = arith.cmpi slt, %add3A_1676, %lt3A_1677 : i32
    %jit3A_1679 = arith.constant 1.000000e+00 : f32
    %jit3A_1680 = arith.constant 0.000000e+00 : f32
    %select_n3A_1681 = arith.select %lt3A_1678, %jit3A_1679, %jit3A_1680 : f32
    %get3A_1682 = arith.constant 10 : i32
    %get3A_1683 = arith.index_cast %get3A_1682 : i32 to index
    %get3A_1684 = arith.constant 0 : index
    %get3A_1685 = tpu.vector_load %arg8[%get3A_1683, %get3A_1684] {strides = array<i32>} : memref<16x128xf32, #tpu.memory_space<vmem>>, vector<1x16xf32>,
    %get3A_1686 = vector.shape_cast %get3A_1685 : vector<1x16xf32> to vector<16xf32>
    %get3A_1687 = arith.constant 10 : i32
    %get3A_1688 = arith.index_cast %get3A_1687 : i32 to index
    %get3A_1689 = arith.constant 0 : index
    %get3A_1690 = tpu.vector_load %arg9[%get3A_1688, %get3A_1689] {strides = array<i32>} : memref<16x128xf32, #tpu.memory_space<vmem>>, vector<1x16xf32>,
    %get3A_1691 = vector.shape_cast %get3A_1690 : vector<1x16xf32> to vector<16xf32>
    %sub3A_1692 = arith.subf %get3A_1686, %get3A_1691 : vector<16xf32>
    %mul3A_1693 = arith.mulf %sub3A_1692, %sub3A_1692 : vector<16xf32>
    %mul3A_1694 = vector.broadcast %select_n3A_1681 : f32 to vector<16xf32>
    %mul3A_1695 = arith.mulf %mul3A_1694, %mul3A_1693 : vector<16xf32>
    %add3A_1696 = arith.addf %add3A_1669, %mul3A_1695 : vector<16xf32>
    %mul3A_1697 = arith.mulf %get3A_1691, %get3A_1691 : vector<16xf32>
    %sub3A_1698 = arith.subf %get3A_1686, %mul3A_1697 : vector<16xf32>
    %mul3A_1699 = vector.broadcast %select_n3A_1681 : f32 to vector<16xf32>
    %mul3A_1700 = arith.mulf %mul3A_1699, %sub3A_1698 : vector<16xf32>
    %add3A_1701 = arith.addf %add3A_1674, %mul3A_1700 : vector<16xf32>
    %get3A_1702 = arith.constant 10 : i32
    %get3A_1703 = arith.index_cast %get3A_1702 : i32 to index
    %get3A_1704 = arith.constant 16 : index
    %get3A_1705 = tpu.vector_load %arg8[%get3A_1703, %get3A_1704] {strides = array<i32>} : memref<16x128xf32, #tpu.memory_space<vmem>>, vector<1x16xf32>,
    %get3A_1706 = vector.shape_cast %get3A_1705 : vector<1x16xf32> to vector<16xf32>
    %get3A_1707 = arith.constant 10 : i32
    %get3A_1708 = arith.index_cast %get3A_1707 : i32 to index
    %get3A_1709 = arith.constant 16 : index
    %get3A_1710 = tpu.vector_load %arg9[%get3A_1708, %get3A_1709] {strides = array<i32>} : memref<16x128xf32, #tpu.memory_space<vmem>>, vector<1x16xf32>,
    %get3A_1711 = vector.shape_cast %get3A_1710 : vector<1x16xf32> to vector<16xf32>
    %sub3A_1712 = arith.subf %get3A_1706, %get3A_1711 : vector<16xf32>
    %mul3A_1713 = arith.mulf %sub3A_1712, %sub3A_1712 : vector<16xf32>
    %mul3A_1714 = vector.broadcast %select_n3A_1681 : f32 to vector<16xf32>
    %mul3A_1715 = arith.mulf %mul3A_1714, %mul3A_1713 : vector<16xf32>
    %add3A_1716 = arith.addf %add3A_1696, %mul3A_1715 : vector<16xf32>
    %mul3A_1717 = arith.mulf %get3A_1711, %get3A_1711 : vector<16xf32>
    %sub3A_1718 = arith.subf %get3A_1706, %mul3A_1717 : vector<16xf32>
    %mul3A_1719 = vector.broadcast %select_n3A_1681 : f32 to vector<16xf32>
    %mul3A_1720 = arith.mulf %mul3A_1719, %sub3A_1718 : vector<16xf32>
    %add3A_1721 = arith.addf %add3A_1701, %mul3A_1720 : vector<16xf32>
    %get3A_1722 = arith.constant 10 : i32
    %get3A_1723 = arith.index_cast %get3A_1722 : i32 to index
    %get3A_1724 = arith.constant 32 : index
    %get3A_1725 = tpu.vector_load %arg8[%get3A_1723, %get3A_1724] {strides = array<i32>} : memref<16x128xf32, #tpu.memory_space<vmem>>, vector<1x16xf32>,
    %get3A_1726 = vector.shape_cast %get3A_1725 : vector<1x16xf32> to vector<16xf32>
    %get3A_1727 = arith.constant 10 : i32
    %get3A_1728 = arith.index_cast %get3A_1727 : i32 to index
    %get3A_1729 = arith.constant 32 : index
    %get3A_1730 = tpu.vector_load %arg9[%get3A_1728, %get3A_1729] {strides = array<i32>} : memref<16x128xf32, #tpu.memory_space<vmem>>, vector<1x16xf32>,
    %get3A_1731 = vector.shape_cast %get3A_1730 : vector<1x16xf32> to vector<16xf32>
    %sub3A_1732 = arith.subf %get3A_1726, %get3A_1731 : vector<16xf32>
    %mul3A_1733 = arith.mulf %sub3A_1732, %sub3A_1732 : vector<16xf32>
    %mul3A_1734 = vector.broadcast %select_n3A_1681 : f32 to vector<16xf32>
    %mul3A_1735 = arith.mulf %mul3A_1734, %mul3A_1733 : vector<16xf32>
    %add3A_1736 = arith.addf %add3A_1716, %mul3A_1735 : vector<16xf32>
    %mul3A_1737 = arith.mulf %get3A_1731, %get3A_1731 : vector<16xf32>
    %sub3A_1738 = arith.subf %get3A_1726, %mul3A_1737 : vector<16xf32>
    %mul3A_1739 = vector.broadcast %select_n3A_1681 : f32 to vector<16xf32>
    %mul3A_1740 = arith.mulf %mul3A_1739, %sub3A_1738 : vector<16xf32>
    %add3A_1741 = arith.addf %add3A_1721, %mul3A_1740 : vector<16xf32>
    %get3A_1742 = arith.constant 10 : i32
    %get3A_1743 = arith.index_cast %get3A_1742 : i32 to index
    %get3A_1744 = arith.constant 48 : index
    %get3A_1745 = tpu.vector_load %arg8[%get3A_1743, %get3A_1744] {strides = array<i32>} : memref<16x128xf32, #tpu.memory_space<vmem>>, vector<1x16xf32>,
    %get3A_1746 = vector.shape_cast %get3A_1745 : vector<1x16xf32> to vector<16xf32>
    %get3A_1747 = arith.constant 10 : i32
    %get3A_1748 = arith.index_cast %get3A_1747 : i32 to index
    %get3A_1749 = arith.constant 48 : index
    %get3A_1750 = tpu.vector_load %arg9[%get3A_1748, %get3A_1749] {strides = array<i32>} : memref<16x128xf32, #tpu.memory_space<vmem>>, vector<1x16xf32>,
    %get3A_1751 = vector.shape_cast %get3A_1750 : vector<1x16xf32> to vector<16xf32>
    %sub3A_1752 = arith.subf %get3A_1746, %get3A_1751 : vector<16xf32>
    %mul3A_1753 = arith.mulf %sub3A_1752, %sub3A_1752 : vector<16xf32>
    %mul3A_1754 = vector.broadcast %select_n3A_1681 : f32 to vector<16xf32>
    %mul3A_1755 = arith.mulf %mul3A_1754, %mul3A_1753 : vector<16xf32>
    %add3A_1756 = arith.addf %add3A_1736, %mul3A_1755 : vector<16xf32>
    %mul3A_1757 = arith.mulf %get3A_1751, %get3A_1751 : vector<16xf32>
    %sub3A_1758 = arith.subf %get3A_1746, %mul3A_1757 : vector<16xf32>
    %mul3A_1759 = vector.broadcast %select_n3A_1681 : f32 to vector<16xf32>
    %mul3A_1760 = arith.mulf %mul3A_1759, %sub3A_1758 : vector<16xf32>
    %add3A_1761 = arith.addf %add3A_1741, %mul3A_1760 : vector<16xf32>
    %get3A_1762 = arith.constant 10 : i32
    %get3A_1763 = arith.index_cast %get3A_1762 : i32 to index
    %get3A_1764 = arith.constant 64 : index
    %get3A_1765 = tpu.vector_load %arg8[%get3A_1763, %get3A_1764] {strides = array<i32>} : memref<16x128xf32, #tpu.memory_space<vmem>>, vector<1x16xf32>,
    %get3A_1766 = vector.shape_cast %get3A_1765 : vector<1x16xf32> to vector<16xf32>
    %get3A_1767 = arith.constant 10 : i32
    %get3A_1768 = arith.index_cast %get3A_1767 : i32 to index
    %get3A_1769 = arith.constant 64 : index
    %get3A_1770 = tpu.vector_load %arg9[%get3A_1768, %get3A_1769] {strides = array<i32>} : memref<16x128xf32, #tpu.memory_space<vmem>>, vector<1x16xf32>,
    %get3A_1771 = vector.shape_cast %get3A_1770 : vector<1x16xf32> to vector<16xf32>
    %sub3A_1772 = arith.subf %get3A_1766, %get3A_1771 : vector<16xf32>
    %mul3A_1773 = arith.mulf %sub3A_1772, %sub3A_1772 : vector<16xf32>
    %mul3A_1774 = vector.broadcast %select_n3A_1681 : f32 to vector<16xf32>
    %mul3A_1775 = arith.mulf %mul3A_1774, %mul3A_1773 : vector<16xf32>
    %add3A_1776 = arith.addf %add3A_1756, %mul3A_1775 : vector<16xf32>
    %mul3A_1777 = arith.mulf %get3A_1771, %get3A_1771 : vector<16xf32>
    %sub3A_1778 = arith.subf %get3A_1766, %mul3A_1777 : vector<16xf32>
    %mul3A_1779 = vector.broadcast %select_n3A_1681 : f32 to vector<16xf32>
    %mul3A_1780 = arith.mulf %mul3A_1779, %sub3A_1778 : vector<16xf32>
    %add3A_1781 = arith.addf %add3A_1761, %mul3A_1780 : vector<16xf32>
    %get3A_1782 = arith.constant 10 : i32
    %get3A_1783 = arith.index_cast %get3A_1782 : i32 to index
    %get3A_1784 = arith.constant 80 : index
    %get3A_1785 = tpu.vector_load %arg8[%get3A_1783, %get3A_1784] {strides = array<i32>} : memref<16x128xf32, #tpu.memory_space<vmem>>, vector<1x16xf32>,
    %get3A_1786 = vector.shape_cast %get3A_1785 : vector<1x16xf32> to vector<16xf32>
    %get3A_1787 = arith.constant 10 : i32
    %get3A_1788 = arith.index_cast %get3A_1787 : i32 to index
    %get3A_1789 = arith.constant 80 : index
    %get3A_1790 = tpu.vector_load %arg9[%get3A_1788, %get3A_1789] {strides = array<i32>} : memref<16x128xf32, #tpu.memory_space<vmem>>, vector<1x16xf32>,
    %get3A_1791 = vector.shape_cast %get3A_1790 : vector<1x16xf32> to vector<16xf32>
    %sub3A_1792 = arith.subf %get3A_1786, %get3A_1791 : vector<16xf32>
    %mul3A_1793 = arith.mulf %sub3A_1792, %sub3A_1792 : vector<16xf32>
    %mul3A_1794 = vector.broadcast %select_n3A_1681 : f32 to vector<16xf32>
    %mul3A_1795 = arith.mulf %mul3A_1794, %mul3A_1793 : vector<16xf32>
    %add3A_1796 = arith.addf %add3A_1776, %mul3A_1795 : vector<16xf32>
    %mul3A_1797 = arith.mulf %get3A_1791, %get3A_1791 : vector<16xf32>
    %sub3A_1798 = arith.subf %get3A_1786, %mul3A_1797 : vector<16xf32>
    %mul3A_1799 = vector.broadcast %select_n3A_1681 : f32 to vector<16xf32>
    %mul3A_1800 = arith.mulf %mul3A_1799, %sub3A_1798 : vector<16xf32>
    %add3A_1801 = arith.addf %add3A_1781, %mul3A_1800 : vector<16xf32>
    %get3A_1802 = arith.constant 10 : i32
    %get3A_1803 = arith.index_cast %get3A_1802 : i32 to index
    %get3A_1804 = arith.constant 96 : index
    %get3A_1805 = tpu.vector_load %arg8[%get3A_1803, %get3A_1804] {strides = array<i32>} : memref<16x128xf32, #tpu.memory_space<vmem>>, vector<1x16xf32>,
    %get3A_1806 = vector.shape_cast %get3A_1805 : vector<1x16xf32> to vector<16xf32>
    %get3A_1807 = arith.constant 10 : i32
    %get3A_1808 = arith.index_cast %get3A_1807 : i32 to index
    %get3A_1809 = arith.constant 96 : index
    %get3A_1810 = tpu.vector_load %arg9[%get3A_1808, %get3A_1809] {strides = array<i32>} : memref<16x128xf32, #tpu.memory_space<vmem>>, vector<1x16xf32>,
    %get3A_1811 = vector.shape_cast %get3A_1810 : vector<1x16xf32> to vector<16xf32>
    %sub3A_1812 = arith.subf %get3A_1806, %get3A_1811 : vector<16xf32>
    %mul3A_1813 = arith.mulf %sub3A_1812, %sub3A_1812 : vector<16xf32>
    %mul3A_1814 = vector.broadcast %select_n3A_1681 : f32 to vector<16xf32>
    %mul3A_1815 = arith.mulf %mul3A_1814, %mul3A_1813 : vector<16xf32>
    %add3A_1816 = arith.addf %add3A_1796, %mul3A_1815 : vector<16xf32>
    %mul3A_1817 = arith.mulf %get3A_1811, %get3A_1811 : vector<16xf32>
    %sub3A_1818 = arith.subf %get3A_1806, %mul3A_1817 : vector<16xf32>
    %mul3A_1819 = vector.broadcast %select_n3A_1681 : f32 to vector<16xf32>
    %mul3A_1820 = arith.mulf %mul3A_1819, %sub3A_1818 : vector<16xf32>
    %add3A_1821 = arith.addf %add3A_1801, %mul3A_1820 : vector<16xf32>
    %get3A_1822 = arith.constant 10 : i32
    %get3A_1823 = arith.index_cast %get3A_1822 : i32 to index
    %get3A_1824 = arith.constant 112 : index
    %get3A_1825 = tpu.vector_load %arg8[%get3A_1823, %get3A_1824] {strides = array<i32>} : memref<16x128xf32, #tpu.memory_space<vmem>>, vector<1x16xf32>,
    %get3A_1826 = vector.shape_cast %get3A_1825 : vector<1x16xf32> to vector<16xf32>
    %get3A_1827 = arith.constant 10 : i32
    %get3A_1828 = arith.index_cast %get3A_1827 : i32 to index
    %get3A_1829 = arith.constant 112 : index
    %get3A_1830 = tpu.vector_load %arg9[%get3A_1828, %get3A_1829] {strides = array<i32>} : memref<16x128xf32, #tpu.memory_space<vmem>>, vector<1x16xf32>,
    %get3A_1831 = vector.shape_cast %get3A_1830 : vector<1x16xf32> to vector<16xf32>
    %sub3A_1832 = arith.subf %get3A_1826, %get3A_1831 : vector<16xf32>
    %mul3A_1833 = arith.mulf %sub3A_1832, %sub3A_1832 : vector<16xf32>
    %mul3A_1834 = vector.broadcast %select_n3A_1681 : f32 to vector<16xf32>
    %mul3A_1835 = arith.mulf %mul3A_1834, %mul3A_1833 : vector<16xf32>
    %add3A_1836 = arith.addf %add3A_1816, %mul3A_1835 : vector<16xf32>
    %mul3A_1837 = arith.mulf %get3A_1831, %get3A_1831 : vector<16xf32>
    %sub3A_1838 = arith.subf %get3A_1826, %mul3A_1837 : vector<16xf32>
    %mul3A_1839 = vector.broadcast %select_n3A_1681 : f32 to vector<16xf32>
    %mul3A_1840 = arith.mulf %mul3A_1839, %sub3A_1838 : vector<16xf32>
    %add3A_1841 = arith.addf %add3A_1821, %mul3A_1840 : vector<16xf32>
    %add3A_1842 = arith.constant 11 : i32
    %add3A_1843 = arith.addi %mul3A_2, %add3A_1842 : i32
    %lt3A_1844 = arith.constant 392 : i32
    %lt3A_1845 = arith.cmpi slt, %add3A_1843, %lt3A_1844 : i32
    %jit3A_1846 = arith.constant 1.000000e+00 : f32
    %jit3A_1847 = arith.constant 0.000000e+00 : f32
    %select_n3A_1848 = arith.select %lt3A_1845, %jit3A_1846, %jit3A_1847 : f32
    %get3A_1849 = arith.constant 11 : i32
    %get3A_1850 = arith.index_cast %get3A_1849 : i32 to index
    %get3A_1851 = arith.constant 0 : index
    %get3A_1852 = tpu.vector_load %arg8[%get3A_1850, %get3A_1851] {strides = array<i32>} : memref<16x128xf32, #tpu.memory_space<vmem>>, vector<1x16xf32>,
    %get3A_1853 = vector.shape_cast %get3A_1852 : vector<1x16xf32> to vector<16xf32>
    %get3A_1854 = arith.constant 11 : i32
    %get3A_1855 = arith.index_cast %get3A_1854 : i32 to index
    %get3A_1856 = arith.constant 0 : index
    %get3A_1857 = tpu.vector_load %arg9[%get3A_1855, %get3A_1856] {strides = array<i32>} : memref<16x128xf32, #tpu.memory_space<vmem>>, vector<1x16xf32>,
    %get3A_1858 = vector.shape_cast %get3A_1857 : vector<1x16xf32> to vector<16xf32>
    %sub3A_1859 = arith.subf %get3A_1853, %get3A_1858 : vector<16xf32>
    %mul3A_1860 = arith.mulf %sub3A_1859, %sub3A_1859 : vector<16xf32>
    %mul3A_1861 = vector.broadcast %select_n3A_1848 : f32 to vector<16xf32>
    %mul3A_1862 = arith.mulf %mul3A_1861, %mul3A_1860 : vector<16xf32>
    %add3A_1863 = arith.addf %add3A_1836, %mul3A_1862 : vector<16xf32>
    %mul3A_1864 = arith.mulf %get3A_1858, %get3A_1858 : vector<16xf32>
    %sub3A_1865 = arith.subf %get3A_1853, %mul3A_1864 : vector<16xf32>
    %mul3A_1866 = vector.broadcast %select_n3A_1848 : f32 to vector<16xf32>
    %mul3A_1867 = arith.mulf %mul3A_1866, %sub3A_1865 : vector<16xf32>
    %add3A_1868 = arith.addf %add3A_1841, %mul3A_1867 : vector<16xf32>
    %get3A_1869 = arith.constant 11 : i32
    %get3A_1870 = arith.index_cast %get3A_1869 : i32 to index
    %get3A_1871 = arith.constant 16 : index
    %get3A_1872 = tpu.vector_load %arg8[%get3A_1870, %get3A_1871] {strides = array<i32>} : memref<16x128xf32, #tpu.memory_space<vmem>>, vector<1x16xf32>,
    %get3A_1873 = vector.shape_cast %get3A_1872 : vector<1x16xf32> to vector<16xf32>
    %get3A_1874 = arith.constant 11 : i32
    %get3A_1875 = arith.index_cast %get3A_1874 : i32 to index
    %get3A_1876 = arith.constant 16 : index
    %get3A_1877 = tpu.vector_load %arg9[%get3A_1875, %get3A_1876] {strides = array<i32>} : memref<16x128xf32, #tpu.memory_space<vmem>>, vector<1x16xf32>,
    %get3A_1878 = vector.shape_cast %get3A_1877 : vector<1x16xf32> to vector<16xf32>
    %sub3A_1879 = arith.subf %get3A_1873, %get3A_1878 : vector<16xf32>
    %mul3A_1880 = arith.mulf %sub3A_1879, %sub3A_1879 : vector<16xf32>
    %mul3A_1881 = vector.broadcast %select_n3A_1848 : f32 to vector<16xf32>
    %mul3A_1882 = arith.mulf %mul3A_1881, %mul3A_1880 : vector<16xf32>
    %add3A_1883 = arith.addf %add3A_1863, %mul3A_1882 : vector<16xf32>
    %mul3A_1884 = arith.mulf %get3A_1878, %get3A_1878 : vector<16xf32>
    %sub3A_1885 = arith.subf %get3A_1873, %mul3A_1884 : vector<16xf32>
    %mul3A_1886 = vector.broadcast %select_n3A_1848 : f32 to vector<16xf32>
    %mul3A_1887 = arith.mulf %mul3A_1886, %sub3A_1885 : vector<16xf32>
    %add3A_1888 = arith.addf %add3A_1868, %mul3A_1887 : vector<16xf32>
    %get3A_1889 = arith.constant 11 : i32
    %get3A_1890 = arith.index_cast %get3A_1889 : i32 to index
    %get3A_1891 = arith.constant 32 : index
    %get3A_1892 = tpu.vector_load %arg8[%get3A_1890, %get3A_1891] {strides = array<i32>} : memref<16x128xf32, #tpu.memory_space<vmem>>, vector<1x16xf32>,
    %get3A_1893 = vector.shape_cast %get3A_1892 : vector<1x16xf32> to vector<16xf32>
    %get3A_1894 = arith.constant 11 : i32
    %get3A_1895 = arith.index_cast %get3A_1894 : i32 to index
    %get3A_1896 = arith.constant 32 : index
    %get3A_1897 = tpu.vector_load %arg9[%get3A_1895, %get3A_1896] {strides = array<i32>} : memref<16x128xf32, #tpu.memory_space<vmem>>, vector<1x16xf32>,
    %get3A_1898 = vector.shape_cast %get3A_1897 : vector<1x16xf32> to vector<16xf32>
    %sub3A_1899 = arith.subf %get3A_1893, %get3A_1898 : vector<16xf32>
    %mul3A_1900 = arith.mulf %sub3A_1899, %sub3A_1899 : vector<16xf32>
    %mul3A_1901 = vector.broadcast %select_n3A_1848 : f32 to vector<16xf32>
    %mul3A_1902 = arith.mulf %mul3A_1901, %mul3A_1900 : vector<16xf32>
    %add3A_1903 = arith.addf %add3A_1883, %mul3A_1902 : vector<16xf32>
    %mul3A_1904 = arith.mulf %get3A_1898, %get3A_1898 : vector<16xf32>
    %sub3A_1905 = arith.subf %get3A_1893, %mul3A_1904 : vector<16xf32>
    %mul3A_1906 = vector.broadcast %select_n3A_1848 : f32 to vector<16xf32>
    %mul3A_1907 = arith.mulf %mul3A_1906, %sub3A_1905 : vector<16xf32>
    %add3A_1908 = arith.addf %add3A_1888, %mul3A_1907 : vector<16xf32>
    %get3A_1909 = arith.constant 11 : i32
    %get3A_1910 = arith.index_cast %get3A_1909 : i32 to index
    %get3A_1911 = arith.constant 48 : index
    %get3A_1912 = tpu.vector_load %arg8[%get3A_1910, %get3A_1911] {strides = array<i32>} : memref<16x128xf32, #tpu.memory_space<vmem>>, vector<1x16xf32>,
    %get3A_1913 = vector.shape_cast %get3A_1912 : vector<1x16xf32> to vector<16xf32>
    %get3A_1914 = arith.constant 11 : i32
    %get3A_1915 = arith.index_cast %get3A_1914 : i32 to index
    %get3A_1916 = arith.constant 48 : index
    %get3A_1917 = tpu.vector_load %arg9[%get3A_1915, %get3A_1916] {strides = array<i32>} : memref<16x128xf32, #tpu.memory_space<vmem>>, vector<1x16xf32>,
    %get3A_1918 = vector.shape_cast %get3A_1917 : vector<1x16xf32> to vector<16xf32>
    %sub3A_1919 = arith.subf %get3A_1913, %get3A_1918 : vector<16xf32>
    %mul3A_1920 = arith.mulf %sub3A_1919, %sub3A_1919 : vector<16xf32>
    %mul3A_1921 = vector.broadcast %select_n3A_1848 : f32 to vector<16xf32>
    %mul3A_1922 = arith.mulf %mul3A_1921, %mul3A_1920 : vector<16xf32>
    %add3A_1923 = arith.addf %add3A_1903, %mul3A_1922 : vector<16xf32>
    %mul3A_1924 = arith.mulf %get3A_1918, %get3A_1918 : vector<16xf32>
    %sub3A_1925 = arith.subf %get3A_1913, %mul3A_1924 : vector<16xf32>
    %mul3A_1926 = vector.broadcast %select_n3A_1848 : f32 to vector<16xf32>
    %mul3A_1927 = arith.mulf %mul3A_1926, %sub3A_1925 : vector<16xf32>
    %add3A_1928 = arith.addf %add3A_1908, %mul3A_1927 : vector<16xf32>
    %get3A_1929 = arith.constant 11 : i32
    %get3A_1930 = arith.index_cast %get3A_1929 : i32 to index
    %get3A_1931 = arith.constant 64 : index
    %get3A_1932 = tpu.vector_load %arg8[%get3A_1930, %get3A_1931] {strides = array<i32>} : memref<16x128xf32, #tpu.memory_space<vmem>>, vector<1x16xf32>,
    %get3A_1933 = vector.shape_cast %get3A_1932 : vector<1x16xf32> to vector<16xf32>
    %get3A_1934 = arith.constant 11 : i32
    %get3A_1935 = arith.index_cast %get3A_1934 : i32 to index
    %get3A_1936 = arith.constant 64 : index
    %get3A_1937 = tpu.vector_load %arg9[%get3A_1935, %get3A_1936] {strides = array<i32>} : memref<16x128xf32, #tpu.memory_space<vmem>>, vector<1x16xf32>,
    %get3A_1938 = vector.shape_cast %get3A_1937 : vector<1x16xf32> to vector<16xf32>
    %sub3A_1939 = arith.subf %get3A_1933, %get3A_1938 : vector<16xf32>
    %mul3A_1940 = arith.mulf %sub3A_1939, %sub3A_1939 : vector<16xf32>
    %mul3A_1941 = vector.broadcast %select_n3A_1848 : f32 to vector<16xf32>
    %mul3A_1942 = arith.mulf %mul3A_1941, %mul3A_1940 : vector<16xf32>
    %add3A_1943 = arith.addf %add3A_1923, %mul3A_1942 : vector<16xf32>
    %mul3A_1944 = arith.mulf %get3A_1938, %get3A_1938 : vector<16xf32>
    %sub3A_1945 = arith.subf %get3A_1933, %mul3A_1944 : vector<16xf32>
    %mul3A_1946 = vector.broadcast %select_n3A_1848 : f32 to vector<16xf32>
    %mul3A_1947 = arith.mulf %mul3A_1946, %sub3A_1945 : vector<16xf32>
    %add3A_1948 = arith.addf %add3A_1928, %mul3A_1947 : vector<16xf32>
    %get3A_1949 = arith.constant 11 : i32
    %get3A_1950 = arith.index_cast %get3A_1949 : i32 to index
    %get3A_1951 = arith.constant 80 : index
    %get3A_1952 = tpu.vector_load %arg8[%get3A_1950, %get3A_1951] {strides = array<i32>} : memref<16x128xf32, #tpu.memory_space<vmem>>, vector<1x16xf32>,
    %get3A_1953 = vector.shape_cast %get3A_1952 : vector<1x16xf32> to vector<16xf32>
    %get3A_1954 = arith.constant 11 : i32
    %get3A_1955 = arith.index_cast %get3A_1954 : i32 to index
    %get3A_1956 = arith.constant 80 : index
    %get3A_1957 = tpu.vector_load %arg9[%get3A_1955, %get3A_1956] {strides = array<i32>} : memref<16x128xf32, #tpu.memory_space<vmem>>, vector<1x16xf32>,
    %get3A_1958 = vector.shape_cast %get3A_1957 : vector<1x16xf32> to vector<16xf32>
    %sub3A_1959 = arith.subf %get3A_1953, %get3A_1958 : vector<16xf32>
    %mul3A_1960 = arith.mulf %sub3A_1959, %sub3A_1959 : vector<16xf32>
    %mul3A_1961 = vector.broadcast %select_n3A_1848 : f32 to vector<16xf32>
    %mul3A_1962 = arith.mulf %mul3A_1961, %mul3A_1960 : vector<16xf32>
    %add3A_1963 = arith.addf %add3A_1943, %mul3A_1962 : vector<16xf32>
    %mul3A_1964 = arith.mulf %get3A_1958, %get3A_1958 : vector<16xf32>
    %sub3A_1965 = arith.subf %get3A_1953, %mul3A_1964 : vector<16xf32>
    %mul3A_1966 = vector.broadcast %select_n3A_1848 : f32 to vector<16xf32>
    %mul3A_1967 = arith.mulf %mul3A_1966, %sub3A_1965 : vector<16xf32>
    %add3A_1968 = arith.addf %add3A_1948, %mul3A_1967 : vector<16xf32>
    %get3A_1969 = arith.constant 11 : i32
    %get3A_1970 = arith.index_cast %get3A_1969 : i32 to index
    %get3A_1971 = arith.constant 96 : index
    %get3A_1972 = tpu.vector_load %arg8[%get3A_1970, %get3A_1971] {strides = array<i32>} : memref<16x128xf32, #tpu.memory_space<vmem>>, vector<1x16xf32>,
    %get3A_1973 = vector.shape_cast %get3A_1972 : vector<1x16xf32> to vector<16xf32>
    %get3A_1974 = arith.constant 11 : i32
    %get3A_1975 = arith.index_cast %get3A_1974 : i32 to index
    %get3A_1976 = arith.constant 96 : index
    %get3A_1977 = tpu.vector_load %arg9[%get3A_1975, %get3A_1976] {strides = array<i32>} : memref<16x128xf32, #tpu.memory_space<vmem>>, vector<1x16xf32>,
    %get3A_1978 = vector.shape_cast %get3A_1977 : vector<1x16xf32> to vector<16xf32>
    %sub3A_1979 = arith.subf %get3A_1973, %get3A_1978 : vector<16xf32>
    %mul3A_1980 = arith.mulf %sub3A_1979, %sub3A_1979 : vector<16xf32>
    %mul3A_1981 = vector.broadcast %select_n3A_1848 : f32 to vector<16xf32>
    %mul3A_1982 = arith.mulf %mul3A_1981, %mul3A_1980 : vector<16xf32>
    %add3A_1983 = arith.addf %add3A_1963, %mul3A_1982 : vector<16xf32>
    %mul3A_1984 = arith.mulf %get3A_1978, %get3A_1978 : vector<16xf32>
    %sub3A_1985 = arith.subf %get3A_1973, %mul3A_1984 : vector<16xf32>
    %mul3A_1986 = vector.broadcast %select_n3A_1848 : f32 to vector<16xf32>
    %mul3A_1987 = arith.mulf %mul3A_1986, %sub3A_1985 : vector<16xf32>
    %add3A_1988 = arith.addf %add3A_1968, %mul3A_1987 : vector<16xf32>
    %get3A_1989 = arith.constant 11 : i32
    %get3A_1990 = arith.index_cast %get3A_1989 : i32 to index
    %get3A_1991 = arith.constant 112 : index
    %get3A_1992 = tpu.vector_load %arg8[%get3A_1990, %get3A_1991] {strides = array<i32>} : memref<16x128xf32, #tpu.memory_space<vmem>>, vector<1x16xf32>,
    %get3A_1993 = vector.shape_cast %get3A_1992 : vector<1x16xf32> to vector<16xf32>
    %get3A_1994 = arith.constant 11 : i32
    %get3A_1995 = arith.index_cast %get3A_1994 : i32 to index
    %get3A_1996 = arith.constant 112 : index
    %get3A_1997 = tpu.vector_load %arg9[%get3A_1995, %get3A_1996] {strides = array<i32>} : memref<16x128xf32, #tpu.memory_space<vmem>>, vector<1x16xf32>,
    %get3A_1998 = vector.shape_cast %get3A_1997 : vector<1x16xf32> to vector<16xf32>
    %sub3A_1999 = arith.subf %get3A_1993, %get3A_1998 : vector<16xf32>
    %mul3A_2000 = arith.mulf %sub3A_1999, %sub3A_1999 : vector<16xf32>
    %mul3A_2001 = vector.broadcast %select_n3A_1848 : f32 to vector<16xf32>
    %mul3A_2002 = arith.mulf %mul3A_2001, %mul3A_2000 : vector<16xf32>
    %add3A_2003 = arith.addf %add3A_1983, %mul3A_2002 : vector<16xf32>
    %mul3A_2004 = arith.mulf %get3A_1998, %get3A_1998 : vector<16xf32>
    %sub3A_2005 = arith.subf %get3A_1993, %mul3A_2004 : vector<16xf32>
    %mul3A_2006 = vector.broadcast %select_n3A_1848 : f32 to vector<16xf32>
    %mul3A_2007 = arith.mulf %mul3A_2006, %sub3A_2005 : vector<16xf32>
    %add3A_2008 = arith.addf %add3A_1988, %mul3A_2007 : vector<16xf32>
    %add3A_2009 = arith.constant 12 : i32
    %add3A_2010 = arith.addi %mul3A_2, %add3A_2009 : i32
    %lt3A_2011 = arith.constant 392 : i32
    %lt3A_2012 = arith.cmpi slt, %add3A_2010, %lt3A_2011 : i32
    %jit3A_2013 = arith.constant 1.000000e+00 : f32
    %jit3A_2014 = arith.constant 0.000000e+00 : f32
    %select_n3A_2015 = arith.select %lt3A_2012, %jit3A_2013, %jit3A_2014 : f32
    %get3A_2016 = arith.constant 12 : i32
    %get3A_2017 = arith.index_cast %get3A_2016 : i32 to index
    %get3A_2018 = arith.constant 0 : index
    %get3A_2019 = tpu.vector_load %arg8[%get3A_2017, %get3A_2018] {strides = array<i32>} : memref<16x128xf32, #tpu.memory_space<vmem>>, vector<1x16xf32>,
    %get3A_2020 = vector.shape_cast %get3A_2019 : vector<1x16xf32> to vector<16xf32>
    %get3A_2021 = arith.constant 12 : i32
    %get3A_2022 = arith.index_cast %get3A_2021 : i32 to index
    %get3A_2023 = arith.constant 0 : index
    %get3A_2024 = tpu.vector_load %arg9[%get3A_2022, %get3A_2023] {strides = array<i32>} : memref<16x128xf32, #tpu.memory_space<vmem>>, vector<1x16xf32>,
    %get3A_2025 = vector.shape_cast %get3A_2024 : vector<1x16xf32> to vector<16xf32>
    %sub3A_2026 = arith.subf %get3A_2020, %get3A_2025 : vector<16xf32>
    %mul3A_2027 = arith.mulf %sub3A_2026, %sub3A_2026 : vector<16xf32>
    %mul3A_2028 = vector.broadcast %select_n3A_2015 : f32 to vector<16xf32>
    %mul3A_2029 = arith.mulf %mul3A_2028, %mul3A_2027 : vector<16xf32>
    %add3A_2030 = arith.addf %add3A_2003, %mul3A_2029 : vector<16xf32>
    %mul3A_2031 = arith.mulf %get3A_2025, %get3A_2025 : vector<16xf32>
    %sub3A_2032 = arith.subf %get3A_2020, %mul3A_2031 : vector<16xf32>
    %mul3A_2033 = vector.broadcast %select_n3A_2015 : f32 to vector<16xf32>
    %mul3A_2034 = arith.mulf %mul3A_2033, %sub3A_2032 : vector<16xf32>
    %add3A_2035 = arith.addf %add3A_2008, %mul3A_2034 : vector<16xf32>
    %get3A_2036 = arith.constant 12 : i32
    %get3A_2037 = arith.index_cast %get3A_2036 : i32 to index
    %get3A_2038 = arith.constant 16 : index
    %get3A_2039 = tpu.vector_load %arg8[%get3A_2037, %get3A_2038] {strides = array<i32>} : memref<16x128xf32, #tpu.memory_space<vmem>>, vector<1x16xf32>,
    %get3A_2040 = vector.shape_cast %get3A_2039 : vector<1x16xf32> to vector<16xf32>
    %get3A_2041 = arith.constant 12 : i32
    %get3A_2042 = arith.index_cast %get3A_2041 : i32 to index
    %get3A_2043 = arith.constant 16 : index
    %get3A_2044 = tpu.vector_load %arg9[%get3A_2042, %get3A_2043] {strides = array<i32>} : memref<16x128xf32, #tpu.memory_space<vmem>>, vector<1x16xf32>,
    %get3A_2045 = vector.shape_cast %get3A_2044 : vector<1x16xf32> to vector<16xf32>
    %sub3A_2046 = arith.subf %get3A_2040, %get3A_2045 : vector<16xf32>
    %mul3A_2047 = arith.mulf %sub3A_2046, %sub3A_2046 : vector<16xf32>
    %mul3A_2048 = vector.broadcast %select_n3A_2015 : f32 to vector<16xf32>
    %mul3A_2049 = arith.mulf %mul3A_2048, %mul3A_2047 : vector<16xf32>
    %add3A_2050 = arith.addf %add3A_2030, %mul3A_2049 : vector<16xf32>
    %mul3A_2051 = arith.mulf %get3A_2045, %get3A_2045 : vector<16xf32>
    %sub3A_2052 = arith.subf %get3A_2040, %mul3A_2051 : vector<16xf32>
    %mul3A_2053 = vector.broadcast %select_n3A_2015 : f32 to vector<16xf32>
    %mul3A_2054 = arith.mulf %mul3A_2053, %sub3A_2052 : vector<16xf32>
    %add3A_2055 = arith.addf %add3A_2035, %mul3A_2054 : vector<16xf32>
    %get3A_2056 = arith.constant 12 : i32
    %get3A_2057 = arith.index_cast %get3A_2056 : i32 to index
    %get3A_2058 = arith.constant 32 : index
    %get3A_2059 = tpu.vector_load %arg8[%get3A_2057, %get3A_2058] {strides = array<i32>} : memref<16x128xf32, #tpu.memory_space<vmem>>, vector<1x16xf32>,
    %get3A_2060 = vector.shape_cast %get3A_2059 : vector<1x16xf32> to vector<16xf32>
    %get3A_2061 = arith.constant 12 : i32
    %get3A_2062 = arith.index_cast %get3A_2061 : i32 to index
    %get3A_2063 = arith.constant 32 : index
    %get3A_2064 = tpu.vector_load %arg9[%get3A_2062, %get3A_2063] {strides = array<i32>} : memref<16x128xf32, #tpu.memory_space<vmem>>, vector<1x16xf32>,
    %get3A_2065 = vector.shape_cast %get3A_2064 : vector<1x16xf32> to vector<16xf32>
    %sub3A_2066 = arith.subf %get3A_2060, %get3A_2065 : vector<16xf32>
    %mul3A_2067 = arith.mulf %sub3A_2066, %sub3A_2066 : vector<16xf32>
    %mul3A_2068 = vector.broadcast %select_n3A_2015 : f32 to vector<16xf32>
    %mul3A_2069 = arith.mulf %mul3A_2068, %mul3A_2067 : vector<16xf32>
    %add3A_2070 = arith.addf %add3A_2050, %mul3A_2069 : vector<16xf32>
    %mul3A_2071 = arith.mulf %get3A_2065, %get3A_2065 : vector<16xf32>
    %sub3A_2072 = arith.subf %get3A_2060, %mul3A_2071 : vector<16xf32>
    %mul3A_2073 = vector.broadcast %select_n3A_2015 : f32 to vector<16xf32>
    %mul3A_2074 = arith.mulf %mul3A_2073, %sub3A_2072 : vector<16xf32>
    %add3A_2075 = arith.addf %add3A_2055, %mul3A_2074 : vector<16xf32>
    %get3A_2076 = arith.constant 12 : i32
    %get3A_2077 = arith.index_cast %get3A_2076 : i32 to index
    %get3A_2078 = arith.constant 48 : index
    %get3A_2079 = tpu.vector_load %arg8[%get3A_2077, %get3A_2078] {strides = array<i32>} : memref<16x128xf32, #tpu.memory_space<vmem>>, vector<1x16xf32>,
    %get3A_2080 = vector.shape_cast %get3A_2079 : vector<1x16xf32> to vector<16xf32>
    %get3A_2081 = arith.constant 12 : i32
    %get3A_2082 = arith.index_cast %get3A_2081 : i32 to index
    %get3A_2083 = arith.constant 48 : index
    %get3A_2084 = tpu.vector_load %arg9[%get3A_2082, %get3A_2083] {strides = array<i32>} : memref<16x128xf32, #tpu.memory_space<vmem>>, vector<1x16xf32>,
    %get3A_2085 = vector.shape_cast %get3A_2084 : vector<1x16xf32> to vector<16xf32>
    %sub3A_2086 = arith.subf %get3A_2080, %get3A_2085 : vector<16xf32>
    %mul3A_2087 = arith.mulf %sub3A_2086, %sub3A_2086 : vector<16xf32>
    %mul3A_2088 = vector.broadcast %select_n3A_2015 : f32 to vector<16xf32>
    %mul3A_2089 = arith.mulf %mul3A_2088, %mul3A_2087 : vector<16xf32>
    %add3A_2090 = arith.addf %add3A_2070, %mul3A_2089 : vector<16xf32>
    %mul3A_2091 = arith.mulf %get3A_2085, %get3A_2085 : vector<16xf32>
    %sub3A_2092 = arith.subf %get3A_2080, %mul3A_2091 : vector<16xf32>
    %mul3A_2093 = vector.broadcast %select_n3A_2015 : f32 to vector<16xf32>
    %mul3A_2094 = arith.mulf %mul3A_2093, %sub3A_2092 : vector<16xf32>
    %add3A_2095 = arith.addf %add3A_2075, %mul3A_2094 : vector<16xf32>
    %get3A_2096 = arith.constant 12 : i32
    %get3A_2097 = arith.index_cast %get3A_2096 : i32 to index
    %get3A_2098 = arith.constant 64 : index
    %get3A_2099 = tpu.vector_load %arg8[%get3A_2097, %get3A_2098] {strides = array<i32>} : memref<16x128xf32, #tpu.memory_space<vmem>>, vector<1x16xf32>,
    %get3A_2100 = vector.shape_cast %get3A_2099 : vector<1x16xf32> to vector<16xf32>
    %get3A_2101 = arith.constant 12 : i32
    %get3A_2102 = arith.index_cast %get3A_2101 : i32 to index
    %get3A_2103 = arith.constant 64 : index
    %get3A_2104 = tpu.vector_load %arg9[%get3A_2102, %get3A_2103] {strides = array<i32>} : memref<16x128xf32, #tpu.memory_space<vmem>>, vector<1x16xf32>,
    %get3A_2105 = vector.shape_cast %get3A_2104 : vector<1x16xf32> to vector<16xf32>
    %sub3A_2106 = arith.subf %get3A_2100, %get3A_2105 : vector<16xf32>
    %mul3A_2107 = arith.mulf %sub3A_2106, %sub3A_2106 : vector<16xf32>
    %mul3A_2108 = vector.broadcast %select_n3A_2015 : f32 to vector<16xf32>
    %mul3A_2109 = arith.mulf %mul3A_2108, %mul3A_2107 : vector<16xf32>
    %add3A_2110 = arith.addf %add3A_2090, %mul3A_2109 : vector<16xf32>
    %mul3A_2111 = arith.mulf %get3A_2105, %get3A_2105 : vector<16xf32>
    %sub3A_2112 = arith.subf %get3A_2100, %mul3A_2111 : vector<16xf32>
    %mul3A_2113 = vector.broadcast %select_n3A_2015 : f32 to vector<16xf32>
    %mul3A_2114 = arith.mulf %mul3A_2113, %sub3A_2112 : vector<16xf32>
    %add3A_2115 = arith.addf %add3A_2095, %mul3A_2114 : vector<16xf32>
    %get3A_2116 = arith.constant 12 : i32
    %get3A_2117 = arith.index_cast %get3A_2116 : i32 to index
    %get3A_2118 = arith.constant 80 : index
    %get3A_2119 = tpu.vector_load %arg8[%get3A_2117, %get3A_2118] {strides = array<i32>} : memref<16x128xf32, #tpu.memory_space<vmem>>, vector<1x16xf32>,
    %get3A_2120 = vector.shape_cast %get3A_2119 : vector<1x16xf32> to vector<16xf32>
    %get3A_2121 = arith.constant 12 : i32
    %get3A_2122 = arith.index_cast %get3A_2121 : i32 to index
    %get3A_2123 = arith.constant 80 : index
    %get3A_2124 = tpu.vector_load %arg9[%get3A_2122, %get3A_2123] {strides = array<i32>} : memref<16x128xf32, #tpu.memory_space<vmem>>, vector<1x16xf32>,
    %get3A_2125 = vector.shape_cast %get3A_2124 : vector<1x16xf32> to vector<16xf32>
    %sub3A_2126 = arith.subf %get3A_2120, %get3A_2125 : vector<16xf32>
    %mul3A_2127 = arith.mulf %sub3A_2126, %sub3A_2126 : vector<16xf32>
    %mul3A_2128 = vector.broadcast %select_n3A_2015 : f32 to vector<16xf32>
    %mul3A_2129 = arith.mulf %mul3A_2128, %mul3A_2127 : vector<16xf32>
    %add3A_2130 = arith.addf %add3A_2110, %mul3A_2129 : vector<16xf32>
    %mul3A_2131 = arith.mulf %get3A_2125, %get3A_2125 : vector<16xf32>
    %sub3A_2132 = arith.subf %get3A_2120, %mul3A_2131 : vector<16xf32>
    %mul3A_2133 = vector.broadcast %select_n3A_2015 : f32 to vector<16xf32>
    %mul3A_2134 = arith.mulf %mul3A_2133, %sub3A_2132 : vector<16xf32>
    %add3A_2135 = arith.addf %add3A_2115, %mul3A_2134 : vector<16xf32>
    %get3A_2136 = arith.constant 12 : i32
    %get3A_2137 = arith.index_cast %get3A_2136 : i32 to index
    %get3A_2138 = arith.constant 96 : index
    %get3A_2139 = tpu.vector_load %arg8[%get3A_2137, %get3A_2138] {strides = array<i32>} : memref<16x128xf32, #tpu.memory_space<vmem>>, vector<1x16xf32>,
    %get3A_2140 = vector.shape_cast %get3A_2139 : vector<1x16xf32> to vector<16xf32>
    %get3A_2141 = arith.constant 12 : i32
    %get3A_2142 = arith.index_cast %get3A_2141 : i32 to index
    %get3A_2143 = arith.constant 96 : index
    %get3A_2144 = tpu.vector_load %arg9[%get3A_2142, %get3A_2143] {strides = array<i32>} : memref<16x128xf32, #tpu.memory_space<vmem>>, vector<1x16xf32>,
    %get3A_2145 = vector.shape_cast %get3A_2144 : vector<1x16xf32> to vector<16xf32>
    %sub3A_2146 = arith.subf %get3A_2140, %get3A_2145 : vector<16xf32>
    %mul3A_2147 = arith.mulf %sub3A_2146, %sub3A_2146 : vector<16xf32>
    %mul3A_2148 = vector.broadcast %select_n3A_2015 : f32 to vector<16xf32>
    %mul3A_2149 = arith.mulf %mul3A_2148, %mul3A_2147 : vector<16xf32>
    %add3A_2150 = arith.addf %add3A_2130, %mul3A_2149 : vector<16xf32>
    %mul3A_2151 = arith.mulf %get3A_2145, %get3A_2145 : vector<16xf32>
    %sub3A_2152 = arith.subf %get3A_2140, %mul3A_2151 : vector<16xf32>
    %mul3A_2153 = vector.broadcast %select_n3A_2015 : f32 to vector<16xf32>
    %mul3A_2154 = arith.mulf %mul3A_2153, %sub3A_2152 : vector<16xf32>
    %add3A_2155 = arith.addf %add3A_2135, %mul3A_2154 : vector<16xf32>
    %get3A_2156 = arith.constant 12 : i32
    %get3A_2157 = arith.index_cast %get3A_2156 : i32 to index
    %get3A_2158 = arith.constant 112 : index
    %get3A_2159 = tpu.vector_load %arg8[%get3A_2157, %get3A_2158] {strides = array<i32>} : memref<16x128xf32, #tpu.memory_space<vmem>>, vector<1x16xf32>,
    %get3A_2160 = vector.shape_cast %get3A_2159 : vector<1x16xf32> to vector<16xf32>
    %get3A_2161 = arith.constant 12 : i32
    %get3A_2162 = arith.index_cast %get3A_2161 : i32 to index
    %get3A_2163 = arith.constant 112 : index
    %get3A_2164 = tpu.vector_load %arg9[%get3A_2162, %get3A_2163] {strides = array<i32>} : memref<16x128xf32, #tpu.memory_space<vmem>>, vector<1x16xf32>,
    %get3A_2165 = vector.shape_cast %get3A_2164 : vector<1x16xf32> to vector<16xf32>
    %sub3A_2166 = arith.subf %get3A_2160, %get3A_2165 : vector<16xf32>
    %mul3A_2167 = arith.mulf %sub3A_2166, %sub3A_2166 : vector<16xf32>
    %mul3A_2168 = vector.broadcast %select_n3A_2015 : f32 to vector<16xf32>
    %mul3A_2169 = arith.mulf %mul3A_2168, %mul3A_2167 : vector<16xf32>
    %add3A_2170 = arith.addf %add3A_2150, %mul3A_2169 : vector<16xf32>
    %mul3A_2171 = arith.mulf %get3A_2165, %get3A_2165 : vector<16xf32>
    %sub3A_2172 = arith.subf %get3A_2160, %mul3A_2171 : vector<16xf32>
    %mul3A_2173 = vector.broadcast %select_n3A_2015 : f32 to vector<16xf32>
    %mul3A_2174 = arith.mulf %mul3A_2173, %sub3A_2172 : vector<16xf32>
    %add3A_2175 = arith.addf %add3A_2155, %mul3A_2174 : vector<16xf32>
    %add3A_2176 = arith.constant 13 : i32
    %add3A_2177 = arith.addi %mul3A_2, %add3A_2176 : i32
    %lt3A_2178 = arith.constant 392 : i32
    %lt3A_2179 = arith.cmpi slt, %add3A_2177, %lt3A_2178 : i32
    %jit3A_2180 = arith.constant 1.000000e+00 : f32
    %jit3A_2181 = arith.constant 0.000000e+00 : f32
    %select_n3A_2182 = arith.select %lt3A_2179, %jit3A_2180, %jit3A_2181 : f32
    %get3A_2183 = arith.constant 13 : i32
    %get3A_2184 = arith.index_cast %get3A_2183 : i32 to index
    %get3A_2185 = arith.constant 0 : index
    %get3A_2186 = tpu.vector_load %arg8[%get3A_2184, %get3A_2185] {strides = array<i32>} : memref<16x128xf32, #tpu.memory_space<vmem>>, vector<1x16xf32>,
    %get3A_2187 = vector.shape_cast %get3A_2186 : vector<1x16xf32> to vector<16xf32>
    %get3A_2188 = arith.constant 13 : i32
    %get3A_2189 = arith.index_cast %get3A_2188 : i32 to index
    %get3A_2190 = arith.constant 0 : index
    %get3A_2191 = tpu.vector_load %arg9[%get3A_2189, %get3A_2190] {strides = array<i32>} : memref<16x128xf32, #tpu.memory_space<vmem>>, vector<1x16xf32>,
    %get3A_2192 = vector.shape_cast %get3A_2191 : vector<1x16xf32> to vector<16xf32>
    %sub3A_2193 = arith.subf %get3A_2187, %get3A_2192 : vector<16xf32>
    %mul3A_2194 = arith.mulf %sub3A_2193, %sub3A_2193 : vector<16xf32>
    %mul3A_2195 = vector.broadcast %select_n3A_2182 : f32 to vector<16xf32>
    %mul3A_2196 = arith.mulf %mul3A_2195, %mul3A_2194 : vector<16xf32>
    %add3A_2197 = arith.addf %add3A_2170, %mul3A_2196 : vector<16xf32>
    %mul3A_2198 = arith.mulf %get3A_2192, %get3A_2192 : vector<16xf32>
    %sub3A_2199 = arith.subf %get3A_2187, %mul3A_2198 : vector<16xf32>
    %mul3A_2200 = vector.broadcast %select_n3A_2182 : f32 to vector<16xf32>
    %mul3A_2201 = arith.mulf %mul3A_2200, %sub3A_2199 : vector<16xf32>
    %add3A_2202 = arith.addf %add3A_2175, %mul3A_2201 : vector<16xf32>
    %get3A_2203 = arith.constant 13 : i32
    %get3A_2204 = arith.index_cast %get3A_2203 : i32 to index
    %get3A_2205 = arith.constant 16 : index
    %get3A_2206 = tpu.vector_load %arg8[%get3A_2204, %get3A_2205] {strides = array<i32>} : memref<16x128xf32, #tpu.memory_space<vmem>>, vector<1x16xf32>,
    %get3A_2207 = vector.shape_cast %get3A_2206 : vector<1x16xf32> to vector<16xf32>
    %get3A_2208 = arith.constant 13 : i32
    %get3A_2209 = arith.index_cast %get3A_2208 : i32 to index
    %get3A_2210 = arith.constant 16 : index
    %get3A_2211 = tpu.vector_load %arg9[%get3A_2209, %get3A_2210] {strides = array<i32>} : memref<16x128xf32, #tpu.memory_space<vmem>>, vector<1x16xf32>,
    %get3A_2212 = vector.shape_cast %get3A_2211 : vector<1x16xf32> to vector<16xf32>
    %sub3A_2213 = arith.subf %get3A_2207, %get3A_2212 : vector<16xf32>
    %mul3A_2214 = arith.mulf %sub3A_2213, %sub3A_2213 : vector<16xf32>
    %mul3A_2215 = vector.broadcast %select_n3A_2182 : f32 to vector<16xf32>
    %mul3A_2216 = arith.mulf %mul3A_2215, %mul3A_2214 : vector<16xf32>
    %add3A_2217 = arith.addf %add3A_2197, %mul3A_2216 : vector<16xf32>
    %mul3A_2218 = arith.mulf %get3A_2212, %get3A_2212 : vector<16xf32>
    %sub3A_2219 = arith.subf %get3A_2207, %mul3A_2218 : vector<16xf32>
    %mul3A_2220 = vector.broadcast %select_n3A_2182 : f32 to vector<16xf32>
    %mul3A_2221 = arith.mulf %mul3A_2220, %sub3A_2219 : vector<16xf32>
    %add3A_2222 = arith.addf %add3A_2202, %mul3A_2221 : vector<16xf32>
    %get3A_2223 = arith.constant 13 : i32
    %get3A_2224 = arith.index_cast %get3A_2223 : i32 to index
    %get3A_2225 = arith.constant 32 : index
    %get3A_2226 = tpu.vector_load %arg8[%get3A_2224, %get3A_2225] {strides = array<i32>} : memref<16x128xf32, #tpu.memory_space<vmem>>, vector<1x16xf32>,
    %get3A_2227 = vector.shape_cast %get3A_2226 : vector<1x16xf32> to vector<16xf32>
    %get3A_2228 = arith.constant 13 : i32
    %get3A_2229 = arith.index_cast %get3A_2228 : i32 to index
    %get3A_2230 = arith.constant 32 : index
    %get3A_2231 = tpu.vector_load %arg9[%get3A_2229, %get3A_2230] {strides = array<i32>} : memref<16x128xf32, #tpu.memory_space<vmem>>, vector<1x16xf32>,
    %get3A_2232 = vector.shape_cast %get3A_2231 : vector<1x16xf32> to vector<16xf32>
    %sub3A_2233 = arith.subf %get3A_2227, %get3A_2232 : vector<16xf32>
    %mul3A_2234 = arith.mulf %sub3A_2233, %sub3A_2233 : vector<16xf32>
    %mul3A_2235 = vector.broadcast %select_n3A_2182 : f32 to vector<16xf32>
    %mul3A_2236 = arith.mulf %mul3A_2235, %mul3A_2234 : vector<16xf32>
    %add3A_2237 = arith.addf %add3A_2217, %mul3A_2236 : vector<16xf32>
    %mul3A_2238 = arith.mulf %get3A_2232, %get3A_2232 : vector<16xf32>
    %sub3A_2239 = arith.subf %get3A_2227, %mul3A_2238 : vector<16xf32>
    %mul3A_2240 = vector.broadcast %select_n3A_2182 : f32 to vector<16xf32>
    %mul3A_2241 = arith.mulf %mul3A_2240, %sub3A_2239 : vector<16xf32>
    %add3A_2242 = arith.addf %add3A_2222, %mul3A_2241 : vector<16xf32>
    %get3A_2243 = arith.constant 13 : i32
    %get3A_2244 = arith.index_cast %get3A_2243 : i32 to index
    %get3A_2245 = arith.constant 48 : index
    %get3A_2246 = tpu.vector_load %arg8[%get3A_2244, %get3A_2245] {strides = array<i32>} : memref<16x128xf32, #tpu.memory_space<vmem>>, vector<1x16xf32>,
    %get3A_2247 = vector.shape_cast %get3A_2246 : vector<1x16xf32> to vector<16xf32>
    %get3A_2248 = arith.constant 13 : i32
    %get3A_2249 = arith.index_cast %get3A_2248 : i32 to index
    %get3A_2250 = arith.constant 48 : index
    %get3A_2251 = tpu.vector_load %arg9[%get3A_2249, %get3A_2250] {strides = array<i32>} : memref<16x128xf32, #tpu.memory_space<vmem>>, vector<1x16xf32>,
    %get3A_2252 = vector.shape_cast %get3A_2251 : vector<1x16xf32> to vector<16xf32>
    %sub3A_2253 = arith.subf %get3A_2247, %get3A_2252 : vector<16xf32>
    %mul3A_2254 = arith.mulf %sub3A_2253, %sub3A_2253 : vector<16xf32>
    %mul3A_2255 = vector.broadcast %select_n3A_2182 : f32 to vector<16xf32>
    %mul3A_2256 = arith.mulf %mul3A_2255, %mul3A_2254 : vector<16xf32>
    %add3A_2257 = arith.addf %add3A_2237, %mul3A_2256 : vector<16xf32>
    %mul3A_2258 = arith.mulf %get3A_2252, %get3A_2252 : vector<16xf32>
    %sub3A_2259 = arith.subf %get3A_2247, %mul3A_2258 : vector<16xf32>
    %mul3A_2260 = vector.broadcast %select_n3A_2182 : f32 to vector<16xf32>
    %mul3A_2261 = arith.mulf %mul3A_2260, %sub3A_2259 : vector<16xf32>
    %add3A_2262 = arith.addf %add3A_2242, %mul3A_2261 : vector<16xf32>
    %get3A_2263 = arith.constant 13 : i32
    %get3A_2264 = arith.index_cast %get3A_2263 : i32 to index
    %get3A_2265 = arith.constant 64 : index
    %get3A_2266 = tpu.vector_load %arg8[%get3A_2264, %get3A_2265] {strides = array<i32>} : memref<16x128xf32, #tpu.memory_space<vmem>>, vector<1x16xf32>,
    %get3A_2267 = vector.shape_cast %get3A_2266 : vector<1x16xf32> to vector<16xf32>
    %get3A_2268 = arith.constant 13 : i32
    %get3A_2269 = arith.index_cast %get3A_2268 : i32 to index
    %get3A_2270 = arith.constant 64 : index
    %get3A_2271 = tpu.vector_load %arg9[%get3A_2269, %get3A_2270] {strides = array<i32>} : memref<16x128xf32, #tpu.memory_space<vmem>>, vector<1x16xf32>,
    %get3A_2272 = vector.shape_cast %get3A_2271 : vector<1x16xf32> to vector<16xf32>
    %sub3A_2273 = arith.subf %get3A_2267, %get3A_2272 : vector<16xf32>
    %mul3A_2274 = arith.mulf %sub3A_2273, %sub3A_2273 : vector<16xf32>
    %mul3A_2275 = vector.broadcast %select_n3A_2182 : f32 to vector<16xf32>
    %mul3A_2276 = arith.mulf %mul3A_2275, %mul3A_2274 : vector<16xf32>
    %add3A_2277 = arith.addf %add3A_2257, %mul3A_2276 : vector<16xf32>
    %mul3A_2278 = arith.mulf %get3A_2272, %get3A_2272 : vector<16xf32>
    %sub3A_2279 = arith.subf %get3A_2267, %mul3A_2278 : vector<16xf32>
    %mul3A_2280 = vector.broadcast %select_n3A_2182 : f32 to vector<16xf32>
    %mul3A_2281 = arith.mulf %mul3A_2280, %sub3A_2279 : vector<16xf32>
    %add3A_2282 = arith.addf %add3A_2262, %mul3A_2281 : vector<16xf32>
    %get3A_2283 = arith.constant 13 : i32
    %get3A_2284 = arith.index_cast %get3A_2283 : i32 to index
    %get3A_2285 = arith.constant 80 : index
    %get3A_2286 = tpu.vector_load %arg8[%get3A_2284, %get3A_2285] {strides = array<i32>} : memref<16x128xf32, #tpu.memory_space<vmem>>, vector<1x16xf32>,
    %get3A_2287 = vector.shape_cast %get3A_2286 : vector<1x16xf32> to vector<16xf32>
    %get3A_2288 = arith.constant 13 : i32
    %get3A_2289 = arith.index_cast %get3A_2288 : i32 to index
    %get3A_2290 = arith.constant 80 : index
    %get3A_2291 = tpu.vector_load %arg9[%get3A_2289, %get3A_2290] {strides = array<i32>} : memref<16x128xf32, #tpu.memory_space<vmem>>, vector<1x16xf32>,
    %get3A_2292 = vector.shape_cast %get3A_2291 : vector<1x16xf32> to vector<16xf32>
    %sub3A_2293 = arith.subf %get3A_2287, %get3A_2292 : vector<16xf32>
    %mul3A_2294 = arith.mulf %sub3A_2293, %sub3A_2293 : vector<16xf32>
    %mul3A_2295 = vector.broadcast %select_n3A_2182 : f32 to vector<16xf32>
    %mul3A_2296 = arith.mulf %mul3A_2295, %mul3A_2294 : vector<16xf32>
    %add3A_2297 = arith.addf %add3A_2277, %mul3A_2296 : vector<16xf32>
    %mul3A_2298 = arith.mulf %get3A_2292, %get3A_2292 : vector<16xf32>
    %sub3A_2299 = arith.subf %get3A_2287, %mul3A_2298 : vector<16xf32>
    %mul3A_2300 = vector.broadcast %select_n3A_2182 : f32 to vector<16xf32>
    %mul3A_2301 = arith.mulf %mul3A_2300, %sub3A_2299 : vector<16xf32>
    %add3A_2302 = arith.addf %add3A_2282, %mul3A_2301 : vector<16xf32>
    %get3A_2303 = arith.constant 13 : i32
    %get3A_2304 = arith.index_cast %get3A_2303 : i32 to index
    %get3A_2305 = arith.constant 96 : index
    %get3A_2306 = tpu.vector_load %arg8[%get3A_2304, %get3A_2305] {strides = array<i32>} : memref<16x128xf32, #tpu.memory_space<vmem>>, vector<1x16xf32>,
    %get3A_2307 = vector.shape_cast %get3A_2306 : vector<1x16xf32> to vector<16xf32>
    %get3A_2308 = arith.constant 13 : i32
    %get3A_2309 = arith.index_cast %get3A_2308 : i32 to index
    %get3A_2310 = arith.constant 96 : index
    %get3A_2311 = tpu.vector_load %arg9[%get3A_2309, %get3A_2310] {strides = array<i32>} : memref<16x128xf32, #tpu.memory_space<vmem>>, vector<1x16xf32>,
    %get3A_2312 = vector.shape_cast %get3A_2311 : vector<1x16xf32> to vector<16xf32>
    %sub3A_2313 = arith.subf %get3A_2307, %get3A_2312 : vector<16xf32>
    %mul3A_2314 = arith.mulf %sub3A_2313, %sub3A_2313 : vector<16xf32>
    %mul3A_2315 = vector.broadcast %select_n3A_2182 : f32 to vector<16xf32>
    %mul3A_2316 = arith.mulf %mul3A_2315, %mul3A_2314 : vector<16xf32>
    %add3A_2317 = arith.addf %add3A_2297, %mul3A_2316 : vector<16xf32>
    %mul3A_2318 = arith.mulf %get3A_2312, %get3A_2312 : vector<16xf32>
    %sub3A_2319 = arith.subf %get3A_2307, %mul3A_2318 : vector<16xf32>
    %mul3A_2320 = vector.broadcast %select_n3A_2182 : f32 to vector<16xf32>
    %mul3A_2321 = arith.mulf %mul3A_2320, %sub3A_2319 : vector<16xf32>
    %add3A_2322 = arith.addf %add3A_2302, %mul3A_2321 : vector<16xf32>
    %get3A_2323 = arith.constant 13 : i32
    %get3A_2324 = arith.index_cast %get3A_2323 : i32 to index
    %get3A_2325 = arith.constant 112 : index
    %get3A_2326 = tpu.vector_load %arg8[%get3A_2324, %get3A_2325] {strides = array<i32>} : memref<16x128xf32, #tpu.memory_space<vmem>>, vector<1x16xf32>,
    %get3A_2327 = vector.shape_cast %get3A_2326 : vector<1x16xf32> to vector<16xf32>
    %get3A_2328 = arith.constant 13 : i32
    %get3A_2329 = arith.index_cast %get3A_2328 : i32 to index
    %get3A_2330 = arith.constant 112 : index
    %get3A_2331 = tpu.vector_load %arg9[%get3A_2329, %get3A_2330] {strides = array<i32>} : memref<16x128xf32, #tpu.memory_space<vmem>>, vector<1x16xf32>,
    %get3A_2332 = vector.shape_cast %get3A_2331 : vector<1x16xf32> to vector<16xf32>
    %sub3A_2333 = arith.subf %get3A_2327, %get3A_2332 : vector<16xf32>
    %mul3A_2334 = arith.mulf %sub3A_2333, %sub3A_2333 : vector<16xf32>
    %mul3A_2335 = vector.broadcast %select_n3A_2182 : f32 to vector<16xf32>
    %mul3A_2336 = arith.mulf %mul3A_2335, %mul3A_2334 : vector<16xf32>
    %add3A_2337 = arith.addf %add3A_2317, %mul3A_2336 : vector<16xf32>
    %mul3A_2338 = arith.mulf %get3A_2332, %get3A_2332 : vector<16xf32>
    %sub3A_2339 = arith.subf %get3A_2327, %mul3A_2338 : vector<16xf32>
    %mul3A_2340 = vector.broadcast %select_n3A_2182 : f32 to vector<16xf32>
    %mul3A_2341 = arith.mulf %mul3A_2340, %sub3A_2339 : vector<16xf32>
    %add3A_2342 = arith.addf %add3A_2322, %mul3A_2341 : vector<16xf32>
    %add3A_2343 = arith.constant 14 : i32
    %add3A_2344 = arith.addi %mul3A_2, %add3A_2343 : i32
    %lt3A_2345 = arith.constant 392 : i32
    %lt3A_2346 = arith.cmpi slt, %add3A_2344, %lt3A_2345 : i32
    %jit3A_2347 = arith.constant 1.000000e+00 : f32
    %jit3A_2348 = arith.constant 0.000000e+00 : f32
    %select_n3A_2349 = arith.select %lt3A_2346, %jit3A_2347, %jit3A_2348 : f32
    %get3A_2350 = arith.constant 14 : i32
    %get3A_2351 = arith.index_cast %get3A_2350 : i32 to index
    %get3A_2352 = arith.constant 0 : index
    %get3A_2353 = tpu.vector_load %arg8[%get3A_2351, %get3A_2352] {strides = array<i32>} : memref<16x128xf32, #tpu.memory_space<vmem>>, vector<1x16xf32>,
    %get3A_2354 = vector.shape_cast %get3A_2353 : vector<1x16xf32> to vector<16xf32>
    %get3A_2355 = arith.constant 14 : i32
    %get3A_2356 = arith.index_cast %get3A_2355 : i32 to index
    %get3A_2357 = arith.constant 0 : index
    %get3A_2358 = tpu.vector_load %arg9[%get3A_2356, %get3A_2357] {strides = array<i32>} : memref<16x128xf32, #tpu.memory_space<vmem>>, vector<1x16xf32>,
    %get3A_2359 = vector.shape_cast %get3A_2358 : vector<1x16xf32> to vector<16xf32>
    %sub3A_2360 = arith.subf %get3A_2354, %get3A_2359 : vector<16xf32>
    %mul3A_2361 = arith.mulf %sub3A_2360, %sub3A_2360 : vector<16xf32>
    %mul3A_2362 = vector.broadcast %select_n3A_2349 : f32 to vector<16xf32>
    %mul3A_2363 = arith.mulf %mul3A_2362, %mul3A_2361 : vector<16xf32>
    %add3A_2364 = arith.addf %add3A_2337, %mul3A_2363 : vector<16xf32>
    %mul3A_2365 = arith.mulf %get3A_2359, %get3A_2359 : vector<16xf32>
    %sub3A_2366 = arith.subf %get3A_2354, %mul3A_2365 : vector<16xf32>
    %mul3A_2367 = vector.broadcast %select_n3A_2349 : f32 to vector<16xf32>
    %mul3A_2368 = arith.mulf %mul3A_2367, %sub3A_2366 : vector<16xf32>
    %add3A_2369 = arith.addf %add3A_2342, %mul3A_2368 : vector<16xf32>
    %get3A_2370 = arith.constant 14 : i32
    %get3A_2371 = arith.index_cast %get3A_2370 : i32 to index
    %get3A_2372 = arith.constant 16 : index
    %get3A_2373 = tpu.vector_load %arg8[%get3A_2371, %get3A_2372] {strides = array<i32>} : memref<16x128xf32, #tpu.memory_space<vmem>>, vector<1x16xf32>,
    %get3A_2374 = vector.shape_cast %get3A_2373 : vector<1x16xf32> to vector<16xf32>
    %get3A_2375 = arith.constant 14 : i32
    %get3A_2376 = arith.index_cast %get3A_2375 : i32 to index
    %get3A_2377 = arith.constant 16 : index
    %get3A_2378 = tpu.vector_load %arg9[%get3A_2376, %get3A_2377] {strides = array<i32>} : memref<16x128xf32, #tpu.memory_space<vmem>>, vector<1x16xf32>,
    %get3A_2379 = vector.shape_cast %get3A_2378 : vector<1x16xf32> to vector<16xf32>
    %sub3A_2380 = arith.subf %get3A_2374, %get3A_2379 : vector<16xf32>
    %mul3A_2381 = arith.mulf %sub3A_2380, %sub3A_2380 : vector<16xf32>
    %mul3A_2382 = vector.broadcast %select_n3A_2349 : f32 to vector<16xf32>
    %mul3A_2383 = arith.mulf %mul3A_2382, %mul3A_2381 : vector<16xf32>
    %add3A_2384 = arith.addf %add3A_2364, %mul3A_2383 : vector<16xf32>
    %mul3A_2385 = arith.mulf %get3A_2379, %get3A_2379 : vector<16xf32>
    %sub3A_2386 = arith.subf %get3A_2374, %mul3A_2385 : vector<16xf32>
    %mul3A_2387 = vector.broadcast %select_n3A_2349 : f32 to vector<16xf32>
    %mul3A_2388 = arith.mulf %mul3A_2387, %sub3A_2386 : vector<16xf32>
    %add3A_2389 = arith.addf %add3A_2369, %mul3A_2388 : vector<16xf32>
    %get3A_2390 = arith.constant 14 : i32
    %get3A_2391 = arith.index_cast %get3A_2390 : i32 to index
    %get3A_2392 = arith.constant 32 : index
    %get3A_2393 = tpu.vector_load %arg8[%get3A_2391, %get3A_2392] {strides = array<i32>} : memref<16x128xf32, #tpu.memory_space<vmem>>, vector<1x16xf32>,
    %get3A_2394 = vector.shape_cast %get3A_2393 : vector<1x16xf32> to vector<16xf32>
    %get3A_2395 = arith.constant 14 : i32
    %get3A_2396 = arith.index_cast %get3A_2395 : i32 to index
    %get3A_2397 = arith.constant 32 : index
    %get3A_2398 = tpu.vector_load %arg9[%get3A_2396, %get3A_2397] {strides = array<i32>} : memref<16x128xf32, #tpu.memory_space<vmem>>, vector<1x16xf32>,
    %get3A_2399 = vector.shape_cast %get3A_2398 : vector<1x16xf32> to vector<16xf32>
    %sub3A_2400 = arith.subf %get3A_2394, %get3A_2399 : vector<16xf32>
    %mul3A_2401 = arith.mulf %sub3A_2400, %sub3A_2400 : vector<16xf32>
    %mul3A_2402 = vector.broadcast %select_n3A_2349 : f32 to vector<16xf32>
    %mul3A_2403 = arith.mulf %mul3A_2402, %mul3A_2401 : vector<16xf32>
    %add3A_2404 = arith.addf %add3A_2384, %mul3A_2403 : vector<16xf32>
    %mul3A_2405 = arith.mulf %get3A_2399, %get3A_2399 : vector<16xf32>
    %sub3A_2406 = arith.subf %get3A_2394, %mul3A_2405 : vector<16xf32>
    %mul3A_2407 = vector.broadcast %select_n3A_2349 : f32 to vector<16xf32>
    %mul3A_2408 = arith.mulf %mul3A_2407, %sub3A_2406 : vector<16xf32>
    %add3A_2409 = arith.addf %add3A_2389, %mul3A_2408 : vector<16xf32>
    %get3A_2410 = arith.constant 14 : i32
    %get3A_2411 = arith.index_cast %get3A_2410 : i32 to index
    %get3A_2412 = arith.constant 48 : index
    %get3A_2413 = tpu.vector_load %arg8[%get3A_2411, %get3A_2412] {strides = array<i32>} : memref<16x128xf32, #tpu.memory_space<vmem>>, vector<1x16xf32>,
    %get3A_2414 = vector.shape_cast %get3A_2413 : vector<1x16xf32> to vector<16xf32>
    %get3A_2415 = arith.constant 14 : i32
    %get3A_2416 = arith.index_cast %get3A_2415 : i32 to index
    %get3A_2417 = arith.constant 48 : index
    %get3A_2418 = tpu.vector_load %arg9[%get3A_2416, %get3A_2417] {strides = array<i32>} : memref<16x128xf32, #tpu.memory_space<vmem>>, vector<1x16xf32>,
    %get3A_2419 = vector.shape_cast %get3A_2418 : vector<1x16xf32> to vector<16xf32>
    %sub3A_2420 = arith.subf %get3A_2414, %get3A_2419 : vector<16xf32>
    %mul3A_2421 = arith.mulf %sub3A_2420, %sub3A_2420 : vector<16xf32>
    %mul3A_2422 = vector.broadcast %select_n3A_2349 : f32 to vector<16xf32>
    %mul3A_2423 = arith.mulf %mul3A_2422, %mul3A_2421 : vector<16xf32>
    %add3A_2424 = arith.addf %add3A_2404, %mul3A_2423 : vector<16xf32>
    %mul3A_2425 = arith.mulf %get3A_2419, %get3A_2419 : vector<16xf32>
    %sub3A_2426 = arith.subf %get3A_2414, %mul3A_2425 : vector<16xf32>
    %mul3A_2427 = vector.broadcast %select_n3A_2349 : f32 to vector<16xf32>
    %mul3A_2428 = arith.mulf %mul3A_2427, %sub3A_2426 : vector<16xf32>
    %add3A_2429 = arith.addf %add3A_2409, %mul3A_2428 : vector<16xf32>
    %get3A_2430 = arith.constant 14 : i32
    %get3A_2431 = arith.index_cast %get3A_2430 : i32 to index
    %get3A_2432 = arith.constant 64 : index
    %get3A_2433 = tpu.vector_load %arg8[%get3A_2431, %get3A_2432] {strides = array<i32>} : memref<16x128xf32, #tpu.memory_space<vmem>>, vector<1x16xf32>,
    %get3A_2434 = vector.shape_cast %get3A_2433 : vector<1x16xf32> to vector<16xf32>
    %get3A_2435 = arith.constant 14 : i32
    %get3A_2436 = arith.index_cast %get3A_2435 : i32 to index
    %get3A_2437 = arith.constant 64 : index
    %get3A_2438 = tpu.vector_load %arg9[%get3A_2436, %get3A_2437] {strides = array<i32>} : memref<16x128xf32, #tpu.memory_space<vmem>>, vector<1x16xf32>,
    %get3A_2439 = vector.shape_cast %get3A_2438 : vector<1x16xf32> to vector<16xf32>
    %sub3A_2440 = arith.subf %get3A_2434, %get3A_2439 : vector<16xf32>
    %mul3A_2441 = arith.mulf %sub3A_2440, %sub3A_2440 : vector<16xf32>
    %mul3A_2442 = vector.broadcast %select_n3A_2349 : f32 to vector<16xf32>
    %mul3A_2443 = arith.mulf %mul3A_2442, %mul3A_2441 : vector<16xf32>
    %add3A_2444 = arith.addf %add3A_2424, %mul3A_2443 : vector<16xf32>
    %mul3A_2445 = arith.mulf %get3A_2439, %get3A_2439 : vector<16xf32>
    %sub3A_2446 = arith.subf %get3A_2434, %mul3A_2445 : vector<16xf32>
    %mul3A_2447 = vector.broadcast %select_n3A_2349 : f32 to vector<16xf32>
    %mul3A_2448 = arith.mulf %mul3A_2447, %sub3A_2446 : vector<16xf32>
    %add3A_2449 = arith.addf %add3A_2429, %mul3A_2448 : vector<16xf32>
    %get3A_2450 = arith.constant 14 : i32
    %get3A_2451 = arith.index_cast %get3A_2450 : i32 to index
    %get3A_2452 = arith.constant 80 : index
    %get3A_2453 = tpu.vector_load %arg8[%get3A_2451, %get3A_2452] {strides = array<i32>} : memref<16x128xf32, #tpu.memory_space<vmem>>, vector<1x16xf32>,
    %get3A_2454 = vector.shape_cast %get3A_2453 : vector<1x16xf32> to vector<16xf32>
    %get3A_2455 = arith.constant 14 : i32
    %get3A_2456 = arith.index_cast %get3A_2455 : i32 to index
    %get3A_2457 = arith.constant 80 : index
    %get3A_2458 = tpu.vector_load %arg9[%get3A_2456, %get3A_2457] {strides = array<i32>} : memref<16x128xf32, #tpu.memory_space<vmem>>, vector<1x16xf32>,
    %get3A_2459 = vector.shape_cast %get3A_2458 : vector<1x16xf32> to vector<16xf32>
    %sub3A_2460 = arith.subf %get3A_2454, %get3A_2459 : vector<16xf32>
    %mul3A_2461 = arith.mulf %sub3A_2460, %sub3A_2460 : vector<16xf32>
    %mul3A_2462 = vector.broadcast %select_n3A_2349 : f32 to vector<16xf32>
    %mul3A_2463 = arith.mulf %mul3A_2462, %mul3A_2461 : vector<16xf32>
    %add3A_2464 = arith.addf %add3A_2444, %mul3A_2463 : vector<16xf32>
    %mul3A_2465 = arith.mulf %get3A_2459, %get3A_2459 : vector<16xf32>
    %sub3A_2466 = arith.subf %get3A_2454, %mul3A_2465 : vector<16xf32>
    %mul3A_2467 = vector.broadcast %select_n3A_2349 : f32 to vector<16xf32>
    %mul3A_2468 = arith.mulf %mul3A_2467, %sub3A_2466 : vector<16xf32>
    %add3A_2469 = arith.addf %add3A_2449, %mul3A_2468 : vector<16xf32>
    %get3A_2470 = arith.constant 14 : i32
    %get3A_2471 = arith.index_cast %get3A_2470 : i32 to index
    %get3A_2472 = arith.constant 96 : index
    %get3A_2473 = tpu.vector_load %arg8[%get3A_2471, %get3A_2472] {strides = array<i32>} : memref<16x128xf32, #tpu.memory_space<vmem>>, vector<1x16xf32>,
    %get3A_2474 = vector.shape_cast %get3A_2473 : vector<1x16xf32> to vector<16xf32>
    %get3A_2475 = arith.constant 14 : i32
    %get3A_2476 = arith.index_cast %get3A_2475 : i32 to index
    %get3A_2477 = arith.constant 96 : index
    %get3A_2478 = tpu.vector_load %arg9[%get3A_2476, %get3A_2477] {strides = array<i32>} : memref<16x128xf32, #tpu.memory_space<vmem>>, vector<1x16xf32>,
    %get3A_2479 = vector.shape_cast %get3A_2478 : vector<1x16xf32> to vector<16xf32>
    %sub3A_2480 = arith.subf %get3A_2474, %get3A_2479 : vector<16xf32>
    %mul3A_2481 = arith.mulf %sub3A_2480, %sub3A_2480 : vector<16xf32>
    %mul3A_2482 = vector.broadcast %select_n3A_2349 : f32 to vector<16xf32>
    %mul3A_2483 = arith.mulf %mul3A_2482, %mul3A_2481 : vector<16xf32>
    %add3A_2484 = arith.addf %add3A_2464, %mul3A_2483 : vector<16xf32>
    %mul3A_2485 = arith.mulf %get3A_2479, %get3A_2479 : vector<16xf32>
    %sub3A_2486 = arith.subf %get3A_2474, %mul3A_2485 : vector<16xf32>
    %mul3A_2487 = vector.broadcast %select_n3A_2349 : f32 to vector<16xf32>
    %mul3A_2488 = arith.mulf %mul3A_2487, %sub3A_2486 : vector<16xf32>
    %add3A_2489 = arith.addf %add3A_2469, %mul3A_2488 : vector<16xf32>
    %get3A_2490 = arith.constant 14 : i32
    %get3A_2491 = arith.index_cast %get3A_2490 : i32 to index
    %get3A_2492 = arith.constant 112 : index
    %get3A_2493 = tpu.vector_load %arg8[%get3A_2491, %get3A_2492] {strides = array<i32>} : memref<16x128xf32, #tpu.memory_space<vmem>>, vector<1x16xf32>,
    %get3A_2494 = vector.shape_cast %get3A_2493 : vector<1x16xf32> to vector<16xf32>
    %get3A_2495 = arith.constant 14 : i32
    %get3A_2496 = arith.index_cast %get3A_2495 : i32 to index
    %get3A_2497 = arith.constant 112 : index
    %get3A_2498 = tpu.vector_load %arg9[%get3A_2496, %get3A_2497] {strides = array<i32>} : memref<16x128xf32, #tpu.memory_space<vmem>>, vector<1x16xf32>,
    %get3A_2499 = vector.shape_cast %get3A_2498 : vector<1x16xf32> to vector<16xf32>
    %sub3A_2500 = arith.subf %get3A_2494, %get3A_2499 : vector<16xf32>
    %mul3A_2501 = arith.mulf %sub3A_2500, %sub3A_2500 : vector<16xf32>
    %mul3A_2502 = vector.broadcast %select_n3A_2349 : f32 to vector<16xf32>
    %mul3A_2503 = arith.mulf %mul3A_2502, %mul3A_2501 : vector<16xf32>
    %add3A_2504 = arith.addf %add3A_2484, %mul3A_2503 : vector<16xf32>
    %mul3A_2505 = arith.mulf %get3A_2499, %get3A_2499 : vector<16xf32>
    %sub3A_2506 = arith.subf %get3A_2494, %mul3A_2505 : vector<16xf32>
    %mul3A_2507 = vector.broadcast %select_n3A_2349 : f32 to vector<16xf32>
    %mul3A_2508 = arith.mulf %mul3A_2507, %sub3A_2506 : vector<16xf32>
    %add3A_2509 = arith.addf %add3A_2489, %mul3A_2508 : vector<16xf32>
    %add3A_2510 = arith.constant 15 : i32
    %add3A_2511 = arith.addi %mul3A_2, %add3A_2510 : i32
    %lt3A_2512 = arith.constant 392 : i32
    %lt3A_2513 = arith.cmpi slt, %add3A_2511, %lt3A_2512 : i32
    %jit3A_2514 = arith.constant 1.000000e+00 : f32
    %jit3A_2515 = arith.constant 0.000000e+00 : f32
    %select_n3A_2516 = arith.select %lt3A_2513, %jit3A_2514, %jit3A_2515 : f32
    %get3A_2517 = arith.constant 15 : i32
    %get3A_2518 = arith.index_cast %get3A_2517 : i32 to index
    %get3A_2519 = arith.constant 0 : index
    %get3A_2520 = tpu.vector_load %arg8[%get3A_2518, %get3A_2519] {strides = array<i32>} : memref<16x128xf32, #tpu.memory_space<vmem>>, vector<1x16xf32>,
    %get3A_2521 = vector.shape_cast %get3A_2520 : vector<1x16xf32> to vector<16xf32>
    %get3A_2522 = arith.constant 15 : i32
    %get3A_2523 = arith.index_cast %get3A_2522 : i32 to index
    %get3A_2524 = arith.constant 0 : index
    %get3A_2525 = tpu.vector_load %arg9[%get3A_2523, %get3A_2524] {strides = array<i32>} : memref<16x128xf32, #tpu.memory_space<vmem>>, vector<1x16xf32>,
    %get3A_2526 = vector.shape_cast %get3A_2525 : vector<1x16xf32> to vector<16xf32>
    %sub3A_2527 = arith.subf %get3A_2521, %get3A_2526 : vector<16xf32>
    %mul3A_2528 = arith.mulf %sub3A_2527, %sub3A_2527 : vector<16xf32>
    %mul3A_2529 = vector.broadcast %select_n3A_2516 : f32 to vector<16xf32>
    %mul3A_2530 = arith.mulf %mul3A_2529, %mul3A_2528 : vector<16xf32>
    %add3A_2531 = arith.addf %add3A_2504, %mul3A_2530 : vector<16xf32>
    %mul3A_2532 = arith.mulf %get3A_2526, %get3A_2526 : vector<16xf32>
    %sub3A_2533 = arith.subf %get3A_2521, %mul3A_2532 : vector<16xf32>
    %mul3A_2534 = vector.broadcast %select_n3A_2516 : f32 to vector<16xf32>
    %mul3A_2535 = arith.mulf %mul3A_2534, %sub3A_2533 : vector<16xf32>
    %add3A_2536 = arith.addf %add3A_2509, %mul3A_2535 : vector<16xf32>
    %get3A_2537 = arith.constant 15 : i32
    %get3A_2538 = arith.index_cast %get3A_2537 : i32 to index
    %get3A_2539 = arith.constant 16 : index
    %get3A_2540 = tpu.vector_load %arg8[%get3A_2538, %get3A_2539] {strides = array<i32>} : memref<16x128xf32, #tpu.memory_space<vmem>>, vector<1x16xf32>,
    %get3A_2541 = vector.shape_cast %get3A_2540 : vector<1x16xf32> to vector<16xf32>
    %get3A_2542 = arith.constant 15 : i32
    %get3A_2543 = arith.index_cast %get3A_2542 : i32 to index
    %get3A_2544 = arith.constant 16 : index
    %get3A_2545 = tpu.vector_load %arg9[%get3A_2543, %get3A_2544] {strides = array<i32>} : memref<16x128xf32, #tpu.memory_space<vmem>>, vector<1x16xf32>,
    %get3A_2546 = vector.shape_cast %get3A_2545 : vector<1x16xf32> to vector<16xf32>
    %sub3A_2547 = arith.subf %get3A_2541, %get3A_2546 : vector<16xf32>
    %mul3A_2548 = arith.mulf %sub3A_2547, %sub3A_2547 : vector<16xf32>
    %mul3A_2549 = vector.broadcast %select_n3A_2516 : f32 to vector<16xf32>
    %mul3A_2550 = arith.mulf %mul3A_2549, %mul3A_2548 : vector<16xf32>
    %add3A_2551 = arith.addf %add3A_2531, %mul3A_2550 : vector<16xf32>
    %mul3A_2552 = arith.mulf %get3A_2546, %get3A_2546 : vector<16xf32>
    %sub3A_2553 = arith.subf %get3A_2541, %mul3A_2552 : vector<16xf32>
    %mul3A_2554 = vector.broadcast %select_n3A_2516 : f32 to vector<16xf32>
    %mul3A_2555 = arith.mulf %mul3A_2554, %sub3A_2553 : vector<16xf32>
    %add3A_2556 = arith.addf %add3A_2536, %mul3A_2555 : vector<16xf32>
    %get3A_2557 = arith.constant 15 : i32
    %get3A_2558 = arith.index_cast %get3A_2557 : i32 to index
    %get3A_2559 = arith.constant 32 : index
    %get3A_2560 = tpu.vector_load %arg8[%get3A_2558, %get3A_2559] {strides = array<i32>} : memref<16x128xf32, #tpu.memory_space<vmem>>, vector<1x16xf32>,
    %get3A_2561 = vector.shape_cast %get3A_2560 : vector<1x16xf32> to vector<16xf32>
    %get3A_2562 = arith.constant 15 : i32
    %get3A_2563 = arith.index_cast %get3A_2562 : i32 to index
    %get3A_2564 = arith.constant 32 : index
    %get3A_2565 = tpu.vector_load %arg9[%get3A_2563, %get3A_2564] {strides = array<i32>} : memref<16x128xf32, #tpu.memory_space<vmem>>, vector<1x16xf32>,
    %get3A_2566 = vector.shape_cast %get3A_2565 : vector<1x16xf32> to vector<16xf32>
    %sub3A_2567 = arith.subf %get3A_2561, %get3A_2566 : vector<16xf32>
    %mul3A_2568 = arith.mulf %sub3A_2567, %sub3A_2567 : vector<16xf32>
    %mul3A_2569 = vector.broadcast %select_n3A_2516 : f32 to vector<16xf32>
    %mul3A_2570 = arith.mulf %mul3A_2569, %mul3A_2568 : vector<16xf32>
    %add3A_2571 = arith.addf %add3A_2551, %mul3A_2570 : vector<16xf32>
    %mul3A_2572 = arith.mulf %get3A_2566, %get3A_2566 : vector<16xf32>
    %sub3A_2573 = arith.subf %get3A_2561, %mul3A_2572 : vector<16xf32>
    %mul3A_2574 = vector.broadcast %select_n3A_2516 : f32 to vector<16xf32>
    %mul3A_2575 = arith.mulf %mul3A_2574, %sub3A_2573 : vector<16xf32>
    %add3A_2576 = arith.addf %add3A_2556, %mul3A_2575 : vector<16xf32>
    %get3A_2577 = arith.constant 15 : i32
    %get3A_2578 = arith.index_cast %get3A_2577 : i32 to index
    %get3A_2579 = arith.constant 48 : index
    %get3A_2580 = tpu.vector_load %arg8[%get3A_2578, %get3A_2579] {strides = array<i32>} : memref<16x128xf32, #tpu.memory_space<vmem>>, vector<1x16xf32>,
    %get3A_2581 = vector.shape_cast %get3A_2580 : vector<1x16xf32> to vector<16xf32>
    %get3A_2582 = arith.constant 15 : i32
    %get3A_2583 = arith.index_cast %get3A_2582 : i32 to index
    %get3A_2584 = arith.constant 48 : index
    %get3A_2585 = tpu.vector_load %arg9[%get3A_2583, %get3A_2584] {strides = array<i32>} : memref<16x128xf32, #tpu.memory_space<vmem>>, vector<1x16xf32>,
    %get3A_2586 = vector.shape_cast %get3A_2585 : vector<1x16xf32> to vector<16xf32>
    %sub3A_2587 = arith.subf %get3A_2581, %get3A_2586 : vector<16xf32>
    %mul3A_2588 = arith.mulf %sub3A_2587, %sub3A_2587 : vector<16xf32>
    %mul3A_2589 = vector.broadcast %select_n3A_2516 : f32 to vector<16xf32>
    %mul3A_2590 = arith.mulf %mul3A_2589, %mul3A_2588 : vector<16xf32>
    %add3A_2591 = arith.addf %add3A_2571, %mul3A_2590 : vector<16xf32>
    %mul3A_2592 = arith.mulf %get3A_2586, %get3A_2586 : vector<16xf32>
    %sub3A_2593 = arith.subf %get3A_2581, %mul3A_2592 : vector<16xf32>
    %mul3A_2594 = vector.broadcast %select_n3A_2516 : f32 to vector<16xf32>
    %mul3A_2595 = arith.mulf %mul3A_2594, %sub3A_2593 : vector<16xf32>
    %add3A_2596 = arith.addf %add3A_2576, %mul3A_2595 : vector<16xf32>
    %get3A_2597 = arith.constant 15 : i32
    %get3A_2598 = arith.index_cast %get3A_2597 : i32 to index
    %get3A_2599 = arith.constant 64 : index
    %get3A_2600 = tpu.vector_load %arg8[%get3A_2598, %get3A_2599] {strides = array<i32>} : memref<16x128xf32, #tpu.memory_space<vmem>>, vector<1x16xf32>,
    %get3A_2601 = vector.shape_cast %get3A_2600 : vector<1x16xf32> to vector<16xf32>
    %get3A_2602 = arith.constant 15 : i32
    %get3A_2603 = arith.index_cast %get3A_2602 : i32 to index
    %get3A_2604 = arith.constant 64 : index
    %get3A_2605 = tpu.vector_load %arg9[%get3A_2603, %get3A_2604] {strides = array<i32>} : memref<16x128xf32, #tpu.memory_space<vmem>>, vector<1x16xf32>,
    %get3A_2606 = vector.shape_cast %get3A_2605 : vector<1x16xf32> to vector<16xf32>
    %sub3A_2607 = arith.subf %get3A_2601, %get3A_2606 : vector<16xf32>
    %mul3A_2608 = arith.mulf %sub3A_2607, %sub3A_2607 : vector<16xf32>
    %mul3A_2609 = vector.broadcast %select_n3A_2516 : f32 to vector<16xf32>
    %mul3A_2610 = arith.mulf %mul3A_2609, %mul3A_2608 : vector<16xf32>
    %add3A_2611 = arith.addf %add3A_2591, %mul3A_2610 : vector<16xf32>
    %mul3A_2612 = arith.mulf %get3A_2606, %get3A_2606 : vector<16xf32>
    %sub3A_2613 = arith.subf %get3A_2601, %mul3A_2612 : vector<16xf32>
    %mul3A_2614 = vector.broadcast %select_n3A_2516 : f32 to vector<16xf32>
    %mul3A_2615 = arith.mulf %mul3A_2614, %sub3A_2613 : vector<16xf32>
    %add3A_2616 = arith.addf %add3A_2596, %mul3A_2615 : vector<16xf32>
    %get3A_2617 = arith.constant 15 : i32
    %get3A_2618 = arith.index_cast %get3A_2617 : i32 to index
    %get3A_2619 = arith.constant 80 : index
    %get3A_2620 = tpu.vector_load %arg8[%get3A_2618, %get3A_2619] {strides = array<i32>} : memref<16x128xf32, #tpu.memory_space<vmem>>, vector<1x16xf32>,
    %get3A_2621 = vector.shape_cast %get3A_2620 : vector<1x16xf32> to vector<16xf32>
    %get3A_2622 = arith.constant 15 : i32
    %get3A_2623 = arith.index_cast %get3A_2622 : i32 to index
    %get3A_2624 = arith.constant 80 : index
    %get3A_2625 = tpu.vector_load %arg9[%get3A_2623, %get3A_2624] {strides = array<i32>} : memref<16x128xf32, #tpu.memory_space<vmem>>, vector<1x16xf32>,
    %get3A_2626 = vector.shape_cast %get3A_2625 : vector<1x16xf32> to vector<16xf32>
    %sub3A_2627 = arith.subf %get3A_2621, %get3A_2626 : vector<16xf32>
    %mul3A_2628 = arith.mulf %sub3A_2627, %sub3A_2627 : vector<16xf32>
    %mul3A_2629 = vector.broadcast %select_n3A_2516 : f32 to vector<16xf32>
    %mul3A_2630 = arith.mulf %mul3A_2629, %mul3A_2628 : vector<16xf32>
    %add3A_2631 = arith.addf %add3A_2611, %mul3A_2630 : vector<16xf32>
    %mul3A_2632 = arith.mulf %get3A_2626, %get3A_2626 : vector<16xf32>
    %sub3A_2633 = arith.subf %get3A_2621, %mul3A_2632 : vector<16xf32>
    %mul3A_2634 = vector.broadcast %select_n3A_2516 : f32 to vector<16xf32>
    %mul3A_2635 = arith.mulf %mul3A_2634, %sub3A_2633 : vector<16xf32>
    %add3A_2636 = arith.addf %add3A_2616, %mul3A_2635 : vector<16xf32>
    %get3A_2637 = arith.constant 15 : i32
    %get3A_2638 = arith.index_cast %get3A_2637 : i32 to index
    %get3A_2639 = arith.constant 96 : index
    %get3A_2640 = tpu.vector_load %arg8[%get3A_2638, %get3A_2639] {strides = array<i32>} : memref<16x128xf32, #tpu.memory_space<vmem>>, vector<1x16xf32>,
    %get3A_2641 = vector.shape_cast %get3A_2640 : vector<1x16xf32> to vector<16xf32>
    %get3A_2642 = arith.constant 15 : i32
    %get3A_2643 = arith.index_cast %get3A_2642 : i32 to index
    %get3A_2644 = arith.constant 96 : index
    %get3A_2645 = tpu.vector_load %arg9[%get3A_2643, %get3A_2644] {strides = array<i32>} : memref<16x128xf32, #tpu.memory_space<vmem>>, vector<1x16xf32>,
    %get3A_2646 = vector.shape_cast %get3A_2645 : vector<1x16xf32> to vector<16xf32>
    %sub3A_2647 = arith.subf %get3A_2641, %get3A_2646 : vector<16xf32>
    %mul3A_2648 = arith.mulf %sub3A_2647, %sub3A_2647 : vector<16xf32>
    %mul3A_2649 = vector.broadcast %select_n3A_2516 : f32 to vector<16xf32>
    %mul3A_2650 = arith.mulf %mul3A_2649, %mul3A_2648 : vector<16xf32>
    %add3A_2651 = arith.addf %add3A_2631, %mul3A_2650 : vector<16xf32>
    %mul3A_2652 = arith.mulf %get3A_2646, %get3A_2646 : vector<16xf32>
    %sub3A_2653 = arith.subf %get3A_2641, %mul3A_2652 : vector<16xf32>
    %mul3A_2654 = vector.broadcast %select_n3A_2516 : f32 to vector<16xf32>
    %mul3A_2655 = arith.mulf %mul3A_2654, %sub3A_2653 : vector<16xf32>
    %add3A_2656 = arith.addf %add3A_2636, %mul3A_2655 : vector<16xf32>
    %get3A_2657 = arith.constant 15 : i32
    %get3A_2658 = arith.index_cast %get3A_2657 : i32 to index
    %get3A_2659 = arith.constant 112 : index
    %get3A_2660 = tpu.vector_load %arg8[%get3A_2658, %get3A_2659] {strides = array<i32>} : memref<16x128xf32, #tpu.memory_space<vmem>>, vector<1x16xf32>,
    %get3A_2661 = vector.shape_cast %get3A_2660 : vector<1x16xf32> to vector<16xf32>
    %get3A_2662 = arith.constant 15 : i32
    %get3A_2663 = arith.index_cast %get3A_2662 : i32 to index
    %get3A_2664 = arith.constant 112 : index
    %get3A_2665 = tpu.vector_load %arg9[%get3A_2663, %get3A_2664] {strides = array<i32>} : memref<16x128xf32, #tpu.memory_space<vmem>>, vector<1x16xf32>,
    %get3A_2666 = vector.shape_cast %get3A_2665 : vector<1x16xf32> to vector<16xf32>
    %sub3A_2667 = arith.subf %get3A_2661, %get3A_2666 : vector<16xf32>
    %mul3A_2668 = arith.mulf %sub3A_2667, %sub3A_2667 : vector<16xf32>
    %mul3A_2669 = vector.broadcast %select_n3A_2516 : f32 to vector<16xf32>
    %mul3A_2670 = arith.mulf %mul3A_2669, %mul3A_2668 : vector<16xf32>
    %add3A_2671 = arith.addf %add3A_2651, %mul3A_2670 : vector<16xf32>
    %mul3A_2672 = arith.mulf %get3A_2666, %get3A_2666 : vector<16xf32>
    %sub3A_2673 = arith.subf %get3A_2661, %mul3A_2672 : vector<16xf32>
    %mul3A_2674 = vector.broadcast %select_n3A_2516 : f32 to vector<16xf32>
    %mul3A_2675 = arith.mulf %mul3A_2674, %sub3A_2673 : vector<16xf32>
    %add3A_2676 = arith.addf %add3A_2656, %mul3A_2675 : vector<16xf32>
    %swap3A = arith.constant 0 : i32
    %swap3A_2677 = arith.index_cast %swap3A : i32 to index
    %swap3A_2678 = arith.constant 0 : index
    %swap3A_2679 = tpu.vector_load %arg10[%swap3A_2677, %swap3A_2678] {strides = array<i32>} : memref<2x16xf32, #tpu.memory_space<vmem>>, vector<1x16xf32>,
    %swap3A_2680 = vector.shape_cast %swap3A_2679 : vector<1x16xf32> to vector<16xf32>
    %swap3A_2681 = vector.shape_cast %add3A_2671 : vector<16xf32> to vector<1x16xf32>
    tpu.vector_store %arg10[%swap3A_2677, %swap3A_2678], %swap3A_2681 {strides = array<i32>} : memref<2x16xf32, #tpu.memory_space<vmem>>, vector<1x16xf32>,
    %swap3A_2682 = arith.constant 1 : i32
    %swap3A_2683 = arith.index_cast %swap3A_2682 : i32 to index
    %swap3A_2684 = arith.constant 0 : index
    %swap3A_2685 = tpu.vector_load %arg10[%swap3A_2683, %swap3A_2684] {strides = array<i32>} : memref<2x16xf32, #tpu.memory_space<vmem>>, vector<1x16xf32>,
    %swap3A_2686 = vector.shape_cast %swap3A_2685 : vector<1x16xf32> to vector<16xf32>
    %swap3A_2687 = vector.shape_cast %add3A_2676 : vector<16xf32> to vector<1x16xf32>
    tpu.vector_store %arg10[%swap3A_2683, %swap3A_2684], %swap3A_2687 {strides = array<i32>} : memref<2x16xf32, #tpu.memory_space<vmem>>, vector<1x16xf32>,
    "tpu.region"() ({
      %run_scoped3A = tpu.sem_alloc : memref<!tpu.dma_semaphore, #tpu.memory_space<semaphore_mem>>
      %dma_start3A_2688 = arith.constant 0 : i32
      %dma_start3A_2689 = tpu.memref_slice %arg5[%mul3A_2, %dma_start3A_2688] : memref<512x128xf32, #tpu.memory_space<hbm>> -> memref<16x128xf32, #tpu.memory_space<hbm>>
      %dma_start3A_2690 = arith.constant 0 : i32
      %dma_start3A_2691 = tpu.memref_slice %arg5[%mul3A_2, %dma_start3A_2690] : memref<512x128xf32, #tpu.memory_space<hbm>> -> memref<16x128xf32, #tpu.memory_space<hbm>>
      tpu.enqueue_dma source(%arg8 : memref<16x128xf32, #tpu.memory_space<vmem>>) target(%dma_start3A_2691 : memref<16x128xf32, #tpu.memory_space<hbm>>) target_semaphore(%run_scoped3A : memref<!tpu.dma_semaphore, #tpu.memory_space<semaphore_mem>>)
      %dma_wait3A_2692 = arith.constant 0 : i32
      %dma_wait3A_2693 = tpu.memref_slice %arg5[%mul3A_2, %dma_wait3A_2692] : memref<512x128xf32, #tpu.memory_space<hbm>> -> memref<16x128xf32, #tpu.memory_space<hbm>>
      %dma_wait3A_2694 = arith.constant 0 : i32
      %dma_wait3A_2695 = tpu.memref_slice %arg5[%mul3A_2, %dma_wait3A_2694] : memref<512x128xf32, #tpu.memory_space<hbm>> -> memref<16x128xf32, #tpu.memory_space<hbm>>
      tpu.wait_dma2 semaphore(%run_scoped3A : memref<!tpu.dma_semaphore, #tpu.memory_space<semaphore_mem>>) src(%arg8 : memref<16x128xf32, #tpu.memory_space<vmem>>) dst(%dma_wait3A_2695 : memref<16x128xf32, #tpu.memory_space<hbm>>)
      tpu.yield
    }) : () -> ()
    "tpu.region"() ({
      %run_scoped3A = tpu.sem_alloc : memref<!tpu.dma_semaphore, #tpu.memory_space<semaphore_mem>>
      %dma_start3A_2688 = arith.constant 0 : i32
      %dma_start3A_2689 = arith.constant 0 : i32
      %dma_start3A_2690 = tpu.memref_slice %arg6[%add3A, %dma_start3A_2688, %dma_start3A_2689] : memref<32x2x16xf32, #tpu.memory_space<hbm>> -> memref<1x2x16xf32, #tpu.memory_space<hbm>>
      %dma_start3A_2691 = tpu.memref_squeeze %dma_start3A_2690 : memref<1x2x16xf32, #tpu.memory_space<hbm>> -> memref<2x16xf32, #tpu.memory_space<hbm>>
      %dma_start3A_2692 = arith.constant 0 : i32
      %dma_start3A_2693 = arith.constant 0 : i32
      %dma_start3A_2694 = tpu.memref_slice %arg6[%add3A, %dma_start3A_2692, %dma_start3A_2693] : memref<32x2x16xf32, #tpu.memory_space<hbm>> -> memref<1x2x16xf32, #tpu.memory_space<hbm>>
      %dma_start3A_2695 = tpu.memref_squeeze %dma_start3A_2694 : memref<1x2x16xf32, #tpu.memory_space<hbm>> -> memref<2x16xf32, #tpu.memory_space<hbm>>
      tpu.enqueue_dma source(%arg10 : memref<2x16xf32, #tpu.memory_space<vmem>>) target(%dma_start3A_2695 : memref<2x16xf32, #tpu.memory_space<hbm>>) target_semaphore(%run_scoped3A : memref<!tpu.dma_semaphore, #tpu.memory_space<semaphore_mem>>)
      %dma_wait3A_2696 = arith.constant 0 : i32
      %dma_wait3A_2697 = arith.constant 0 : i32
      %dma_wait3A_2698 = tpu.memref_slice %arg6[%add3A, %dma_wait3A_2696, %dma_wait3A_2697] : memref<32x2x16xf32, #tpu.memory_space<hbm>> -> memref<1x2x16xf32, #tpu.memory_space<hbm>>
      %dma_wait3A_2699 = tpu.memref_squeeze %dma_wait3A_2698 : memref<1x2x16xf32, #tpu.memory_space<hbm>> -> memref<2x16xf32, #tpu.memory_space<hbm>>
      %dma_wait3A_2700 = arith.constant 0 : i32
      %dma_wait3A_2701 = arith.constant 0 : i32
      %dma_wait3A_2702 = tpu.memref_slice %arg6[%add3A, %dma_wait3A_2700, %dma_wait3A_2701] : memref<32x2x16xf32, #tpu.memory_space<hbm>> -> memref<1x2x16xf32, #tpu.memory_space<hbm>>
      %dma_wait3A_2703 = tpu.memref_squeeze %dma_wait3A_2702 : memref<1x2x16xf32, #tpu.memory_space<hbm>> -> memref<2x16xf32, #tpu.memory_space<hbm>>
      tpu.wait_dma2 semaphore(%run_scoped3A : memref<!tpu.dma_semaphore, #tpu.memory_space<semaphore_mem>>) src(%arg10 : memref<2x16xf32, #tpu.memory_space<vmem>>) dst(%dma_wait3A_2703 : memref<2x16xf32, #tpu.memory_space<hbm>>)
      tpu.yield
    }) : () -> ()
    return
  }
}

module attributes {stable_mosaic.version = 14 : i64} {
  func.func @_vq_argmin_body(%arg0: memref<512x128xf32, #tpu.memory_space<vmem>>, %arg1: memref<512x128xf32, #tpu.memory_space<vmem>>, %arg2: memref<1x512xi32, #tpu.memory_space<vmem>>) attributes {dimension_semantics = [], scalar_prefetch = 0 : i64, scratch_operands = 0 : i64, tpu.core_type = #tpu.core_type<tc>} {
    %get3A = arith.constant 0 : index
    %get3A_0 = arith.constant 0 : index
    %get3A_1 = vector.load %arg0[%get3A, %get3A_0] : memref<512x128xf32, #tpu.memory_space<vmem>>, vector<512x128xf32>
    %get3A_2 = arith.constant 0 : index
    %get3A_3 = arith.constant 0 : index
    %get3A_4 = vector.load %arg1[%get3A_2, %get3A_3] : memref<512x128xf32, #tpu.memory_space<vmem>>, vector<512x128xf32>
    %mul3A = arith.mulf %get3A_1, %get3A_1 : vector<512x128xf32>
    %reduce_sum3A = arith.constant dense<0.000000e+00> : vector<512xf32>
    %reduce_sum3A_5 = vector.multi_reduction <add>, %mul3A, %reduce_sum3A [1] : vector<512x128xf32> to vector<512xf32>
    %broadcast_in_dim3A = vector.shape_cast %reduce_sum3A_5 : vector<512xf32> to vector<512x1xf32>
    %mul3A_6 = arith.mulf %get3A_4, %get3A_4 : vector<512x128xf32>
    %reduce_sum3A_7 = arith.constant dense<0.000000e+00> : vector<512xf32>
    %reduce_sum3A_8 = vector.multi_reduction <add>, %mul3A_6, %reduce_sum3A_7 [1] : vector<512x128xf32> to vector<512xf32>
    %broadcast_in_dim3A_9 = vector.shape_cast %reduce_sum3A_8 : vector<512xf32> to vector<1x512xf32>
    %dot_general3A = arith.constant dense<0.000000e+00> : vector<512x512xf32>
    %dot_general3A_10 = tpu.matmul %get3A_1, %get3A_4, %dot_general3A {dimension_numbers = #tpu.dot_dimension_numbers<[1], [1], [0], [0], [0, 0, 1, 0], [], []>, transpose_lhs_hint = false} : vector<512x128xf32>, vector<512x128xf32>, vector<512x512xf32> -> vector<512x512xf32>
    %add3A = vector.broadcast %broadcast_in_dim3A : vector<512x1xf32> to vector<512x512xf32>
    %add3A_11 = vector.broadcast %broadcast_in_dim3A_9 : vector<1x512xf32> to vector<512x512xf32>
    %add3A_12 = arith.addf %add3A, %add3A_11 : vector<512x512xf32>
    %mul3A_13 = arith.constant 2.000000e+00 : f32
    %mul3A_14 = vector.broadcast %mul3A_13 : f32 to vector<512x512xf32>
    %mul3A_15 = arith.mulf %mul3A_14, %dot_general3A_10 : vector<512x512xf32>
    %sub3A = arith.subf %add3A_12, %mul3A_15 : vector<512x512xf32>
    %max3A = arith.constant 0.000000e+00 : f32
    %max3A_16 = vector.broadcast %max3A : f32 to vector<512x512xf32>
    %max3A_17 = arith.maximumf %sub3A, %max3A_16 : vector<512x512xf32>
    %reduce_min3A = arith.constant dense<0x7F800000> : vector<512xf32>
    %reduce_min3A_18 = vector.multi_reduction <minimumf>, %max3A_17, %reduce_min3A [1] : vector<512x512xf32> to vector<512xf32>
    %broadcast_in_dim3A_19 = vector.shape_cast %reduce_min3A_18 : vector<512xf32> to vector<512x1xf32>
    %iota3A = tpu.iota {dimensions = array<i32: 1>} : vector<512x512xi32>
    %eq3A = vector.broadcast %broadcast_in_dim3A_19 : vector<512x1xf32> to vector<512x512xf32>
    %eq3A_20 = arith.cmpf oeq, %max3A_17, %eq3A : vector<512x512xf32>
    %jit3A = arith.constant 512 : i32
    %broadcast_in_dim3A_21 = vector.broadcast %jit3A : i32 to vector<512x512xi32>
    %select_n3A = arith.select %eq3A_20, %iota3A, %broadcast_in_dim3A_21 : vector<512x512xi1>, vector<512x512xi32>
    %reduce_min3A_22 = arith.constant dense<2147483647> : vector<512xi32>
    %reduce_min3A_23 = vector.multi_reduction <minsi>, %select_n3A, %reduce_min3A_22 [1] : vector<512x512xi32> to vector<512xi32>
    %broadcast_in_dim3A_24 = vector.shape_cast %reduce_min3A_23 : vector<512xi32> to vector<1x512xi32>
    %swap3A = arith.constant 0 : index
    %swap3A_25 = arith.constant 0 : index
    %swap3A_26 = vector.load %arg2[%swap3A, %swap3A_25] : memref<1x512xi32, #tpu.memory_space<vmem>>, vector<1x512xi32>
    tpu.vector_store %arg2[%swap3A, %swap3A_25], %broadcast_in_dim3A_24 {strides = array<i32>} : memref<1x512xi32, #tpu.memory_space<vmem>>, vector<1x512xi32>,
    return
  }
}

module attributes {stable_mosaic.version = 14 : i64} {
  func.func @_vq_loss_body(%arg0: memref<32x2x16xf32, #tpu.memory_space<vmem>>, %arg1: memref<8x128xf32, #tpu.memory_space<vmem>>) attributes {dimension_semantics = [], scalar_prefetch = 0 : i64, scratch_operands = 0 : i64, tpu.core_type = #tpu.core_type<tc>} {
    %get3A = arith.constant 0 : index
    %get3A_0 = arith.constant 0 : index
    %get3A_1 = arith.constant 0 : index
    %get3A_2 = vector.load %arg0[%get3A, %get3A_0, %get3A_1] : memref<32x2x16xf32, #tpu.memory_space<vmem>>, vector<32x2x16xf32>
    %slice3A = vector.extract_strided_slice %get3A_2 {offsets = [0, 0, 0], sizes = [32, 1, 16], strides = [1, 1, 1]} : vector<32x2x16xf32> to vector<32x1x16xf32>
    %squeeze3A = vector.shape_cast %slice3A : vector<32x1x16xf32> to vector<32x16xf32>
    %reduce_sum3A = vector.shape_cast %squeeze3A : vector<32x16xf32> to vector<1x32x16xf32>
    %reduce_sum3A_3 = arith.constant dense<0.000000e+00> : vector<1xf32>
    %reduce_sum3A_4 = vector.multi_reduction <add>, %reduce_sum3A, %reduce_sum3A_3 [1, 2] : vector<1x32x16xf32> to vector<1xf32>
    %reduce_sum3A_5 = vector.shape_cast %reduce_sum3A_4 : vector<1xf32> to vector<1x1x1xf32>
    %reduce_sum3A_6 = vector.extract %reduce_sum3A_5[0, 0, 0] : f32 from vector<1x1x1xf32>
    %div3A = arith.constant 5.017600e+04 : f32
    %div3A_7 = arith.divf %reduce_sum3A_6, %div3A : f32
    %slice3A_8 = vector.extract_strided_slice %get3A_2 {offsets = [0, 1, 0], sizes = [32, 1, 16], strides = [1, 1, 1]} : vector<32x2x16xf32> to vector<32x1x16xf32>
    %squeeze3A_9 = vector.shape_cast %slice3A_8 : vector<32x1x16xf32> to vector<32x16xf32>
    %reduce_sum3A_10 = vector.shape_cast %squeeze3A_9 : vector<32x16xf32> to vector<1x32x16xf32>
    %reduce_sum3A_11 = arith.constant dense<0.000000e+00> : vector<1xf32>
    %reduce_sum3A_12 = vector.multi_reduction <add>, %reduce_sum3A_10, %reduce_sum3A_11 [1, 2] : vector<1x32x16xf32> to vector<1xf32>
    %reduce_sum3A_13 = vector.shape_cast %reduce_sum3A_12 : vector<1xf32> to vector<1x1x1xf32>
    %reduce_sum3A_14 = vector.extract %reduce_sum3A_13[0, 0, 0] : f32 from vector<1x1x1xf32>
    %div3A_15 = arith.constant 5.017600e+04 : f32
    %div3A_16 = arith.divf %reduce_sum3A_14, %div3A_15 : f32
    %mul3A = arith.constant 2.500000e-01 : f32
    %mul3A_17 = arith.mulf %mul3A, %div3A_7 : f32
    %add3A = arith.addf %div3A_16, %mul3A_17 : f32
    %broadcast_in_dim3A = vector.broadcast %add3A : f32 to vector<8x128xf32>
    %swap3A = arith.constant 0 : index
    %swap3A_18 = arith.constant 0 : index
    %swap3A_19 = vector.load %arg1[%swap3A, %swap3A_18] : memref<8x128xf32, #tpu.memory_space<vmem>>, vector<8x128xf32>
    tpu.vector_store %arg1[%swap3A, %swap3A_18], %broadcast_in_dim3A {strides = array<i32>} : memref<8x128xf32, #tpu.memory_space<vmem>>, vector<8x128xf32>,
    return
  }
}

</mosaic_0001>

<sc_bundles>
// kernel: kernel.5.cloned.1.call-start
scs
__scs_entry_jumppad:
0x0: {  	(pc) =	sbr.rel $0x88, $3  }
0x1: {  	(tag) =	ssettag $0x0;
	lr =	simm.s32 $0x1  }
0x2: {  	[smem:$0x3F73] =	sst lr;
	_ =	strace $0xD0000000  }
0x3: {  	_ = 	snop  }
0x4: {  	_ = 	snop  }
0x5: {  	_ = 	snop  }
0x6: {  	_ = 	snop  }
0x7: {  	_ = 	snop  }
__scs_overlays_trampoline_lowered:
0x8: {  	[smem:$0x3F82] =	sst s0  }
0x9: {  	[smem:$0x3F83] =	sst s1  }
0xa: {  	[smem:$0x3F84] =	sst s2  }
0xb: {  	[smem:$0x3F85] =	sst s3  }
0xc: {  	[smem:$0x3F86] =	sst s4  }
0xd: {  	[smem:$0x3F87] =	sst s5  }
0xe: {  	[smem:$0x3F88] =	sst s6  }
0xf: {  	[smem:$0x3F89] =	sst s7  }
0x10: {  	[smem:$0x3F8A] =	sst s8  }
0x11: {  	[smem:$0x3F8B] =	sst s9;
	s0 =	simm.s32 @!p0 $0x0  }
0x12: {  	s1 =	sld [smem:$0x3F71];
	s0 =	simm.s32 @p0 $0x1  }
0x13: {  	[smem:$0x3F8C] =	sst s0;
	s0 =	simm.s32 @!p1 $0x0  }
0x14: {  	s2 =	sld [smem:$0x3F70];
	s0 =	simm.s32 @p1 $0x1  }
0x15: {  	[smem:$0x3F8D] =	sst s0;
	s0 =	simm.s32 @!p2 $0x0  }
0x16: {  	s3 =	sld [smem:$0x3FDB];
	s0 =	simm.s32 @p2 $0x1  }
0x17: {  	s4 =	simm.s32 $0x1BF5;
	[smem:$0x3F8F] =	sst s0  }
0x18: {  	s0 =	sld [smem:$0x3F72];
	_ =	swait.ge [sflag:s4], $0x0  }
0x19: {  	s7 =	sld [smem:$0x3F73]  }
0x1a: {  	s8 =	sadd.s32 $0xFFFFE003, lr  }
0x1b: {  	s9 =	sadd.s32 $0xFFFFFEF7, lr;
	s5 =	simm.s32 $0xFFFFFFFF;
	p2 =	slt.u32 s8, $0xFFFFF086  }
0x1c: {  	p1 =	slt.u32 s9, $0xF7A;
	s5 =	simm.s32 @!p2 $0x0  }
0x1d: {  	s5 =	simm.s32 @p1 $0x1;
	p0 =	seq.s32 s7, s2  }
0x1e: {  	s7 =	smul.u32 @!p0 $0xF7A, s2;
	p2 =	seq.s32 @!p0 s5, $0x0  }
0x1f: {  	s9 =	smul.u32 $0xF7A, s1;
	s8 =	simm.s32 @!p0 $0x1BF5;
	p2 =	por !p2, p0  }
0x20: {  	[sflag:s8] =	ssyncset.s32 @!p0 $0xFFFFF086;
	s6 =	sadd.s32 @!p0 s3, s7;
	s7 =	simm.s32 @!p0 $0x108  }
0x21: {  	s3 =	sadd.s32 s3, s9;
	s6 =	sadd.s32 @!p0 $0x88, s6;
	s7 =	simm.s32 @p2 $0x1082  }
0x22: {  	[simem:s7], [sflag:s8] =	dma.local @!p0 [hbm:s6], $0xF7A  }
0x23: {  	s9 =	sor.u32 $0xD0000000, s2;
	s6 =	simm.s32 $0x108;
	_ =	swait.ge @!p0 [sflag:s8], $0x0  }
0x24: {  	s3 =	sadd.s32 $0x88, s3;
	s6 =	simm.s32 @!p1 $0x1082;
	[sflag:s4] =	ssyncset.s32 $0xFFFFF086  }
0x25: {  	[simem:s6], [sflag:s4] =	dma.local [hbm:s3], $0xF7A  }
0x26: {  	[smem:$0x3F73] =	sst s1;
	(tag) =	ssettag s2;
	_ =	strace s9  }
0x27: {  	s1 =	sld [smem:$0x3F83]  }
0x28: {  	s2 =	sld [smem:$0x3F84]  }
0x29: {  	s4 =	sld [smem:$0x3F86]  }
0x2a: {  	p0 =	seq.s32 s5, $0x0;
	s5 =	sld [smem:$0x3F87]  }
0x2b: {  	s6 =	sld [smem:$0x3F88]  }
0x2c: {  	s7 =	sld [smem:$0x3F89]  }
0x2d: {  	s3 =	simm.s32 $0x108;
	s8 =	sld [smem:$0x3F8A]  }
0x2e: {  	s3 =	simm.s32 @!p0 $0x1082;
	s9 =	sld [smem:$0x3F8B]  }
0x2f: {  	lr =	sadd.s32 s0, s3;
	s0 =	sld [smem:$0x3F82]  }
0x30: {  	s3 =	sld [smem:$0x3F85]  }
0x31: {  	[smem:$0x3F8E] =	sst s10  }
0x32: {  	s10 =	sld [smem:$0x3F8C];
	_ =	sdelay $0x3  }
0x33: {  	p0 =	seq.s32 s10, $0x1;
	s10 =	sld [smem:$0x3F8E];
	_ =	sdelay $0x3  }
0x34: {  	[smem:$0x3F8E] =	sst s10  }
0x35: {  	s10 =	sld [smem:$0x3F8D];
	_ =	sdelay $0x3  }
0x36: {  	p1 =	seq.s32 s10, $0x1;
	s10 =	sld [smem:$0x3F8E];
	_ =	sdelay $0x3  }
0x37: {  	[smem:$0x3F8E] =	sst s10  }
0x38: {  	s10 =	sld [smem:$0x3F8F]  }
0x39: {  	_ = 	snop;
	(pc) =	sbr.ind lr, $3  }
0x3a: {  	_ = 	snop  }
0x3b: {  	_ = 	snop  }
0x3c: {  	p2 =	seq.s32 s10, $0x1;
	s10 =	sld [smem:$0x3F8E]  }
0x3d: {  	_ =	shalt  }
0x3e: {  	_ =	shalt  }
0x3f: {  	_ =	shalt  }
0x40: {  	_ =	shalt  }
0x41: {  	_ =	shalt  }
0x42: {  	_ =	shalt  }
0x43: {  	_ =	shalt  }
0x44: {  	_ =	shalt  }
0x45: {  	_ =	shalt  }
0x46: {  	_ =	shalt  }
0x47: {  	_ =	shalt  }
0x48: {  	_ =	shalt  }
0x49: {  	_ =	shalt  }
0x4a: {  	_ =	shalt  }
0x4b: {  	_ =	shalt  }
0x4c: {  	_ =	shalt  }
0x4d: {  	_ =	shalt  }
0x4e: {  	_ =	shalt  }
0x4f: {  	_ =	shalt  }
0x50: {  	_ =	shalt  }
0x51: {  	_ =	shalt  }
0x52: {  	_ =	shalt  }
0x53: {  	_ =	shalt  }
0x54: {  	_ =	shalt  }
0x55: {  	_ =	shalt  }
0x56: {  	_ =	shalt  }
0x57: {  	_ =	shalt  }
0x58: {  	_ =	shalt  }
0x59: {  	_ =	shalt  }
0x5a: {  	_ =	shalt  }
0x5b: {  	_ =	shalt  }
0x5c: {  	_ =	shalt  }
0x5d: {  	_ =	shalt  }
0x5e: {  	_ =	shalt  }
0x5f: {  	_ =	shalt  }
0x60: {  	_ =	shalt  }
0x61: {  	_ =	shalt  }
0x62: {  	_ =	shalt  }
0x63: {  	_ =	shalt  }
0x64: {  	_ =	shalt  }
0x65: {  	_ =	shalt  }
0x66: {  	_ =	shalt  }
0x67: {  	_ =	shalt  }
0x68: {  	_ =	shalt  }
0x69: {  	_ =	shalt  }
0x6a: {  	_ =	shalt  }
0x6b: {  	_ =	shalt  }
0x6c: {  	_ =	shalt  }
0x6d: {  	_ =	shalt  }
0x6e: {  	_ =	shalt  }
0x6f: {  	_ =	shalt  }
0x70: {  	_ =	shalt  }
0x71: {  	_ =	shalt  }
0x72: {  	_ =	shalt  }
0x73: {  	_ =	shalt  }
0x74: {  	_ =	shalt  }
0x75: {  	_ =	shalt  }
0x76: {  	_ =	shalt  }
0x77: {  	_ =	shalt  }
0x78: {  	_ =	shalt  }
0x79: {  	_ =	shalt  }
0x7a: {  	_ =	shalt  }
0x7b: {  	_ =	shalt  }
0x7c: {  	_ =	shalt  }
0x7d: {  	_ =	shalt  }
0x7e: {  	_ =	shalt  }
0x7f: {  	_ =	shalt  }
0x80: {  	_ =	shalt  }
0x81: {  	_ =	shalt  }
0x82: {  	_ =	shalt  }
0x83: {  	_ =	shalt  }
0x84: {  	_ =	shalt  }
0x85: {  	_ =	shalt  }
0x86: {  	_ =	shalt  }
0x87: {  	_ =	shalt  }
.Lfunc_end0:
.L_simem_size_0:
called_computation.1_lowered:
.L_overlay_start_0:
0x88: {  	s2 =	sld [smem:$0x3FD9]  }
0x89: {  	s3 =	sld [smem:$0x3FFE];
	_ =	sdelay $0x1  }
0x8a: {  	s1 =	srdreg.scid  }
0x8b: {  	s0 =	sand.u32 $0x1, s1  }
0x8c: {  	s14 =	sshll.u32 s0, $0xA;
	s2 =	sadd.s32 s3, s2  }
0x8d: {  	s2 =	sadd.s32 s2, s14  }
0x8e: {  	[smem:$0x3F9A] =	sst s2  }
0x8f: {  	_ = 	snop  }
0x90: {  	s2 =	sld [smem:$0x3FD0];
	_ =	sdelay $0x2  }
0x91: {  	s4 =	simm.s32 $0xA;
	s5 =	simm.s32 $0x10;
	s15 =	sld [smem:$0x3FC8]  }
0x92: {  	[smem:s5], [sflag:s4] =	dma.local [hbm:s2], $0x1  }
0x93: {  	_ =	swait.eq [sflag:s4], $0x1  }
0x94: {  	[sflag:s4] =	ssyncset.done $0x0  }
0x95: {  	[sflag:s4] =	ssyncadd.s32 $0xFFFFFFFF  }
0x96: {  	s16 =	sld [smem:$0x10];
	(tm) =	ssettm $0x1  }
0x97: {  	s17 =	sld [smem:$0x3FFB];
	_ =	sdelay $0x3  }
0x98: {  	_ =	strace s17  }
0x99: {  	s4 =	sld [smem:$0x3FFC];
	_ =	sdelay $0x3  }
0x9a: {  	_ =	strace s4  }
0x9b: {  	s4 =	sld [smem:$0x3FFD];
	_ =	sdelay $0x3  }
0x9c: {  	_ =	strace s4  }
0x9d: {  	_ =	strace $0x8FFFFFFF  }
0x9e: {  	s18 =	sld [smem:$0x3FDB];
	_ =	sdelay $0x1  }
0x9f: {  	s19 =	simm.s32 $_scs_section_size  }
0xa0: {  	s6 =	simm.s32 $_size__tile_overlayer_lowered;
	s7 =	simm.s32 $_tile_overlayer_lowered  }
0xa1: {  	s22 =	simm.s32 $0x1BFF;
	s21 =	sshll.u32 s7, $0x1;
	s4 =	sadd.s32 s19, s18  }
0xa2: {  	s8 =	simm.s32 $0x0;
	s20 =	sshll.u32 s6, $0x1;
	s6 =	sadd.s32 s21, s4  }
0xa3: {  	[timem:s8], [sflag:s22] =	dma.local [hbm:s6], s20  }
0xa4: {  	_ =	swait.ge [sflag:s22], s20  }
0xa5: {  	s5 =	ssub.s32 $0x0, s20;
	[sflag:s22] =	ssyncset.done $0x0  }
0xa6: {  	[sflag:s22] =	ssyncadd.s32 s5;
	_ =	sdelay $0x1  }
0xa7: {  	s23 =	simm.s32 $0x1B8B  }
0xa8: {  	_ =	swait.ge [sflag:s23], $0x1  }
0xa9: {  	[sflag:s23] =	ssyncset.done $0x0  }
0xaa: {  	s25 =	simm.s32 $0x1B8E;
	s24 =	sld [smem:$0x3FFE];
	[sflag:s23] =	ssyncadd.s32 $0xFFFFFFFF  }
0xab: {  	s26 =	simm.s32 $execute0_lowered;
	[smem:$0x3FD2] =	sst s25  }
0xac: {  	s6 =	sshll.u32 s26, $0x1;
	_ =	strace $0x80000046;
	[dreg:$0x1] =	wrdreg $0xFFFFFFFF  }
0xad: {  	s28 =	simm.s32 $_size_execute0_lowered;
	s4 =	sadd.s32 s4, s6;
	[dreg:$0x0] =	wrdreg $0x0  }
0xae: {  	s6 =	sshll.u32 s28, $0x1;
	[dreg:$0x2] =	wrdreg s4  }
0xaf: {  	[dreg:$0x3] =	wrdreg s6  }
0xb0: {  	[dreg:$0x4] =	wrdreg $0xC0  }
0xb1: {  	_ =	task [dreg:s8], $0x5FFFF  }
0xb2: {  	[dreg:$0x1] =	wrdreg $0xFFFFFFFF  }
0xb3: {  	[dreg:$0x0] =	wrdreg $0x60  }
0xb4: {  	[dreg:$0x2] =	wrdreg s24  }
0xb5: {  	[dreg:$0x3] =	wrdreg s15  }
0xb6: {  	[dreg:$0x4] =	wrdreg s16  }
0xb7: {  	[dreg:$0x5] =	wrdreg $0x9  }
0xb8: {  	_ =	task.clear_ibuf [dreg:s8], $0x6FFFF;
	_ =	strace $0x90000046  }
0xb9: {  	s29 =	simm.s32 $0x9;
	_ =	strace $0x80000048  }
0xba: {  	_ =	swait.ge [sflag:s29], $0x1  }
0xbb: {  	[sflag:s29] =	ssyncadd.s32 $0xFFFFFFFF  }
0xbc: {  	_ =	strace $0x90000048  }
0xbd: {  	_ =	sfence  }
0xbe: {  	s30 =	sld [smem:$0x0];
	_ =	sdelay $0x2  }
0xbf: {  	s31 =	sshll.u32 s1, $0xD;
	s1 =	sshrl.u32 s1, $0x2  }
0xc0: {  	s3 =	sand.u32 $0x4000, s31;
	s1 =	sadd.s32 s1, s30  }
0xc1: {  	s0 =	sor.u32 s3, s0;
	s1 =	sshll.u32 s1, $0x11  }
0xc2: {  	s0 =	sor.u32 s1, s0  }
0xc3: {  	s0 =	sadd.s32 $0x8F2B, s0  }
0xc4: {  	[sflag:s0] =	ssyncadd.remote.s32 $0x1  }
0xc5: {  	_ =	sfence.sel $0xFFFF  }
0xc6: {  	[dreg:$0x0] =	wrdreg $0xFFFFFFFF;
	(pc) =	sbr.abs _section_cstart, $3  }
0xc7: {  	[dreg:$0x1] =	wrdreg $0xFFFFFFFF  }
0xc8: {  	_ =	task.clear_ibuf [dreg:s8], $0x2FFFF;
	_ =	strace $0x9FFFFFFF  }
0xc9: {  	(tm) =	ssettm $0x7FFFFFFF  }
tec
execute0_lowered:
.L_overlay_start_1:
0x0: {  	(tag) =	ssettag $0x1  }
0x1: {  	s4 =	rddreg [dreg:$0x0]  }
0x2: {  	s2 =	rddreg [dreg:$0x1];
	s1 =	srdreg.scid  }
0x3: {  	s0 =	stileid.u32;
	s5 =	rddreg [dreg:$0x2]  }
0x4: {  	s3 =	simm.s32 $0x0;
	s13 =	simm.f32 $1.000000000e+00;
	s14 =	simm.f32 $1.000000000e+00  }
0x5: {  	s6 =	sand.u32 $0x1, s1;
	s7 =	sshll.u32 s0, $0x1;
	[smem:$0x7FF] =	sst s3  }
0x6: {  	s1 =	rddreg [dreg:$0x3];
	s7 =	sor.u32 s6, s7;
	_ =	strace $0x80000047  }
0x7: {  	s6 =	ssub.s32 $0x2, s6;
	s8 =	sshll.u32 s7, $0x1;
	s9 =	sshll.u32 s7, $0x8  }
0x8: {  	s10 =	sshll.u32 s7, $0x5;
	s31 =	sshrl.u32 s6, $0x1;
	p0 =	slt.u32 s7, $0x19  }
0x9: {  	s8 =	sadd.s32 s8, s4;
	s11 =	sadd.s32 s9, s4;
	s10 =	sadd.s32 s10, s4  }
0xa: {  	s12 =	ssub.s32 s6, s31;
	s13 =	simm.s32 @!p0 $0x0;
	p0 =	slt.u32 s0, $0xC  }
0xb: {  	s5 =	sadd.s32 s5, s9;
	s9 =	simm.s32 $0x2;
	s4 =	sadd.s32 $0x2E00, s8  }
0xc: {  	s14 =	simm.s32 @!p0 $0x0;
	s6 =	sadd.s32 $0x3000, s11;
	s7 =	sadd.s32 $0x5000, s10  }
0xd: {  	s8 =	smax.u32 s12, $0x1;
	s10 =	simm.s32 $0x10;
	s11 =	simm.s32 $0x80  }
0xe: {  	v0 =	vmov s13;
	s12 =	simm.s32 $0x1;
	s13 =	simm.s32 $0x880;
	v1 =	vmov s14;
	s14 =	simm.s32 $0x1080  }
.LBB2_1:
0xf: {  	[tilespmem:s3], [sflag:$0x2] =	stream.linear.gather [hbm4b:s4+s3], $0x10, $0x38;
	[tilespmem:$0x1180] =	vst v63  }
0x10: {  	_ =	swait.ge [sflag:s9], $0x10  }
0x11: {  	[sflag:s9] =	ssyncset.done $0x0  }
0x12: {  	[sflag:s9] =	ssyncadd.s32 $0xFFFFFFF0  }
0x13: {  	[tilespmem:s11], [sflag:$0x1] =	stream.indirect.gather [hbm4b:s2+s10], $0x80, s3, s10, $0xb8;
	[tilespmem:$0x1180] =	vst v63  }
0x14: {  	_ =	swait.ge [sflag:s12], $0x800  }
0x15: {  	[sflag:s12] =	ssyncset.done $0x0  }
0x16: {  	[sflag:s12] =	ssyncadd.s32 $0xFFFFF800  }
0x17: {  	[tilespmem:s13], [sflag:$0x2] =	stream.linear.gather [hbm4b:s5+s3], $0x800, $0x38;
	[tilespmem:$0x1180] =	vst v63  }
0x18: {  	_ =	swait.ge [sflag:s9], $0x800  }
0x19: {  	[sflag:s9] =	ssyncset.done $0x0  }
0x1a: {  	[sflag:s9] =	ssyncadd.s32 $0xFFFFF800  }
0x1b: {  	v2 =	vld [tilespmem:$0x80]  }
0x1c: {  	v3 =	vld [tilespmem:$0x880]  }
0x1d: {  	v4 =	vld [tilespmem:$0x90]  }
0x1e: {  	v5 =	vld [tilespmem:$0x890]  }
0x1f: {  	v6 =	vld [tilespmem:$0xA0]  }
0x20: {  	v8 =	vld [tilespmem:$0x8A0]  }
0x21: {  	v10 =	vld [tilespmem:$0xB0]  }
0x22: {  	v51 =	vld [tilespmem:$0x8B0]  }
0x23: {  	v11 =	vld [tilespmem:$0xC0]  }
0x24: {  	v52 =	vld [tilespmem:$0x8C0]  }
0x25: {  	v13 =	vld [tilespmem:$0xD0]  }
0x26: {  	v57 =	vld [tilespmem:$0x8D0]  }
0x27: {  	v14 =	vld [tilespmem:$0xE0]  }
0x28: {  	v61 =	vld [tilespmem:$0x8E0]  }
0x29: {  	v16 =	vld [tilespmem:$0xF0]  }
0x2a: {  	v18 =	vld [tilespmem:$0x8F0]  }
0x2b: {  	v25 =	vld [tilespmem:$0x100]  }
0x2c: {  	v28 =	vld [tilespmem:$0x900]  }
0x2d: {  	v31 =	vld [tilespmem:$0x910]  }
0x2e: {  	v34 =	vld [tilespmem:$0x120];
	v7 =	vmul.f32 v3, v3;
	v3 =	vsub.f32 v2, v3;
	v9 =	vsub.f32 v4, v5  }
0x2f: {  	v37 =	vld [tilespmem:$0x920];
	v5 =	vmul.f32 v5, v5;
	v12 =	vsub.f32 v6, v8;
	v8 =	vmul.f32 v8, v8  }
0x30: {  	v54 =	vsub.f32 v10, v51;
	v56 =	vmul.f32 v51, v51;
	v60 =	vsub.f32 v11, v52  }
0x31: {  	v20 =	vsub.f32 v13, v57;
	v22 =	vmul.f32 v57, v57;
	v24 =	vsub.f32 v14, v61  }
0x32: {  	v27 =	vmul.f32 v61, v61;
	v29 =	vsub.f32 v16, v18;
	v41 =	vmul.f32 v28, v28  }
0x33: {  	v39 =	vsub.f32 v25, v28;
	v46 =	vmul.f32 v31, v31;
	v3 =	vmul.f32 v3, v3  }
0x34: {  	v47 =	vld [tilespmem:$0x930];
	v48 =	vsub.f32 v34, v37;
	v9 =	vmul.f32 v9, v9;
	v53 =	vmul.f32 v12, v12  }
0x35: {  	v4 =	vsub.f32 v4, v5;
	v59 =	vmul.f32 v54, v54;
	v5 =	vmul.f32 v52, v52  }
0x36: {  	v2 =	vsub.f32 v2, v7;
	v63 =	vmul.f32 v60, v60;
	v23 =	vmul.f32 v20, v20  }
0x37: {  	v30 =	vld [tilespmem:$0x110];
	v55 =	vsub.f32 v6, v8;
	v8 =	vmul.f32 v24, v24;
	v33 =	vmul.f32 v29, v29  }
0x38: {  	v42 =	vmul.f32 v39, v39;
	v52 =	vmul.f32 v48, v48  }
0x39: {  	v60 =	vmul.f32 v47, v47;
	v2 =	vmul.f32 v2, v0  }
0x3a: {  	v6 =	vsub.f32 v10, v56;
	v3 =	vmul.f32 v3, v0;
	v9 =	vmul.f32 v9, v0  }
0x3b: {  	v4 =	vmul.f32 v4, v0;
	v58 =	vmul.f32 v53, v0  }
0x3c: {  	v43 =	vsub.f32 v30, v31;
	v62 =	vmul.f32 v59, v0;
	v17 =	vmul.f32 v6, v0  }
0x3d: {  	v44 =	vld [tilespmem:$0x130];
	v26 =	vsub.f32 v13, v22;
	v19 =	vmul.f32 v63, v0;
	v7 =	vmul.f32 v23, v0  }
0x3e: {  	v49 =	vld [tilespmem:$0x140];
	v45 =	vsub.f32 v25, v41;
	v6 =	vmul.f32 v18, v18;
	v32 =	vmul.f32 v8, v0  }
0x3f: {  	v56 =	vld [tilespmem:$0x950];
	v5 =	vsub.f32 v11, v5;
	v38 =	vmul.f32 v33, v0;
	v8 =	vmul.f32 v43, v43  }
0x40: {  	v57 =	vmul.f32 v52, v0;
	v63 =	vld [tilespmem:$0x160];
	v2 =	vadd.f32 $0.0e+00, v2;
	v3 =	vadd.f32 v9, v3  }
0x41: {  	v18 =	vld [tilespmem:$0x960];
	v21 =	vmul.f32 v5, v0;
	v5 =	vsub.f32 v14, v27;
	v36 =	vsub.f32 v16, v6  }
0x42: {  	v50 =	vld [tilespmem:$0x940];
	v6 =	vmul.f32 v37, v37;
	v51 =	vmul.f32 v8, v0;
	v16 =	vsub.f32 v44, v60  }
0x43: {  	v53 =	vld [tilespmem:$0x150];
	v2 =	vadd.f32 v4, v2;
	v4 =	vmul.f32 v55, v0;
	v3 =	vadd.f32 v58, v3  }
0x44: {  	v27 =	vld [tilespmem:$0x980];
	v35 =	vmul.f32 v5, v0;
	v40 =	vmul.f32 v36, v0;
	v5 =	vsub.f32 v30, v46  }
0x45: {  	v37 =	vld [tilespmem:$0x990];
	v55 =	vsub.f32 v34, v6;
	v58 =	vsub.f32 v44, v47;
	v6 =	vmul.f32 v56, v56  }
0x46: {  	v34 =	vld [tilespmem:$0x190];
	v29 =	vsub.f32 v63, v18;
	v31 =	vmul.f32 v18, v18;
	v2 =	vadd.f32 v4, v2  }
0x47: {  	v3 =	vadd.f32 v62, v3;
	v4 =	vmul.f32 v26, v0;
	v54 =	vmul.f32 v5, v0  }
0x48: {  	v20 =	vld [tilespmem:$0x170];
	v59 =	vmul.f32 v55, v0;
	v61 =	vmul.f32 v58, v58;
	v62 =	vsub.f32 v49, v50  }
0x49: {  	v24 =	vld [tilespmem:$0x180];
	v26 =	vsub.f32 v53, v6;
	v6 =	vmul.f32 v27, v27;
	v2 =	vadd.f32 v17, v2  }
0x4a: {  	v3 =	vadd.f32 v19, v3;
	v17 =	vmul.f32 v50, v50;
	v19 =	vsub.f32 v53, v56;
	v53 =	vld [tilespmem:$0x1C0]  }
0x4b: {  	v8 =	vmul.f32 v62, v62;
	v30 =	vmul.f32 v26, v0;
	v56 =	vld [tilespmem:$0x9C0];
	v48 =	vsub.f32 v34, v37  }
0x4c: {  	v46 =	vld [tilespmem:$0x9B0];
	v50 =	vmul.f32 v37, v37;
	v2 =	vadd.f32 v21, v2;
	v3 =	vadd.f32 v7, v3  }
0x4d: {  	v43 =	vld [tilespmem:$0x1B0];
	v7 =	vmul.f32 v42, v0;
	v5 =	vsub.f32 v49, v17;
	v23 =	vmul.f32 v19, v19  }
0x4e: {  	v21 =	vld [tilespmem:$0x970];
	v22 =	vmul.f32 v8, v0;
	v2 =	vadd.f32 v4, v2;
	v4 =	vmul.f32 v45, v0  }
0x4f: {  	v3 =	vadd.f32 v32, v3;
	v25 =	vmul.f32 v5, v0;
	v28 =	vmul.f32 v23, v0  }
0x50: {  	v32 =	vmul.f32 v29, v29;
	v45 =	vsub.f32 v24, v6;
	v18 =	vsub.f32 v53, v56  }
0x51: {  	v26 =	vld [tilespmem:$0x9F0];
	v6 =	vmul.f32 v46, v46;
	v2 =	vadd.f32 v35, v2;
	v3 =	vadd.f32 v38, v3  }
0x52: {  	v23 =	vld [tilespmem:$0x1F0];
	v35 =	vsub.f32 v63, v31;
	v38 =	vsub.f32 v24, v27;
	v49 =	vmul.f32 v45, v0  }
0x53: {  	v15 =	vsub.f32 v43, v6;
	v33 =	vsub.f32 v20, v21;
	v36 =	vmul.f32 v21, v21  }
0x54: {  	v21 =	vmul.f32 v18, v18;
	v3 =	vadd.f32 v7, v3;
	v7 =	vmul.f32 v61, v0  }
0x55: {  	v39 =	vld [tilespmem:$0x1A0];
	v2 =	vadd.f32 v40, v2;
	v42 =	vmul.f32 v38, v38;
	v19 =	vmul.f32 v15, v0  }
0x56: {  	v40 =	vld [tilespmem:$0x9A0];
	v8 =	vmul.f32 v33, v33;
	v5 =	vsub.f32 v20, v36;
	v20 =	vmul.f32 v56, v56  }
0x57: {  	v62 =	vld [tilespmem:$0x1E0];
	v37 =	vsub.f32 v23, v26;
	v2 =	vadd.f32 v4, v2;
	v4 =	vmul.f32 v16, v0  }
0x58: {  	v45 =	vld [tilespmem:$0xA20];
	v3 =	vadd.f32 v51, v3;
	v47 =	vmul.f32 v42, v0;
	v51 =	vmul.f32 v48, v48  }
0x59: {  	v16 =	vld [tilespmem:$0x9E0];
	v41 =	vmul.f32 v8, v0;
	v24 =	vsub.f32 v53, v20;
	v2 =	vadd.f32 v54, v2  }
0x5a: {  	v42 =	vld [tilespmem:$0x220];
	v44 =	vmul.f32 v5, v0;
	v3 =	vadd.f32 v57, v3;
	v54 =	vsub.f32 v34, v50  }
0x5b: {  	v57 =	vsub.f32 v43, v46;
	v52 =	vsub.f32 v39, v40;
	v55 =	vmul.f32 v40, v40  }
0x5c: {  	v40 =	vmul.f32 v37, v37;
	v3 =	vadd.f32 v7, v3;
	v7 =	vmul.f32 v32, v0  }
0x5d: {  	v58 =	vld [tilespmem:$0x1D0];
	v2 =	vadd.f32 v59, v2;
	v61 =	vmul.f32 v57, v57;
	v8 =	vmul.f32 v52, v52  }
0x5e: {  	v59 =	vld [tilespmem:$0x9D0];
	v5 =	vsub.f32 v39, v55;
	v27 =	vsub.f32 v62, v16;
	v6 =	vmul.f32 v16, v16  }
0x5f: {  	v32 =	vld [tilespmem:$0x210];
	v39 =	vmul.f32 v26, v26;
	v56 =	vsub.f32 v42, v45;
	v2 =	vadd.f32 v4, v2  }
0x60: {  	v16 =	vld [tilespmem:$0xA50];
	v3 =	vadd.f32 v22, v3;
	v4 =	vmul.f32 v35, v0;
	v17 =	vmul.f32 v61, v0  }
0x61: {  	v35 =	vld [tilespmem:$0xA10];
	v60 =	vmul.f32 v8, v0;
	v31 =	vmul.f32 v27, v27;
	v34 =	vsub.f32 v62, v6  }
0x62: {  	v61 =	vld [tilespmem:$0x250];
	v63 =	vmul.f32 v5, v0;
	v43 =	vsub.f32 v23, v39;
	v2 =	vadd.f32 v25, v2  }
0x63: {  	v29 =	vld [tilespmem:$0xA00];
	v3 =	vadd.f32 v28, v3;
	v25 =	vmul.f32 v59, v59;
	v36 =	vmul.f32 v31, v0  }
0x64: {  	v28 =	vld [tilespmem:$0x200];
	v22 =	vsub.f32 v58, v59;
	v38 =	vmul.f32 v34, v0;
	v59 =	vmul.f32 v56, v56  }
0x65: {  	v2 =	vadd.f32 v30, v2;
	v3 =	vadd.f32 v7, v3;
	v7 =	vmul.f32 v51, v0  }
0x66: {  	v8 =	vmul.f32 v22, v22;
	v5 =	vsub.f32 v58, v25;
	v46 =	vsub.f32 v32, v35  }
0x67: {  	v6 =	vmul.f32 v35, v35;
	v58 =	vmul.f32 v45, v45;
	v27 =	vsub.f32 v61, v16  }
0x68: {  	v48 =	vld [tilespmem:$0xA30];
	v2 =	vadd.f32 v4, v2;
	v3 =	vadd.f32 v41, v3;
	v4 =	vmul.f32 v54, v0  }
0x69: {  	v51 =	vld [tilespmem:$0x240];
	v30 =	vmul.f32 v8, v0;
	v33 =	vmul.f32 v5, v0;
	v41 =	vsub.f32 v28, v29  }
0x6a: {  	v54 =	vld [tilespmem:$0xA40];
	v50 =	vmul.f32 v46, v46;
	v53 =	vsub.f32 v32, v6;
	v2 =	vadd.f32 v44, v2  }
0x6b: {  	v3 =	vadd.f32 v47, v3;
	v44 =	vmul.f32 v29, v29;
	v47 =	vld [tilespmem:$0x230];
	v29 =	vmul.f32 v16, v16  }
0x6c: {  	v25 =	vld [tilespmem:$0xA70];
	v62 =	vsub.f32 v42, v58;
	v8 =	vmul.f32 v41, v41;
	v55 =	vmul.f32 v50, v0  }
0x6d: {  	v35 =	vld [tilespmem:$0xA80];
	v57 =	vmul.f32 v53, v0;
	v2 =	vadd.f32 v49, v2;
	v3 =	vadd.f32 v7, v3  }
0x6e: {  	v32 =	vld [tilespmem:$0x280];
	v7 =	vmul.f32 v21, v0;
	v5 =	vsub.f32 v28, v44;
	v49 =	vmul.f32 v8, v0  }
0x6f: {  	v6 =	vmul.f32 v54, v54;
	v2 =	vadd.f32 v4, v2;
	v3 =	vadd.f32 v60, v3  }
0x70: {  	v18 =	vld [tilespmem:$0x260];
	v4 =	vmul.f32 v24, v0;
	v52 =	vmul.f32 v5, v0;
	v60 =	vsub.f32 v47, v48  }
0x71: {  	v22 =	vld [tilespmem:$0x270];
	v24 =	vsub.f32 v51, v6;
	v6 =	vmul.f32 v25, v25;
	v2 =	vadd.f32 v63, v2  }
0x72: {  	v3 =	vadd.f32 v17, v3;
	v63 =	vmul.f32 v48, v48;
	v17 =	vsub.f32 v51, v54;
	v51 =	vld [tilespmem:$0x2B0]  }
0x73: {  	v46 =	vsub.f32 v32, v35;
	v48 =	vmul.f32 v35, v35;
	v54 =	vld [tilespmem:$0xAB0];
	v8 =	vmul.f32 v60, v60  }
0x74: {  	v44 =	vld [tilespmem:$0xAA0];
	v28 =	vmul.f32 v24, v0;
	v2 =	vadd.f32 v19, v2;
	v3 =	vadd.f32 v7, v3  }
0x75: {  	v60 =	vld [tilespmem:$0x2D0];
	v7 =	vmul.f32 v40, v0;
	v5 =	vsub.f32 v47, v63;
	v21 =	vmul.f32 v17, v17  }
0x76: {  	v19 =	vld [tilespmem:$0xA60];
	v20 =	vmul.f32 v8, v0;
	v2 =	vadd.f32 v4, v2;
	v4 =	vmul.f32 v43, v0  }
0x77: {  	v63 =	vld [tilespmem:$0xAD0];
	v3 =	vadd.f32 v30, v3;
	v23 =	vmul.f32 v5, v0;
	v26 =	vmul.f32 v21, v0  }
0x78: {  	v30 =	vmul.f32 v27, v27;
	v43 =	vsub.f32 v22, v6;
	v16 =	vsub.f32 v51, v54  }
0x79: {  	v24 =	vld [tilespmem:$0xAE0];
	v6 =	vmul.f32 v44, v44;
	v2 =	vadd.f32 v33, v2;
	v3 =	vadd.f32 v36, v3  }
0x7a: {  	v21 =	vld [tilespmem:$0x2E0];
	v33 =	vsub.f32 v61, v29;
	v36 =	vsub.f32 v22, v25;
	v47 =	vmul.f32 v43, v0  }
0x7b: {  	v31 =	vsub.f32 v18, v19;
	v34 =	vmul.f32 v19, v19;
	v19 =	vmul.f32 v16, v16  }
0x7c: {  	v41 =	vld [tilespmem:$0x2A0];
	v25 =	vsub.f32 v60, v63;
	v3 =	vadd.f32 v7, v3;
	v7 =	vmul.f32 v59, v0  }
0x7d: {  	v2 =	vadd.f32 v38, v2;
	v40 =	vmul.f32 v36, v36;
	v8 =	vmul.f32 v31, v31  }
0x7e: {  	v5 =	vsub.f32 v18, v34;
	v18 =	vmul.f32 v54, v54;
	v29 =	vmul.f32 v25, v25  }
0x7f: {  	v37 =	vld [tilespmem:$0x290];
	v35 =	vsub.f32 v21, v24;
	v2 =	vadd.f32 v4, v2;
	v4 =	vmul.f32 v62, v0  }
0x80: {  	v38 =	vld [tilespmem:$0xA90];
	v3 =	vadd.f32 v49, v3;
	v45 =	vmul.f32 v40, v0;
	v49 =	vmul.f32 v46, v46  }
0x81: {  	v62 =	vsub.f32 v41, v6;
	v6 =	vmul.f32 v63, v63;
	v39 =	vmul.f32 v8, v0  }
0x82: {  	v43 =	vld [tilespmem:$0xB10];
	v42 =	vmul.f32 v5, v0;
	v22 =	vsub.f32 v51, v18;
	v2 =	vadd.f32 v52, v2  }
0x83: {  	v40 =	vld [tilespmem:$0x310];
	v34 =	vmul.f32 v29, v0;
	v3 =	vadd.f32 v55, v3;
	v52 =	vsub.f32 v32, v48  }
0x84: {  	v55 =	vsub.f32 v41, v44;
	v17 =	vmul.f32 v62, v0;
	v32 =	vsub.f32 v60, v6  }
0x85: {  	v56 =	vld [tilespmem:$0x2C0];
	v50 =	vsub.f32 v37, v38;
	v53 =	vmul.f32 v38, v38;
	v38 =	vmul.f32 v35, v35  }
0x86: {  	v62 =	vld [tilespmem:$0xB40];
	v3 =	vadd.f32 v7, v3;
	v7 =	vmul.f32 v30, v0;
	v59 =	vmul.f32 v55, v55  }
0x87: {  	v2 =	vadd.f32 v57, v2;
	v57 =	vld [tilespmem:$0xAC0];
	v36 =	vmul.f32 v32, v0;
	v8 =	vmul.f32 v50, v50  }
0x88: {  	v30 =	vld [tilespmem:$0x300];
	v5 =	vsub.f32 v37, v53;
	v37 =	vmul.f32 v24, v24;
	v54 =	vsub.f32 v40, v43  }
0x89: {  	v2 =	vadd.f32 v4, v2;
	v3 =	vadd.f32 v20, v3;
	v4 =	vmul.f32 v33, v0;
	v33 =	vld [tilespmem:$0xB00]  }
0x8a: {  	v15 =	vmul.f32 v59, v0;
	v59 =	vld [tilespmem:$0x340];
	v58 =	vmul.f32 v8, v0;
	v41 =	vsub.f32 v21, v37  }
0x8b: {  	v27 =	vld [tilespmem:$0xAF0];
	v61 =	vmul.f32 v5, v0;
	v2 =	vadd.f32 v23, v2;
	v3 =	vadd.f32 v26, v3  }
0x8c: {  	v26 =	vld [tilespmem:$0x2F0];
	v20 =	vsub.f32 v56, v57;
	v23 =	vmul.f32 v57, v57;
	v57 =	vmul.f32 v54, v54  }
0x8d: {  	v2 =	vadd.f32 v28, v2;
	v3 =	vadd.f32 v7, v3;
	v7 =	vmul.f32 v49, v0  }
0x8e: {  	v8 =	vmul.f32 v20, v20;
	v5 =	vsub.f32 v56, v23;
	v44 =	vsub.f32 v30, v33  }
0x8f: {  	v6 =	vmul.f32 v33, v33;
	v56 =	vmul.f32 v43, v43;
	v25 =	vsub.f32 v59, v62  }
0x90: {  	v2 =	vadd.f32 v4, v2;
	v3 =	vadd.f32 v39, v3;
	v4 =	vmul.f32 v52, v0  }
0x91: {  	v49 =	vld [tilespmem:$0x330];
	v28 =	vmul.f32 v8, v0;
	v31 =	vmul.f32 v5, v0;
	v39 =	vsub.f32 v26, v27  }
0x92: {  	v52 =	vld [tilespmem:$0xB30];
	v48 =	vmul.f32 v44, v44;
	v51 =	vsub.f32 v30, v6;
	v2 =	vadd.f32 v42, v2  }
0x93: {  	v46 =	vld [tilespmem:$0xB20];
	v3 =	vadd.f32 v45, v3;
	v42 =	vmul.f32 v27, v27;
	v27 =	vmul.f32 v62, v62  }
0x94: {  	v60 =	vsub.f32 v40, v56;
	v45 =	vld [tilespmem:$0x320];
	v8 =	vmul.f32 v39, v39;
	v53 =	vmul.f32 v48, v0  }
0x95: {  	v23 =	vld [tilespmem:$0xB60];
	v55 =	vmul.f32 v51, v0;
	v2 =	vadd.f32 v47, v2;
	v3 =	vadd.f32 v7, v3  }
0x96: {  	v33 =	vld [tilespmem:$0xB70];
	v7 =	vmul.f32 v19, v0;
	v5 =	vsub.f32 v26, v42;
	v47 =	vmul.f32 v8, v0  }
0x97: {  	v30 =	vld [tilespmem:$0x370];
	v63 =	vsub.f32 v49, v52;
	v6 =	vmul.f32 v52, v52;
	v2 =	vadd.f32 v4, v2  }
0x98: {  	v16 =	vld [tilespmem:$0x350];
	v3 =	vadd.f32 v58, v3;
	v4 =	vmul.f32 v22, v0;
	v50 =	vmul.f32 v5, v0  }
0x99: {  	v52 =	vld [tilespmem:$0xBA0];
	v58 =	vsub.f32 v45, v46;
	v19 =	vmul.f32 v63, v63;
	v22 =	vsub.f32 v49, v6  }
0x9a: {  	v20 =	vld [tilespmem:$0x360];
	v6 =	vmul.f32 v23, v23;
	v2 =	vadd.f32 v61, v2;
	v61 =	vmul.f32 v46, v46  }
0x9b: {  	v49 =	vld [tilespmem:$0x3A0];
	v3 =	vadd.f32 v15, v3;
	v46 =	vmul.f32 v33, v33;
	v8 =	vmul.f32 v58, v58  }
0x9c: {  	v42 =	vld [tilespmem:$0xB90];
	v44 =	vsub.f32 v30, v33;
	v24 =	vmul.f32 v19, v0;
	v26 =	vmul.f32 v22, v0  }
0x9d: {  	v58 =	vld [tilespmem:$0x3C0];
	v2 =	vadd.f32 v17, v2;
	v3 =	vadd.f32 v7, v3;
	v7 =	vmul.f32 v38, v0  }
0x9e: {  	v5 =	vsub.f32 v45, v61;
	v17 =	vld [tilespmem:$0xB50];
	v15 =	vmul.f32 v52, v52;
	v18 =	vmul.f32 v8, v0  }
0x9f: {  	v61 =	vld [tilespmem:$0xBC0];
	v2 =	vadd.f32 v4, v2;
	v3 =	vadd.f32 v28, v3;
	v4 =	vmul.f32 v41, v0  }
0xa0: {  	v21 =	vmul.f32 v5, v0;
	v41 =	vsub.f32 v20, v6;
	v63 =	vsub.f32 v49, v52  }
0xa1: {  	v28 =	vmul.f32 v25, v25;
	v19 =	vsub.f32 v49, v15;
	v2 =	vadd.f32 v31, v2  }
0xa2: {  	v6 =	vmul.f32 v42, v42;
	v3 =	vadd.f32 v34, v3;
	v31 =	vsub.f32 v59, v27  }
0xa3: {  	v39 =	vld [tilespmem:$0x390];
	v34 =	vsub.f32 v20, v23;
	v45 =	vmul.f32 v41, v0;
	v29 =	vsub.f32 v16, v17  }
0xa4: {  	v32 =	vmul.f32 v17, v17;
	v22 =	vsub.f32 v58, v61;
	v2 =	vadd.f32 v36, v2  }
0xa5: {  	v3 =	vadd.f32 v7, v3;
	v7 =	vmul.f32 v57, v0;
	v38 =	vmul.f32 v34, v34  }
0xa6: {  	v35 =	vld [tilespmem:$0x380];
	v8 =	vmul.f32 v29, v29;
	v5 =	vsub.f32 v16, v32;
	v16 =	vmul.f32 v63, v63  }
0xa7: {  	v36 =	vld [tilespmem:$0xB80];
	v2 =	vadd.f32 v4, v2;
	v3 =	vadd.f32 v47, v3;
	v4 =	vmul.f32 v60, v0  }
0xa8: {  	v54 =	vld [tilespmem:$0x3B0];
	v43 =	vmul.f32 v38, v0;
	v47 =	vmul.f32 v44, v44;
	v60 =	vsub.f32 v39, v6  }
0xa9: {  	v49 =	vld [tilespmem:$0xC20];
	v6 =	vmul.f32 v61, v61;
	v37 =	vmul.f32 v8, v0;
	v2 =	vadd.f32 v50, v2  }
0xaa: {  	v27 =	vld [tilespmem:$0x3F0];
	v40 =	vmul.f32 v5, v0;
	v3 =	vadd.f32 v53, v3;
	v50 =	vsub.f32 v30, v46  }
0xab: {  	v53 =	vsub.f32 v39, v42;
	v12 =	vmul.f32 v60, v0;
	v29 =	vsub.f32 v58, v6;
	v30 =	vld [tilespmem:$0xBF0]  }
0xac: {  	v46 =	vld [tilespmem:$0x420];
	v48 =	vsub.f32 v35, v36;
	v51 =	vmul.f32 v36, v36;
	v2 =	vadd.f32 v55, v2  }
0xad: {  	v3 =	vadd.f32 v7, v3;
	v7 =	vmul.f32 v28, v0;
	v55 =	vld [tilespmem:$0xBB0];
	v57 =	vmul.f32 v53, v53  }
0xae: {  	v33 =	vmul.f32 v29, v0;
	v8 =	vmul.f32 v48, v48;
	v5 =	vsub.f32 v35, v51  }
0xaf: {  	v2 =	vadd.f32 v4, v2;
	v3 =	vadd.f32 v18, v3;
	v4 =	vmul.f32 v31, v0  }
0xb0: {  	v23 =	vld [tilespmem:$0x3E0];
	v62 =	vmul.f32 v57, v0;
	v56 =	vmul.f32 v8, v0;
	v41 =	vsub.f32 v27, v30  }
0xb1: {  	v61 =	vld [tilespmem:$0x440];
	v6 =	vmul.f32 v30, v30;
	v60 =	vsub.f32 v46, v49;
	v2 =	vadd.f32 v21, v2  }
0xb2: {  	v18 =	vld [tilespmem:$0x3D0];
	v59 =	vmul.f32 v5, v0;
	v3 =	vadd.f32 v24, v3;
	v17 =	vsub.f32 v54, v55  }
0xb3: {  	v21 =	vld [tilespmem:$0xBD0];
	v20 =	vmul.f32 v55, v55;
	v48 =	vsub.f32 v27, v6;
	v6 =	vmul.f32 v49, v49  }
0xb4: {  	v24 =	vld [tilespmem:$0xBE0];
	v2 =	vadd.f32 v26, v2;
	v3 =	vadd.f32 v7, v3;
	v7 =	vmul.f32 v47, v0  }
0xb5: {  	v42 =	vld [tilespmem:$0x410];
	v26 =	vmul.f32 v22, v22;
	v8 =	vmul.f32 v17, v17;
	v5 =	vsub.f32 v54, v20  }
0xb6: {  	v30 =	vld [tilespmem:$0xC60];
	v52 =	vmul.f32 v48, v0;
	v2 =	vadd.f32 v4, v2;
	v4 =	vmul.f32 v50, v0  }
0xb7: {  	v27 =	vld [tilespmem:$0x460];
	v3 =	vadd.f32 v37, v3;
	v31 =	vmul.f32 v26, v0;
	v25 =	vmul.f32 v8, v0  }
0xb8: {  	v49 =	vld [tilespmem:$0xC90];
	v28 =	vmul.f32 v5, v0;
	v32 =	vsub.f32 v18, v21;
	v34 =	vmul.f32 v21, v21  }
0xb9: {  	v20 =	vld [tilespmem:$0xC50];
	v36 =	vsub.f32 v23, v24;
	v39 =	vmul.f32 v24, v24;
	v2 =	vadd.f32 v40, v2  }
0xba: {  	v37 =	vld [tilespmem:$0x400];
	v3 =	vadd.f32 v43, v3;
	v35 =	vmul.f32 v32, v32;
	v38 =	vsub.f32 v18, v34  }
0xbb: {  	v40 =	vld [tilespmem:$0xC00];
	v8 =	vmul.f32 v36, v36;
	v5 =	vsub.f32 v23, v39;
	v2 =	vadd.f32 v45, v2  }
0xbc: {  	v43 =	vld [tilespmem:$0xC10];
	v3 =	vadd.f32 v7, v3;
	v7 =	vmul.f32 v16, v0;
	v45 =	vmul.f32 v41, v41  }
0xbd: {  	v17 =	vld [tilespmem:$0x450];
	v16 =	vmul.f32 v60, v60;
	v41 =	vsub.f32 v27, v30;
	v44 =	vmul.f32 v8, v0  }
0xbe: {  	v39 =	vld [tilespmem:$0xC80];
	v47 =	vmul.f32 v5, v0;
	v2 =	vadd.f32 v4, v2;
	v3 =	vadd.f32 v56, v3  }
0xbf: {  	v4 =	vmul.f32 v19, v0;
	v50 =	vmul.f32 v45, v0;
	v56 =	vld [tilespmem:$0x430];
	v19 =	vsub.f32 v46, v6  }
0xc0: {  	v21 =	vmul.f32 v16, v0;
	v6 =	vmul.f32 v20, v20;
	v46 =	vld [tilespmem:$0x490];
	v51 =	vsub.f32 v37, v40  }
0xc1: {  	v16 =	vld [tilespmem:$0x4C0];
	v53 =	vmul.f32 v40, v40;
	v55 =	vsub.f32 v42, v43;
	v58 =	vmul.f32 v43, v43  }
0xc2: {  	v43 =	vmul.f32 v30, v30;
	v2 =	vadd.f32 v59, v2;
	v3 =	vadd.f32 v62, v3;
	v59 =	vld [tilespmem:$0xC30]  }
0xc3: {  	v62 =	vld [tilespmem:$0xC40];
	v23 =	vmul.f32 v19, v0;
	v57 =	vsub.f32 v37, v53;
	v8 =	vmul.f32 v55, v55  }
0xc4: {  	v19 =	vld [tilespmem:$0xCC0];
	v54 =	vmul.f32 v51, v51;
	v5 =	vsub.f32 v42, v58;
	v2 =	vadd.f32 v12, v2  }
0xc5: {  	v55 =	vld [tilespmem:$0x4B0];
	v3 =	vadd.f32 v7, v3;
	v7 =	vmul.f32 v35, v0;
	v63 =	vmul.f32 v8, v0  }
0xc6: {  	v58 =	vld [tilespmem:$0xCB0];
	v18 =	vmul.f32 v5, v0;
	v60 =	vsub.f32 v46, v49;
	v2 =	vadd.f32 v4, v2  }
0xc7: {  	v3 =	vadd.f32 v25, v3;
	v4 =	vmul.f32 v38, v0;
	v38 =	vsub.f32 v17, v6  }
0xc8: {  	v6 =	vmul.f32 v39, v39;
	v22 =	vsub.f32 v56, v59;
	v24 =	vmul.f32 v59, v59  }
0xc9: {  	v26 =	vsub.f32 v61, v62;
	v29 =	vmul.f32 v62, v62;
	v30 =	vsub.f32 v16, v19  }
0xca: {  	v62 =	vmul.f32 v49, v49;
	v2 =	vadd.f32 v28, v2;
	v3 =	vadd.f32 v31, v3  }
0xcb: {  	v31 =	vsub.f32 v17, v20;
	v42 =	vmul.f32 v38, v0;
	v20 =	vsub.f32 v55, v58  }
0xcc: {  	v36 =	vld [tilespmem:$0x480];
	v25 =	vmul.f32 v22, v22;
	v28 =	vsub.f32 v56, v24;
	v8 =	vmul.f32 v26, v26  }
0xcd: {  	v5 =	vsub.f32 v61, v29;
	v3 =	vadd.f32 v7, v3;
	v7 =	vmul.f32 v54, v0  }
0xce: {  	v32 =	vld [tilespmem:$0x470];
	v2 =	vadd.f32 v33, v2;
	v35 =	vmul.f32 v31, v31;
	v24 =	vmul.f32 v20, v20  }
0xcf: {  	v17 =	vsub.f32 v46, v62;
	v33 =	vld [tilespmem:$0xC70];
	v34 =	vmul.f32 v8, v0;
	v37 =	vmul.f32 v5, v0  }
0xd0: {  	v2 =	vadd.f32 v4, v2;
	v3 =	vadd.f32 v44, v3;
	v4 =	vmul.f32 v57, v0  }
0xd1: {  	v40 =	vmul.f32 v35, v0;
	v44 =	vmul.f32 v41, v41;
	v57 =	vsub.f32 v36, v6  }
0xd2: {  	v38 =	vld [tilespmem:$0xCF0];
	v6 =	vmul.f32 v58, v58;
	v2 =	vadd.f32 v47, v2;
	v3 =	vadd.f32 v50, v3  }
0xd3: {  	v29 =	vmul.f32 v24, v1;
	v35 =	vld [tilespmem:$0x4F0];
	v47 =	vsub.f32 v27, v43;
	v50 =	vsub.f32 v36, v39  }
0xd4: {  	v61 =	vmul.f32 v57, v1;
	v27 =	vsub.f32 v55, v6;
	v45 =	vsub.f32 v32, v33  }
0xd5: {  	v51 =	vld [tilespmem:$0x4A0];
	v48 =	vmul.f32 v33, v33;
	v33 =	vmul.f32 v30, v30;
	v2 =	vadd.f32 v52, v2  }
0xd6: {  	v57 =	vld [tilespmem:$0xD20];
	v3 =	vadd.f32 v7, v3;
	v7 =	vmul.f32 v25, v0;
	v54 =	vmul.f32 v50, v50  }
0xd7: {  	v52 =	vld [tilespmem:$0xCA0];
	v31 =	vmul.f32 v27, v1;
	v8 =	vmul.f32 v45, v45;
	v5 =	vsub.f32 v32, v48  }
0xd8: {  	v25 =	vld [tilespmem:$0x4E0];
	v32 =	vmul.f32 v19, v19;
	v49 =	vsub.f32 v35, v38;
	v2 =	vadd.f32 v4, v2  }
0xd9: {  	v3 =	vadd.f32 v63, v3;
	v4 =	vmul.f32 v28, v0;
	v59 =	vmul.f32 v54, v1;
	v28 =	vld [tilespmem:$0xCE0]  }
0xda: {  	v63 =	vmul.f32 v60, v60;
	v54 =	vld [tilespmem:$0x520];
	v53 =	vmul.f32 v8, v0;
	v36 =	vsub.f32 v16, v32  }
0xdb: {  	v60 =	vld [tilespmem:$0xD30];
	v56 =	vmul.f32 v5, v0;
	v2 =	vadd.f32 v18, v2;
	v3 =	vadd.f32 v21, v3  }
0xdc: {  	v22 =	vld [tilespmem:$0xCD0];
	v15 =	vsub.f32 v51, v52;
	v18 =	vmul.f32 v52, v52;
	v52 =	vmul.f32 v49, v49  }
0xdd: {  	v21 =	vld [tilespmem:$0x4D0];
	v2 =	vadd.f32 v23, v2;
	v3 =	vadd.f32 v7, v3;
	v7 =	vmul.f32 v44, v0  }
0xde: {  	v8 =	vmul.f32 v15, v15;
	v5 =	vsub.f32 v51, v18;
	v39 =	vsub.f32 v25, v28  }
0xdf: {  	v6 =	vmul.f32 v28, v28;
	v51 =	vmul.f32 v38, v38;
	v20 =	vsub.f32 v54, v57  }
0xe0: {  	v27 =	vmul.f32 v60, v60;
	v2 =	vadd.f32 v4, v2;
	v4 =	vmul.f32 v47, v0  }
0xe1: {  	v44 =	vld [tilespmem:$0x510];
	v3 =	vadd.f32 v34, v3;
	v23 =	vmul.f32 v8, v1;
	v26 =	vmul.f32 v5, v1  }
0xe2: {  	v47 =	vld [tilespmem:$0xD10];
	v34 =	vsub.f32 v21, v22;
	v43 =	vmul.f32 v39, v39;
	v46 =	vsub.f32 v25, v6  }
0xe3: {  	v41 =	vld [tilespmem:$0xD00];
	v55 =	vsub.f32 v35, v51;
	v2 =	vadd.f32 v37, v2;
	v37 =	vmul.f32 v22, v22  }
0xe4: {  	v3 =	vadd.f32 v40, v3;
	v40 =	vld [tilespmem:$0x500];
	v22 =	vmul.f32 v57, v57;
	v8 =	vmul.f32 v34, v34  }
0xe5: {  	v18 =	vld [tilespmem:$0xD40];
	v48 =	vmul.f32 v43, v1;
	v50 =	vmul.f32 v46, v1;
	v2 =	vadd.f32 v42, v2  }
0xe6: {  	v28 =	vld [tilespmem:$0xD50];
	v3 =	vadd.f32 v7, v3;
	v7 =	vmul.f32 v63, v1;
	v5 =	vsub.f32 v21, v37  }
0xe7: {  	v25 =	vld [tilespmem:$0x550];
	v42 =	vmul.f32 v8, v1;
	v58 =	vsub.f32 v44, v47;
	v6 =	vmul.f32 v47, v47  }
0xe8: {  	v2 =	vadd.f32 v4, v2;
	v3 =	vadd.f32 v53, v3;
	v4 =	vmul.f32 v17, v1  }
0xe9: {  	v63 =	vld [tilespmem:$0x540];
	v45 =	vmul.f32 v5, v1;
	v53 =	vsub.f32 v40, v41;
	v62 =	vmul.f32 v58, v58  }
0xea: {  	v47 =	vld [tilespmem:$0xD80];
	v17 =	vsub.f32 v44, v6;
	v6 =	vmul.f32 v18, v18;
	v2 =	vadd.f32 v56, v2  }
0xeb: {  	v44 =	vld [tilespmem:$0x580];
	v3 =	vadd.f32 v59, v3;
	v56 =	vmul.f32 v41, v41;
	v41 =	vmul.f32 v28, v28  }
0xec: {  	v39 =	vsub.f32 v25, v28;
	v59 =	vld [tilespmem:$0x530];
	v8 =	vmul.f32 v53, v53;
	v19 =	vmul.f32 v62, v1  }
0xed: {  	v37 =	vld [tilespmem:$0xD70];
	v21 =	vmul.f32 v17, v1;
	v2 =	vadd.f32 v61, v2;
	v3 =	vadd.f32 v7, v3  }
0xee: {  	v7 =	vmul.f32 v33, v1;
	v5 =	vsub.f32 v40, v56;
	v61 =	vmul.f32 v8, v1  }
0xef: {  	v2 =	vadd.f32 v4, v2;
	v3 =	vadd.f32 v23, v3;
	v4 =	vmul.f32 v36, v1  }
0xf0: {  	v16 =	vmul.f32 v5, v1;
	v36 =	vsub.f32 v63, v6;
	v58 =	vsub.f32 v44, v47  }
0xf1: {  	v34 =	vld [tilespmem:$0x570];
	v23 =	vmul.f32 v20, v20;
	v24 =	vsub.f32 v59, v60;
	v2 =	vadd.f32 v26, v2  }
0xf2: {  	v6 =	vmul.f32 v37, v37;
	v3 =	vadd.f32 v29, v3;
	v29 =	vsub.f32 v63, v18;
	v63 =	vld [tilespmem:$0x5B0]  }
0xf3: {  	v5 =	vsub.f32 v59, v27;
	v60 =	vmul.f32 v47, v47;
	v26 =	vsub.f32 v54, v22;
	v18 =	vld [tilespmem:$0xDB0]  }
0xf4: {  	v56 =	vld [tilespmem:$0xDA0];
	v40 =	vmul.f32 v36, v1;
	v8 =	vmul.f32 v24, v24;
	v2 =	vadd.f32 v31, v2  }
0xf5: {  	v30 =	vld [tilespmem:$0x560];
	v35 =	vmul.f32 v5, v1;
	v3 =	vadd.f32 v7, v3;
	v33 =	vmul.f32 v29, v29  }
0xf6: {  	v7 =	vmul.f32 v52, v1;
	v31 =	vld [tilespmem:$0xD60];
	v32 =	vmul.f32 v8, v1;
	v2 =	vadd.f32 v4, v2  }
0xf7: {  	v3 =	vadd.f32 v42, v3;
	v4 =	vmul.f32 v55, v1;
	v38 =	vmul.f32 v33, v1  }
0xf8: {  	v53 =	vld [tilespmem:$0x5A0];
	v42 =	vmul.f32 v39, v39;
	v55 =	vsub.f32 v34, v6;
	v29 =	vsub.f32 v63, v18  }
0xf9: {  	v27 =	vld [tilespmem:$0xDD0];
	v6 =	vmul.f32 v56, v56;
	v2 =	vadd.f32 v45, v2;
	v3 =	vadd.f32 v48, v3  }
0xfa: {  	v45 =	vsub.f32 v25, v41;
	v48 =	vsub.f32 v34, v37;
	v59 =	vmul.f32 v55, v1;
	v34 =	vld [tilespmem:$0x5E0]  }
0xfb: {  	v37 =	vld [tilespmem:$0xDE0];
	v43 =	vsub.f32 v30, v31;
	v46 =	vmul.f32 v31, v31;
	v31 =	vmul.f32 v18, v18  }
0xfc: {  	v2 =	vadd.f32 v50, v2;
	v3 =	vadd.f32 v7, v3;
	v7 =	vmul.f32 v23, v1  }
0xfd: {  	v49 =	vld [tilespmem:$0x590];
	v52 =	vmul.f32 v48, v48;
	v8 =	vmul.f32 v43, v43;
	v5 =	vsub.f32 v30, v46  }
0xfe: {  	v50 =	vld [tilespmem:$0xD90];
	v2 =	vadd.f32 v4, v2;
	v3 =	vadd.f32 v61, v3;
	v4 =	vmul.f32 v26, v1  }
0xff: {  	v57 =	vmul.f32 v52, v1;
	v61 =	vmul.f32 v58, v58;
	v26 =	vsub.f32 v53, v6  }
0x100: {  	v24 =	vld [tilespmem:$0x5D0];
	v6 =	vmul.f32 v27, v27;
	v51 =	vmul.f32 v8, v1;
	v48 =	vsub.f32 v34, v37  }
0x101: {  	v46 =	vld [tilespmem:$0xE00];
	v54 =	vmul.f32 v5, v1;
	v2 =	vadd.f32 v16, v2;
	v3 =	vadd.f32 v19, v3  }
0x102: {  	v16 =	vsub.f32 v44, v60;
	v19 =	vsub.f32 v53, v56;
	v30 =	vmul.f32 v26, v1;
	v53 =	vld [tilespmem:$0x610]  }
0x103: {  	v56 =	vld [tilespmem:$0xE10];
	v62 =	vsub.f32 v49, v50;
	v17 =	vmul.f32 v50, v50;
	v50 =	vmul.f32 v37, v37  }
0x104: {  	v20 =	vld [tilespmem:$0x5C0];
	v2 =	vadd.f32 v21, v2;
	v3 =	vadd.f32 v7, v3;
	v7 =	vmul.f32 v42, v1  }
0x105: {  	v43 =	vld [tilespmem:$0x600];
	v23 =	vmul.f32 v19, v19;
	v8 =	vmul.f32 v62, v62;
	v5 =	vsub.f32 v49, v17  }
0x106: {  	v21 =	vld [tilespmem:$0xDC0];
	v2 =	vadd.f32 v4, v2;
	v3 =	vadd.f32 v32, v3;
	v4 =	vmul.f32 v45, v1  }
0x107: {  	v28 =	vmul.f32 v23, v1;
	v32 =	vmul.f32 v29, v29;
	v45 =	vsub.f32 v24, v6  }
0x108: {  	v6 =	vmul.f32 v46, v46;
	v22 =	vmul.f32 v8, v1;
	v18 =	vsub.f32 v53, v56  }
0x109: {  	v26 =	vld [tilespmem:$0xE40];
	v25 =	vmul.f32 v5, v1;
	v2 =	vadd.f32 v35, v2;
	v3 =	vadd.f32 v38, v3  }
0x10a: {  	v23 =	vld [tilespmem:$0x640];
	v35 =	vsub.f32 v63, v31;
	v38 =	vsub.f32 v24, v27;
	v49 =	vmul.f32 v45, v1  }
0x10b: {  	v15 =	vsub.f32 v43, v6;
	v33 =	vsub.f32 v20, v21;
	v36 =	vmul.f32 v21, v21  }
0x10c: {  	v21 =	vmul.f32 v18, v18;
	v3 =	vadd.f32 v7, v3;
	v7 =	vmul.f32 v61, v1  }
0x10d: {  	v39 =	vld [tilespmem:$0x5F0];
	v2 =	vadd.f32 v40, v2;
	v42 =	vmul.f32 v38, v38;
	v19 =	vmul.f32 v15, v1  }
0x10e: {  	v40 =	vld [tilespmem:$0xDF0];
	v8 =	vmul.f32 v33, v33;
	v5 =	vsub.f32 v20, v36;
	v20 =	vmul.f32 v56, v56  }
0x10f: {  	v62 =	vld [tilespmem:$0x630];
	v37 =	vsub.f32 v23, v26;
	v2 =	vadd.f32 v4, v2;
	v4 =	vmul.f32 v16, v1  }
0x110: {  	v45 =	vld [tilespmem:$0xE70];
	v3 =	vadd.f32 v51, v3;
	v47 =	vmul.f32 v42, v1;
	v51 =	vmul.f32 v48, v48  }
0x111: {  	v16 =	vld [tilespmem:$0xE30];
	v41 =	vmul.f32 v8, v1;
	v24 =	vsub.f32 v53, v20;
	v2 =	vadd.f32 v54, v2  }
0x112: {  	v42 =	vld [tilespmem:$0x670];
	v44 =	vmul.f32 v5, v1;
	v3 =	vadd.f32 v57, v3;
	v54 =	vsub.f32 v34, v50  }
0x113: {  	v57 =	vsub.f32 v43, v46;
	v52 =	vsub.f32 v39, v40;
	v55 =	vmul.f32 v40, v40  }
0x114: {  	v40 =	vmul.f32 v37, v37;
	v3 =	vadd.f32 v7, v3;
	v7 =	vmul.f32 v32, v1  }
0x115: {  	v58 =	vld [tilespmem:$0x620];
	v2 =	vadd.f32 v59, v2;
	v61 =	vmul.f32 v57, v57;
	v8 =	vmul.f32 v52, v52  }
0x116: {  	v59 =	vld [tilespmem:$0xE20];
	v5 =	vsub.f32 v39, v55;
	v27 =	vsub.f32 v62, v16;
	v6 =	vmul.f32 v16, v16  }
0x117: {  	v32 =	vld [tilespmem:$0x660];
	v39 =	vmul.f32 v26, v26;
	v56 =	vsub.f32 v42, v45;
	v2 =	vadd.f32 v4, v2  }
0x118: {  	v16 =	vld [tilespmem:$0xEA0];
	v3 =	vadd.f32 v22, v3;
	v4 =	vmul.f32 v35, v1;
	v17 =	vmul.f32 v61, v1  }
0x119: {  	v35 =	vld [tilespmem:$0xE60];
	v60 =	vmul.f32 v8, v1;
	v31 =	vmul.f32 v27, v27;
	v34 =	vsub.f32 v62, v6  }
0x11a: {  	v61 =	vld [tilespmem:$0x6A0];
	v63 =	vmul.f32 v5, v1;
	v43 =	vsub.f32 v23, v39;
	v2 =	vadd.f32 v25, v2  }
0x11b: {  	v29 =	vld [tilespmem:$0xE50];
	v3 =	vadd.f32 v28, v3;
	v25 =	vmul.f32 v59, v59;
	v36 =	vmul.f32 v31, v1  }
0x11c: {  	v28 =	vld [tilespmem:$0x650];
	v22 =	vsub.f32 v58, v59;
	v38 =	vmul.f32 v34, v1;
	v59 =	vmul.f32 v56, v56  }
0x11d: {  	v2 =	vadd.f32 v30, v2;
	v3 =	vadd.f32 v7, v3;
	v7 =	vmul.f32 v51, v1  }
0x11e: {  	v8 =	vmul.f32 v22, v22;
	v5 =	vsub.f32 v58, v25;
	v46 =	vsub.f32 v32, v35  }
0x11f: {  	v6 =	vmul.f32 v35, v35;
	v58 =	vmul.f32 v45, v45;
	v27 =	vsub.f32 v61, v16  }
0x120: {  	v48 =	vld [tilespmem:$0xE80];
	v2 =	vadd.f32 v4, v2;
	v3 =	vadd.f32 v41, v3;
	v4 =	vmul.f32 v54, v1  }
0x121: {  	v51 =	vld [tilespmem:$0x690];
	v30 =	vmul.f32 v8, v1;
	v33 =	vmul.f32 v5, v1;
	v41 =	vsub.f32 v28, v29  }
0x122: {  	v54 =	vld [tilespmem:$0xE90];
	v50 =	vmul.f32 v46, v46;
	v53 =	vsub.f32 v32, v6;
	v2 =	vadd.f32 v44, v2  }
0x123: {  	v3 =	vadd.f32 v47, v3;
	v44 =	vmul.f32 v29, v29;
	v47 =	vld [tilespmem:$0x680];
	v29 =	vmul.f32 v16, v16  }
0x124: {  	v25 =	vld [tilespmem:$0xEC0];
	v62 =	vsub.f32 v42, v58;
	v8 =	vmul.f32 v41, v41;
	v55 =	vmul.f32 v50, v1  }
0x125: {  	v35 =	vld [tilespmem:$0xED0];
	v57 =	vmul.f32 v53, v1;
	v2 =	vadd.f32 v49, v2;
	v3 =	vadd.f32 v7, v3  }
0x126: {  	v32 =	vld [tilespmem:$0x6D0];
	v7 =	vmul.f32 v21, v1;
	v5 =	vsub.f32 v28, v44;
	v49 =	vmul.f32 v8, v1  }
0x127: {  	v6 =	vmul.f32 v54, v54;
	v2 =	vadd.f32 v4, v2;
	v3 =	vadd.f32 v60, v3  }
0x128: {  	v18 =	vld [tilespmem:$0x6B0];
	v4 =	vmul.f32 v24, v1;
	v52 =	vmul.f32 v5, v1;
	v60 =	vsub.f32 v47, v48  }
0x129: {  	v22 =	vld [tilespmem:$0x6C0];
	v24 =	vsub.f32 v51, v6;
	v6 =	vmul.f32 v25, v25;
	v2 =	vadd.f32 v63, v2  }
0x12a: {  	v3 =	vadd.f32 v17, v3;
	v63 =	vmul.f32 v48, v48;
	v17 =	vsub.f32 v51, v54;
	v51 =	vld [tilespmem:$0x700]  }
0x12b: {  	v46 =	vsub.f32 v32, v35;
	v48 =	vmul.f32 v35, v35;
	v54 =	vld [tilespmem:$0xF00];
	v8 =	vmul.f32 v60, v60  }
0x12c: {  	v44 =	vld [tilespmem:$0xEF0];
	v28 =	vmul.f32 v24, v1;
	v2 =	vadd.f32 v19, v2;
	v3 =	vadd.f32 v7, v3  }
0x12d: {  	v60 =	vld [tilespmem:$0x720];
	v7 =	vmul.f32 v40, v1;
	v5 =	vsub.f32 v47, v63;
	v21 =	vmul.f32 v17, v17  }
0x12e: {  	v19 =	vld [tilespmem:$0xEB0];
	v20 =	vmul.f32 v8, v1;
	v2 =	vadd.f32 v4, v2;
	v4 =	vmul.f32 v43, v1  }
0x12f: {  	v63 =	vld [tilespmem:$0xF20];
	v3 =	vadd.f32 v30, v3;
	v23 =	vmul.f32 v5, v1;
	v26 =	vmul.f32 v21, v1  }
0x130: {  	v30 =	vmul.f32 v27, v27;
	v43 =	vsub.f32 v22, v6;
	v16 =	vsub.f32 v51, v54  }
0x131: {  	v24 =	vld [tilespmem:$0xF30];
	v6 =	vmul.f32 v44, v44;
	v2 =	vadd.f32 v33, v2;
	v3 =	vadd.f32 v36, v3  }
0x132: {  	v21 =	vld [tilespmem:$0x730];
	v33 =	vsub.f32 v61, v29;
	v36 =	vsub.f32 v22, v25;
	v47 =	vmul.f32 v43, v1  }
0x133: {  	v31 =	vsub.f32 v18, v19;
	v34 =	vmul.f32 v19, v19;
	v19 =	vmul.f32 v16, v16  }
0x134: {  	v41 =	vld [tilespmem:$0x6F0];
	v25 =	vsub.f32 v60, v63;
	v3 =	vadd.f32 v7, v3;
	v7 =	vmul.f32 v59, v1  }
0x135: {  	v2 =	vadd.f32 v38, v2;
	v40 =	vmul.f32 v36, v36;
	v8 =	vmul.f32 v31, v31  }
0x136: {  	v5 =	vsub.f32 v18, v34;
	v18 =	vmul.f32 v54, v54;
	v29 =	vmul.f32 v25, v25  }
0x137: {  	v37 =	vld [tilespmem:$0x6E0];
	v35 =	vsub.f32 v21, v24;
	v2 =	vadd.f32 v4, v2;
	v4 =	vmul.f32 v62, v1  }
0x138: {  	v38 =	vld [tilespmem:$0xEE0];
	v3 =	vadd.f32 v49, v3;
	v45 =	vmul.f32 v40, v1;
	v49 =	vmul.f32 v46, v46  }
0x139: {  	v62 =	vsub.f32 v41, v6;
	v6 =	vmul.f32 v63, v63;
	v39 =	vmul.f32 v8, v1  }
0x13a: {  	v43 =	vld [tilespmem:$0xF60];
	v42 =	vmul.f32 v5, v1;
	v22 =	vsub.f32 v51, v18;
	v2 =	vadd.f32 v52, v2  }
0x13b: {  	v40 =	vld [tilespmem:$0x760];
	v34 =	vmul.f32 v29, v1;
	v3 =	vadd.f32 v55, v3;
	v52 =	vsub.f32 v32, v48  }
0x13c: {  	v55 =	vsub.f32 v41, v44;
	v17 =	vmul.f32 v62, v1;
	v32 =	vsub.f32 v60, v6  }
0x13d: {  	v56 =	vld [tilespmem:$0x710];
	v50 =	vsub.f32 v37, v38;
	v53 =	vmul.f32 v38, v38;
	v38 =	vmul.f32 v35, v35  }
0x13e: {  	v62 =	vld [tilespmem:$0xF90];
	v3 =	vadd.f32 v7, v3;
	v7 =	vmul.f32 v30, v1;
	v59 =	vmul.f32 v55, v55  }
0x13f: {  	v2 =	vadd.f32 v57, v2;
	v57 =	vld [tilespmem:$0xF10];
	v36 =	vmul.f32 v32, v1;
	v8 =	vmul.f32 v50, v50  }
0x140: {  	v30 =	vld [tilespmem:$0x750];
	v5 =	vsub.f32 v37, v53;
	v37 =	vmul.f32 v24, v24;
	v54 =	vsub.f32 v40, v43  }
0x141: {  	v2 =	vadd.f32 v4, v2;
	v3 =	vadd.f32 v20, v3;
	v4 =	vmul.f32 v33, v1;
	v33 =	vld [tilespmem:$0xF50]  }
0x142: {  	v15 =	vmul.f32 v59, v1;
	v59 =	vld [tilespmem:$0x790];
	v58 =	vmul.f32 v8, v1;
	v41 =	vsub.f32 v21, v37  }
0x143: {  	v27 =	vld [tilespmem:$0xF40];
	v61 =	vmul.f32 v5, v1;
	v2 =	vadd.f32 v23, v2;
	v3 =	vadd.f32 v26, v3  }
0x144: {  	v26 =	vld [tilespmem:$0x740];
	v20 =	vsub.f32 v56, v57;
	v23 =	vmul.f32 v57, v57;
	v57 =	vmul.f32 v54, v54  }
0x145: {  	v2 =	vadd.f32 v28, v2;
	v3 =	vadd.f32 v7, v3;
	v7 =	vmul.f32 v49, v1  }
0x146: {  	v8 =	vmul.f32 v20, v20;
	v5 =	vsub.f32 v56, v23;
	v44 =	vsub.f32 v30, v33  }
0x147: {  	v46 =	vld [tilespmem:$0xF70];
	v6 =	vmul.f32 v33, v33;
	v56 =	vmul.f32 v43, v43;
	v25 =	vsub.f32 v59, v62  }
0x148: {  	v49 =	vld [tilespmem:$0x780];
	v2 =	vadd.f32 v4, v2;
	v3 =	vadd.f32 v39, v3;
	v4 =	vmul.f32 v52, v1  }
0x149: {  	v33 =	vld [tilespmem:$0xFC0];
	v28 =	vmul.f32 v8, v1;
	v31 =	vmul.f32 v5, v1;
	v39 =	vsub.f32 v26, v27  }
0x14a: {  	v52 =	vld [tilespmem:$0xF80];
	v48 =	vmul.f32 v44, v44;
	v51 =	vsub.f32 v30, v6;
	v2 =	vadd.f32 v42, v2  }
0x14b: {  	v30 =	vld [tilespmem:$0x7C0];
	v3 =	vadd.f32 v45, v3;
	v42 =	vmul.f32 v27, v27;
	v27 =	vmul.f32 v62, v62  }
0x14c: {  	v60 =	vsub.f32 v40, v56;
	v45 =	vld [tilespmem:$0x770];
	v8 =	vmul.f32 v39, v39;
	v53 =	vmul.f32 v48, v1  }
0x14d: {  	v23 =	vld [tilespmem:$0xFB0];
	v55 =	vmul.f32 v51, v1;
	v2 =	vadd.f32 v47, v2;
	v3 =	vadd.f32 v7, v3  }
0x14e: {  	v7 =	vmul.f32 v19, v1;
	v5 =	vsub.f32 v26, v42;
	v47 =	vmul.f32 v8, v1  }
0x14f: {  	v16 =	vld [tilespmem:$0x7A0];
	v63 =	vsub.f32 v49, v52;
	v6 =	vmul.f32 v52, v52;
	v2 =	vadd.f32 v4, v2  }
0x150: {  	v20 =	vld [tilespmem:$0x7B0];
	v3 =	vadd.f32 v58, v3;
	v4 =	vmul.f32 v22, v1;
	v50 =	vmul.f32 v5, v1  }
0x151: {  	v42 =	vld [tilespmem:$0xFE0];
	v44 =	vsub.f32 v30, v33;
	v58 =	vsub.f32 v45, v46;
	v19 =	vmul.f32 v63, v63  }
0x152: {  	v52 =	vld [tilespmem:$0xFF0];
	v22 =	vsub.f32 v49, v6;
	v6 =	vmul.f32 v23, v23;
	v2 =	vadd.f32 v61, v2  }
0x153: {  	v49 =	vld [tilespmem:$0x7F0];
	v3 =	vadd.f32 v15, v3;
	v61 =	vmul.f32 v46, v46;
	v46 =	vmul.f32 v33, v33  }
0x154: {  	v8 =	vmul.f32 v58, v58;
	v24 =	vmul.f32 v19, v1;
	v19 =	vld [tilespmem:$0x820];
	v2 =	vadd.f32 v17, v2  }
0x155: {  	v26 =	vmul.f32 v22, v1;
	v22 =	vld [tilespmem:$0x1020];
	v3 =	vadd.f32 v7, v3;
	v7 =	vmul.f32 v38, v1  }
0x156: {  	v5 =	vsub.f32 v45, v61;
	v17 =	vld [tilespmem:$0xFA0];
	v18 =	vmul.f32 v8, v1;
	v2 =	vadd.f32 v4, v2  }
0x157: {  	v58 =	vld [tilespmem:$0x810];
	v3 =	vadd.f32 v28, v3;
	v4 =	vmul.f32 v41, v1;
	v41 =	vsub.f32 v20, v6  }
0x158: {  	v61 =	vld [tilespmem:$0x1010];
	v21 =	vmul.f32 v5, v1;
	v63 =	vsub.f32 v49, v52;
	v2 =	vadd.f32 v31, v2  }
0x159: {  	v28 =	vmul.f32 v25, v25;
	v3 =	vadd.f32 v34, v3;
	v31 =	vsub.f32 v59, v27  }
0x15a: {  	v6 =	vmul.f32 v42, v42;
	v34 =	vsub.f32 v20, v23;
	v33 =	vsub.f32 v19, v22  }
0x15b: {  	v45 =	vmul.f32 v41, v1;
	v29 =	vsub.f32 v16, v17;
	v2 =	vadd.f32 v36, v2  }
0x15c: {  	v32 =	vmul.f32 v17, v17;
	v17 =	vmul.f32 v63, v63;
	v3 =	vadd.f32 v7, v3  }
0x15d: {  	v39 =	vld [tilespmem:$0x7E0];
	v23 =	vsub.f32 v58, v61;
	v7 =	vmul.f32 v57, v1;
	v2 =	vadd.f32 v4, v2  }
0x15e: {  	v38 =	vmul.f32 v34, v34;
	v8 =	vmul.f32 v29, v29;
	v3 =	vadd.f32 v47, v3  }
0x15f: {  	v5 =	vsub.f32 v16, v32;
	v16 =	vmul.f32 v52, v52;
	v2 =	vadd.f32 v50, v2  }
0x160: {  	v27 =	vmul.f32 v23, v23;
	v4 =	vmul.f32 v60, v1;
	v3 =	vadd.f32 v53, v3  }
0x161: {  	v43 =	vmul.f32 v38, v1;
	v47 =	vmul.f32 v44, v44;
	v2 =	vadd.f32 v55, v2  }
0x162: {  	v35 =	vld [tilespmem:$0x7D0];
	v60 =	vsub.f32 v39, v6;
	v6 =	vmul.f32 v61, v61;
	v3 =	vadd.f32 v7, v3  }
0x163: {  	v36 =	vld [tilespmem:$0xFD0];
	v37 =	vmul.f32 v8, v1;
	v20 =	vsub.f32 v49, v16;
	v2 =	vadd.f32 v4, v2  }
0x164: {  	v40 =	vmul.f32 v5, v1;
	v50 =	vsub.f32 v30, v46;
	v3 =	vadd.f32 v18, v3  }
0x165: {  	v32 =	vmul.f32 v27, v1;
	v53 =	vsub.f32 v39, v42;
	v2 =	vadd.f32 v21, v2  }
0x166: {  	v41 =	vld [tilespmem:$0x1050];
	v15 =	vmul.f32 v60, v1;
	v7 =	vmul.f32 v28, v1;
	v3 =	vadd.f32 v24, v3  }
0x167: {  	v38 =	vld [tilespmem:$0x850];
	v30 =	vsub.f32 v58, v6;
	v4 =	vmul.f32 v31, v1;
	v2 =	vadd.f32 v26, v2  }
0x168: {  	v44 =	vld [tilespmem:$0x1060];
	v48 =	vsub.f32 v35, v36;
	v51 =	vmul.f32 v36, v36;
	v3 =	vadd.f32 v7, v3  }
0x169: {  	v54 =	vld [tilespmem:$0x800];
	v36 =	vmul.f32 v33, v33;
	v57 =	vmul.f32 v53, v53;
	v2 =	vadd.f32 v4, v2  }
0x16a: {  	v55 =	vld [tilespmem:$0x1000];
	v34 =	vmul.f32 v30, v1;
	v8 =	vmul.f32 v48, v48;
	v3 =	vadd.f32 v37, v3  }
0x16b: {  	v5 =	vsub.f32 v35, v51;
	v35 =	vmul.f32 v22, v22;
	v2 =	vadd.f32 v40, v2  }
0x16c: {  	v52 =	vsub.f32 v38, v41;
	v7 =	vmul.f32 v47, v1;
	v3 =	vadd.f32 v43, v3  }
0x16d: {  	v28 =	vld [tilespmem:$0x840];
	v58 =	vmul.f32 v44, v44;
	v4 =	vmul.f32 v50, v1;
	v2 =	vadd.f32 v45, v2  }
0x16e: {  	v62 =	vmul.f32 v57, v1;
	v31 =	vld [tilespmem:$0x1040];
	v56 =	vmul.f32 v8, v1;
	v3 =	vadd.f32 v7, v3  }
0x16f: {  	v59 =	vmul.f32 v5, v1;
	v18 =	vsub.f32 v54, v55;
	v2 =	vadd.f32 v4, v2  }
0x170: {  	v25 =	vld [tilespmem:$0x1030];
	v39 =	vsub.f32 v19, v35;
	v21 =	vmul.f32 v55, v55;
	v3 =	vadd.f32 v56, v3  }
0x171: {  	v24 =	vld [tilespmem:$0x830];
	v55 =	vmul.f32 v52, v52;
	v8 =	vmul.f32 v18, v18;
	v2 =	vadd.f32 v59, v2  }
0x172: {  	v5 =	vsub.f32 v54, v21;
	v7 =	vmul.f32 v17, v1;
	v3 =	vadd.f32 v62, v3  }
0x173: {  	v42 =	vsub.f32 v28, v31;
	v4 =	vmul.f32 v20, v1;
	v2 =	vadd.f32 v15, v2  }
0x174: {  	v6 =	vmul.f32 v31, v31;
	v26 =	vmul.f32 v8, v1;
	v3 =	vadd.f32 v7, v3  }
0x175: {  	v54 =	vmul.f32 v41, v41;
	v29 =	vmul.f32 v5, v1;
	v2 =	vadd.f32 v4, v2  }
0x176: {  	v47 =	vld [tilespmem:$0x870];
	v37 =	vsub.f32 v24, v25;
	v46 =	vmul.f32 v42, v42;
	v3 =	vadd.f32 v26, v3  }
0x177: {  	v49 =	vsub.f32 v28, v6;
	v40 =	vmul.f32 v25, v25;
	v43 =	vld [tilespmem:$0x860];
	v2 =	vadd.f32 v29, v2  }
0x178: {  	v50 =	vld [tilespmem:$0x1070];
	v8 =	vmul.f32 v37, v37;
	v7 =	vmul.f32 v36, v1;
	v3 =	vadd.f32 v32, v3  }
0x179: {  	v5 =	vsub.f32 v24, v40;
	v4 =	vmul.f32 v39, v1;
	v2 =	vadd.f32 v34, v2  }
0x17a: {  	v57 =	vsub.f32 v38, v54;
	v45 =	vmul.f32 v8, v1;
	v3 =	vadd.f32 v7, v3  }
0x17b: {  	v51 =	vmul.f32 v46, v1;
	v48 =	vmul.f32 v5, v1;
	v2 =	vadd.f32 v4, v2  }
0x17c: {  	v53 =	vmul.f32 v49, v1;
	v56 =	vsub.f32 v43, v44;
	v3 =	vadd.f32 v45, v3  }
0x17d: {  	v6 =	vmul.f32 v50, v50;
	v59 =	vsub.f32 v47, v50;
	v2 =	vadd.f32 v48, v2  }
0x17e: {  	v8 =	vmul.f32 v56, v56;
	v7 =	vmul.f32 v55, v1;
	v3 =	vadd.f32 v51, v3  }
0x17f: {  	v5 =	vsub.f32 v43, v58;
	v4 =	vmul.f32 v57, v1;
	v2 =	vadd.f32 v53, v2  }
0x180: {  	v61 =	vmul.f32 v59, v59;
	v60 =	vmul.f32 v8, v1;
	v3 =	vadd.f32 v7, v3  }
0x181: {  	v62 =	vsub.f32 v47, v6;
	v5 =	vmul.f32 v5, v1;
	v2 =	vadd.f32 v4, v2  }
0x182: {  	v63 =	vmul.f32 v61, v1;
	v3 =	vadd.f32 v60, v3  }
0x183: {  	v4 =	vmul.f32 v62, v1;
	v2 =	vadd.f32 v5, v2  }
0x184: {  	v3 =	vadd.f32 v63, v3  }
0x185: {  	v2 =	vadd.f32 v4, v2  }
0x186: {  	[tilespmem:$0x1080] =	vst v3  }
0x187: {  	[tilespmem:$0x1100] =	vst v2  }
0x188: {  	[hbm4b:s6+s3] =	stream.linear.scatter [tilespmem:s11], [sflag:$0x2], $0x800, $0x38;
	[tilespmem:$0x1180] =	vst v63  }
0x189: {  	_ =	swait.ge [sflag:s9], $0x800  }
0x18a: {  	p0 =	sne.s32 s8, $0x1;
	[sflag:s9] =	ssyncset.done $0x0  }
.Ltmp0:
0x18b: {  	[sflag:s9] =	ssyncadd.s32 $0xFFFFF800;
	(pc) =	sbr.rel @p0 .LBB2_1-.Ltmp0, $4  }
0x18c: {  	[hbm4b:s7+s3] =	stream.linear.scatter [tilespmem:s14], [sflag:$0x2], $0x100, $0x38;
	[tilespmem:$0x1180] =	vst v63  }
0x18d: {  	_ =	swait.ge [sflag:s9], $0x100  }
0x18e: {  	[sflag:s9] =	ssyncset.done $0x0  }
0x18f: {  	s8 =	sadd.s32 $0xFFFFFFFF, s8;
	[sflag:s9] =	ssyncadd.s32 $0xFFFFFF00  }
0x190: {  	_ =	sfence.sel $0x180000  }
0x191: {  	[bflag:$0x0] =	sbarrier.arrive $0xFFFF  }
0x192: {  	p0 =	sne.s32 s0, $0x0;
	_ =	strace $0x90000047  }
0x193: {  	s0 =	sadd.s32 @!p0 $0x100000, s1;
	[bflag:$0x2] =	sbarrier.arrive $0xFFFF  }
0x194: {  	[sflag:s0] =	ssyncadd.tile.s32 @!p0 $0x1;
	_ =	shalt  }
.Lfunc_end2:
_tile_overlayer_lowered:
.L_overlay_start_2:
0x195: {  	(tag) =	ssettag $0x2  }
0x196: {  	s0 =	rddreg [dreg:$0x0];
	s2 =	stileid.u32  }
0x197: {  	s1 =	rddreg [dreg:$0x1];
	p0 =	sne.s32 s2, $0x0  }
0x198: {  	s3 =	rddreg [dreg:$0x2];
	[bflag:$0x3] =	sbarrier.arrive $0xFFFF;
	s2 =	simm.s32 @!p0 $0x1C02  }
0x199: {  	[timem:s3], [sflag:s2] =	dma.local @!p0 [hbm:s0], s1  }
0x19a: {  	s0 =	simm.s32 @!p0 $0x2  }
0x19b: {  	_ =	swait.ge @!p0 [sflag:s0], s1  }
0x19c: {  	s1 =	ssub.s32 @!p0 $0x0, s1;
	[sflag:s0] =	ssyncset.done @!p0 $0x0  }
0x19d: {  	[sflag:s0] =	ssyncadd.s32 @!p0 s1  }
0x19e: {  	[bflag:$0x3] =	sbarrier.arrive $0xFFFF  }
0x19f: {  	_ =	shalt  }

// kernel: scatter_offload_async_start
scs
__scs_entry_jumppad:
0x0: {  	(pc) =	sbr.rel $0x88, $3  }
0x1: {  	(tag) =	ssettag $0x0;
	lr =	simm.s32 $0x1  }
0x2: {  	[smem:$0x3F73] =	sst lr;
	_ =	strace $0xD0000000  }
0x3: {  	_ = 	snop  }
0x4: {  	_ = 	snop  }
0x5: {  	_ = 	snop  }
0x6: {  	_ = 	snop  }
0x7: {  	_ = 	snop  }
__scs_overlays_trampoline_lowered:
0x8: {  	[smem:$0x3F82] =	sst s0  }
0x9: {  	[smem:$0x3F83] =	sst s1  }
0xa: {  	[smem:$0x3F84] =	sst s2  }
0xb: {  	[smem:$0x3F85] =	sst s3  }
0xc: {  	[smem:$0x3F86] =	sst s4  }
0xd: {  	[smem:$0x3F87] =	sst s5  }
0xe: {  	[smem:$0x3F88] =	sst s6  }
0xf: {  	[smem:$0x3F89] =	sst s7  }
0x10: {  	[smem:$0x3F8A] =	sst s8  }
0x11: {  	[smem:$0x3F8B] =	sst s9;
	s0 =	simm.s32 @!p0 $0x0  }
0x12: {  	s1 =	sld [smem:$0x3F71];
	s0 =	simm.s32 @p0 $0x1  }
0x13: {  	[smem:$0x3F8C] =	sst s0;
	s0 =	simm.s32 @!p1 $0x0  }
0x14: {  	s2 =	sld [smem:$0x3F70];
	s0 =	simm.s32 @p1 $0x1  }
0x15: {  	[smem:$0x3F8D] =	sst s0;
	s0 =	simm.s32 @!p2 $0x0  }
0x16: {  	s3 =	sld [smem:$0x3FDB];
	s0 =	simm.s32 @p2 $0x1  }
0x17: {  	s4 =	simm.s32 $0x1BF5;
	[smem:$0x3F8F] =	sst s0  }
0x18: {  	s0 =	sld [smem:$0x3F72];
	_ =	swait.ge [sflag:s4], $0x0  }
0x19: {  	s7 =	sld [smem:$0x3F73]  }
0x1a: {  	s8 =	sadd.s32 $0xFFFFE003, lr  }
0x1b: {  	s9 =	sadd.s32 $0xFFFFFEF7, lr;
	s5 =	simm.s32 $0xFFFFFFFF;
	p2 =	slt.u32 s8, $0xFFFFF086  }
0x1c: {  	p1 =	slt.u32 s9, $0xF7A;
	s5 =	simm.s32 @!p2 $0x0  }
0x1d: {  	s5 =	simm.s32 @p1 $0x1;
	p0 =	seq.s32 s7, s2  }
0x1e: {  	s7 =	smul.u32 @!p0 $0xF7A, s2;
	p2 =	seq.s32 @!p0 s5, $0x0  }
0x1f: {  	s9 =	smul.u32 $0xF7A, s1;
	s8 =	simm.s32 @!p0 $0x1BF5;
	p2 =	por !p2, p0  }
0x20: {  	[sflag:s8] =	ssyncset.s32 @!p0 $0xFFFFF086;
	s6 =	sadd.s32 @!p0 s3, s7;
	s7 =	simm.s32 @!p0 $0x108  }
0x21: {  	s3 =	sadd.s32 s3, s9;
	s6 =	sadd.s32 @!p0 $0x88, s6;
	s7 =	simm.s32 @p2 $0x1082  }
0x22: {  	[simem:s7], [sflag:s8] =	dma.local @!p0 [hbm:s6], $0xF7A  }
0x23: {  	s9 =	sor.u32 $0xD0000000, s2;
	s6 =	simm.s32 $0x108;
	_ =	swait.ge @!p0 [sflag:s8], $0x0  }
0x24: {  	s3 =	sadd.s32 $0x88, s3;
	s6 =	simm.s32 @!p1 $0x1082;
	[sflag:s4] =	ssyncset.s32 $0xFFFFF086  }
0x25: {  	[simem:s6], [sflag:s4] =	dma.local [hbm:s3], $0xF7A  }
0x26: {  	[smem:$0x3F73] =	sst s1;
	(tag) =	ssettag s2;
	_ =	strace s9  }
0x27: {  	s1 =	sld [smem:$0x3F83]  }
0x28: {  	s2 =	sld [smem:$0x3F84]  }
0x29: {  	s4 =	sld [smem:$0x3F86]  }
0x2a: {  	p0 =	seq.s32 s5, $0x0;
	s5 =	sld [smem:$0x3F87]  }
0x2b: {  	s6 =	sld [smem:$0x3F88]  }
0x2c: {  	s7 =	sld [smem:$0x3F89]  }
0x2d: {  	s3 =	simm.s32 $0x108;
	s8 =	sld [smem:$0x3F8A]  }
0x2e: {  	s3 =	simm.s32 @!p0 $0x1082;
	s9 =	sld [smem:$0x3F8B]  }
0x2f: {  	lr =	sadd.s32 s0, s3;
	s0 =	sld [smem:$0x3F82]  }
0x30: {  	s3 =	sld [smem:$0x3F85]  }
0x31: {  	[smem:$0x3F8E] =	sst s10  }
0x32: {  	s10 =	sld [smem:$0x3F8C];
	_ =	sdelay $0x3  }
0x33: {  	p0 =	seq.s32 s10, $0x1;
	s10 =	sld [smem:$0x3F8E];
	_ =	sdelay $0x3  }
0x34: {  	[smem:$0x3F8E] =	sst s10  }
0x35: {  	s10 =	sld [smem:$0x3F8D];
	_ =	sdelay $0x3  }
0x36: {  	p1 =	seq.s32 s10, $0x1;
	s10 =	sld [smem:$0x3F8E];
	_ =	sdelay $0x3  }
0x37: {  	[smem:$0x3F8E] =	sst s10  }
0x38: {  	s10 =	sld [smem:$0x3F8F]  }
0x39: {  	_ = 	snop;
	(pc) =	sbr.ind lr, $3  }
0x3a: {  	_ = 	snop  }
0x3b: {  	_ = 	snop  }
0x3c: {  	p2 =	seq.s32 s10, $0x1;
	s10 =	sld [smem:$0x3F8E]  }
0x3d: {  	_ =	shalt  }
0x3e: {  	_ =	shalt  }
0x3f: {  	_ =	shalt  }
0x40: {  	_ =	shalt  }
0x41: {  	_ =	shalt  }
0x42: {  	_ =	shalt  }
0x43: {  	_ =	shalt  }
0x44: {  	_ =	shalt  }
0x45: {  	_ =	shalt  }
0x46: {  	_ =	shalt  }
0x47: {  	_ =	shalt  }
0x48: {  	_ =	shalt  }
0x49: {  	_ =	shalt  }
0x4a: {  	_ =	shalt  }
0x4b: {  	_ =	shalt  }
0x4c: {  	_ =	shalt  }
0x4d: {  	_ =	shalt  }
0x4e: {  	_ =	shalt  }
0x4f: {  	_ =	shalt  }
0x50: {  	_ =	shalt  }
0x51: {  	_ =	shalt  }
0x52: {  	_ =	shalt  }
0x53: {  	_ =	shalt  }
0x54: {  	_ =	shalt  }
0x55: {  	_ =	shalt  }
0x56: {  	_ =	shalt  }
0x57: {  	_ =	shalt  }
0x58: {  	_ =	shalt  }
0x59: {  	_ =	shalt  }
0x5a: {  	_ =	shalt  }
0x5b: {  	_ =	shalt  }
0x5c: {  	_ =	shalt  }
0x5d: {  	_ =	shalt  }
0x5e: {  	_ =	shalt  }
0x5f: {  	_ =	shalt  }
0x60: {  	_ =	shalt  }
0x61: {  	_ =	shalt  }
0x62: {  	_ =	shalt  }
0x63: {  	_ =	shalt  }
0x64: {  	_ =	shalt  }
0x65: {  	_ =	shalt  }
0x66: {  	_ =	shalt  }
0x67: {  	_ =	shalt  }
0x68: {  	_ =	shalt  }
0x69: {  	_ =	shalt  }
0x6a: {  	_ =	shalt  }
0x6b: {  	_ =	shalt  }
0x6c: {  	_ =	shalt  }
0x6d: {  	_ =	shalt  }
0x6e: {  	_ =	shalt  }
0x6f: {  	_ =	shalt  }
0x70: {  	_ =	shalt  }
0x71: {  	_ =	shalt  }
0x72: {  	_ =	shalt  }
0x73: {  	_ =	shalt  }
0x74: {  	_ =	shalt  }
0x75: {  	_ =	shalt  }
0x76: {  	_ =	shalt  }
0x77: {  	_ =	shalt  }
0x78: {  	_ =	shalt  }
0x79: {  	_ =	shalt  }
0x7a: {  	_ =	shalt  }
0x7b: {  	_ =	shalt  }
0x7c: {  	_ =	shalt  }
0x7d: {  	_ =	shalt  }
0x7e: {  	_ =	shalt  }
0x7f: {  	_ =	shalt  }
0x80: {  	_ =	shalt  }
0x81: {  	_ =	shalt  }
0x82: {  	_ =	shalt  }
0x83: {  	_ =	shalt  }
0x84: {  	_ =	shalt  }
0x85: {  	_ =	shalt  }
0x86: {  	_ =	shalt  }
0x87: {  	_ =	shalt  }
.Lfunc_end0:
.L_simem_size_0:
called_computation_lowered:
.L_overlay_start_0:
0x88: {  	s2 =	sld [smem:$0x3FD9]  }
0x89: {  	s3 =	sld [smem:$0x3FFE];
	_ =	sdelay $0x1  }
0x8a: {  	s1 =	srdreg.scid  }
0x8b: {  	s0 =	sand.u32 $0x1, s1  }
0x8c: {  	s16 =	sshll.u32 s0, $0xA;
	s2 =	sadd.s32 s3, s2  }
0x8d: {  	s2 =	sadd.s32 s2, s16  }
0x8e: {  	[smem:$0x3F9A] =	sst s2  }
0x8f: {  	_ = 	snop  }
0x90: {  	(tm) =	ssettm $0x1  }
0x91: {  	s17 =	sld [smem:$0x3FFB];
	_ =	sdelay $0x3  }
0x92: {  	_ =	strace s17  }
0x93: {  	s2 =	sld [smem:$0x3FFC];
	_ =	sdelay $0x3  }
0x94: {  	_ =	strace s2  }
0x95: {  	s2 =	sld [smem:$0x3FFD];
	_ =	sdelay $0x3  }
0x96: {  	_ =	strace s2  }
0x97: {  	_ =	strace $0x8FFFFFFF  }
0x98: {  	s18 =	sld [smem:$0x3FDB];
	_ =	sdelay $0x1  }
0x99: {  	s19 =	simm.s32 $_scs_section_size  }
0x9a: {  	s4 =	simm.s32 $_size__tile_overlayer_lowered;
	s5 =	simm.s32 $_tile_overlayer_lowered  }
0x9b: {  	s22 =	simm.s32 $0x1BFF;
	s21 =	sshll.u32 s5, $0x1;
	s2 =	sadd.s32 s19, s18  }
0x9c: {  	s6 =	simm.s32 $0x0;
	s20 =	sshll.u32 s4, $0x1;
	s4 =	sadd.s32 s21, s2  }
0x9d: {  	[timem:s6], [sflag:s22] =	dma.local [hbm:s4], s20  }
0x9e: {  	_ =	swait.ge [sflag:s22], s20  }
0x9f: {  	s3 =	ssub.s32 $0x0, s20;
	[sflag:s22] =	ssyncset.done $0x0  }
0xa0: {  	[sflag:s22] =	ssyncadd.s32 s3;
	_ =	sdelay $0x1  }
0xa1: {  	s23 =	simm.s32 $0x1B8B  }
0xa2: {  	_ =	swait.ge [sflag:s23], $0x1  }
0xa3: {  	[sflag:s23] =	ssyncset.done $0x0  }
0xa4: {  	s25 =	simm.s32 $0x1B8E;
	s24 =	sld [smem:$0x3FFE];
	[sflag:s23] =	ssyncadd.s32 $0xFFFFFFFF  }
0xa5: {  	s26 =	simm.s32 $execute0_lowered;
	[smem:$0x3FD2] =	sst s25  }
0xa6: {  	s4 =	sshll.u32 s26, $0x1;
	_ =	strace $0x80000049;
	[dreg:$0x1] =	wrdreg $0xFFFFFFFF  }
0xa7: {  	s28 =	simm.s32 $_size_execute0_lowered;
	s2 =	sadd.s32 s2, s4;
	[dreg:$0x0] =	wrdreg $0x0  }
0xa8: {  	s4 =	sshll.u32 s28, $0x1;
	[dreg:$0x2] =	wrdreg s2  }
0xa9: {  	[dreg:$0x3] =	wrdreg s4  }
0xaa: {  	[dreg:$0x4] =	wrdreg $0xC0  }
0xab: {  	_ =	task [dreg:s6], $0x5FFFF  }
0xac: {  	[dreg:$0x1] =	wrdreg $0xFFFFFFFF  }
0xad: {  	[dreg:$0x0] =	wrdreg $0x60  }
0xae: {  	[dreg:$0x2] =	wrdreg s24  }
0xaf: {  	[dreg:$0x3] =	wrdreg s1  }
0xb0: {  	[dreg:$0x4] =	wrdreg $0x9  }
0xb1: {  	_ =	task.clear_ibuf [dreg:s6], $0x5FFFF;
	_ =	strace $0x90000049  }
0xb2: {  	s29 =	simm.s32 $0x9;
	_ =	strace $0x8000004B  }
0xb3: {  	_ =	swait.ge [sflag:s29], $0x1  }
0xb4: {  	[sflag:s29] =	ssyncadd.s32 $0xFFFFFFFF  }
0xb5: {  	_ =	strace $0x9000004B  }
0xb6: {  	_ =	sfence  }
0xb7: {  	s30 =	sld [smem:$0x0];
	_ =	sdelay $0x2  }
0xb8: {  	s31 =	sshll.u32 s1, $0xD;
	s1 =	sshrl.u32 s1, $0x2  }
0xb9: {  	s3 =	sand.u32 $0x4000, s31;
	s1 =	sadd.s32 s1, s30  }
0xba: {  	s0 =	sor.u32 s3, s0;
	s1 =	sshll.u32 s1, $0x11  }
0xbb: {  	s0 =	sor.u32 s1, s0  }
0xbc: {  	s0 =	sadd.s32 $0x8F2B, s0  }
0xbd: {  	[sflag:s0] =	ssyncadd.remote.s32 $0x1  }
0xbe: {  	_ =	sfence.sel $0xFFFF  }
0xbf: {  	[dreg:$0x0] =	wrdreg $0xFFFFFFFF;
	(pc) =	sbr.abs _section_cstart, $3  }
0xc0: {  	[dreg:$0x1] =	wrdreg $0xFFFFFFFF  }
0xc1: {  	_ =	task.clear_ibuf [dreg:s6], $0x2FFFF;
	_ =	strace $0x9FFFFFFF  }
0xc2: {  	(tm) =	ssettm $0x7FFFFFFF  }
0xc3: {  	_ =	shalt  }
tec
execute0_lowered:
.L_overlay_start_1:
0x0: {  	(tag) =	ssettag $0x1  }
0x1: {  	s1 =	stileid.u32  }
0x2: {  	s2 =	rddreg [dreg:$0x1];
	s3 =	smul.u32 $0xC, s1  }
0x3: {  	s7 =	simm.s32 $0x1A0;
	s2 =	sand.u32 $0x1, s2;
	s29 =	smin.u32 s1, $0x4  }
0x4: {  	p1 =	slt.u32 s1, $0x4;
	p0 =	seq.s32 s2, $0x1;
	s2 =	sadd.s32 s29, s3  }
0x5: {  	s7 =	simm.s32 @!p1 $0x180;
	s5 =	sshll.u32 s2, $0x5  }
0x6: {  	s7 =	sadd.s32 s7, s5  }
0x7: {  	s8 =	smin.u32 s7, $0x1880  }
0x8: {  	s4 =	simm.s32 $0x1880;
	s9 =	ssub.s32 s8, s5  }
0x9: {  	s4 =	simm.s32 @!p0 $0x0;
	p0 =	sgt.s32 s9, $0x0  }
0xa: {  	s6 =	rddreg [dreg:$0x0];
	s30 =	sshrl.u32 s4, $0x3;
	s9 =	simm.s32 @!p0 $0x0  }
0xb: {  	s0 =	rddreg [dreg:$0x2];
	s10 =	sadd.s32 s30, s6;
	s9 =	sshrl.u32 s9, $0x5  }
0xc: {  	_ =	strace $0x8000004A;
	s7 =	sadd.s32 $0x5400, s10;
	s10 =	sadd.s32 $0x1, s9  }
0xd: {  	s12 =	simm.s32 $0x0;
	s11 =	simm.s32 $0x1;
	p2 =	sne.s32 s10, $0x1  }
.Ltmp0:
0xe: {  	p1 =	por $0x0, $0x0;
	s3 =	sadd.s32 $0x18E400, s6;
	(pc) =	sbr.rel @!p2 .LBB2_1-.Ltmp0, $4  }
0xf: {  	s2 =	simm.s32 $0x1;
	s31 =	sshll.u32 s4, $0x7;
	s4 =	simm.s32 $0x2  }
0x10: {  	[sflag:s2] =	ssyncpa.u1 $0x0;
	(ifvalue) =	ssetifvalue $0x3090400;
	s6 =	sadd.s32 s31, s6  }
0x11: {  	[sflag:s4] =	ssyncpa.u1 $0x0;
	s6 =	sadd.s32 $0x6400, s6;
	p3 =	sle.u32 s9, $0x0  }
0x12: {  	p0 =	por $0x1, $0x1;
	s14 =	sxor.u32 @!p3 $0xFFFFFFFF, s12;
	s13 =	simm.s32 @!p3 $0x0  }
0x13: {  	s14 =	sand.u32 @!p3 $0x1, s14  }
0x14: {  	s15 =	sshrl.u32 @!p3 s5, $0x3;
	s17 =	sshll.u32 @!p3 s5, $0x7;
	s18 =	sand.u32 @!p3 $0x7, s5  }
0x15: {  	s16 =	sshll.u32 @!p3 s14, $0x5;
	s14 =	sshll.u32 @!p3 s14, $0xE;
	s15 =	sadd.s32 @!p3 s15, s7  }
0x16: {  	[tilespmem:s16], [sflag:$0x2] =	stream.linear.gather @!p3 [hbm4b:s15+s18], $0x20, $0x38;
	[tilespmem:$0x8060] =	vst v63  }
0x17: {  	s15 =	sadd.s32 @!p3 s17, s6;
	s14 =	sor.u32 @!p3 $0x40, s14;
	s16 =	simm.s32 @!p0 $0x2  }
0x18: {  	[tilespmem:s14], [sflag:$0x2] =	stream.linear.gather @!p3 [hbm4b:s15+s13], $0x4000, $0x38;
	[tilespmem:$0x8060] =	vst v63  }
0x19: {  	_ =	swait.ge @!p0 [sflag:s16], $0x4020  }
0x1a: {  	s12 =	sand.u32 @!p0 $0x1, s12;
	[sflag:s16] =	ssyncset.done @!p0 $0x0  }
0x1b: {  	p2 =	por p0, p0;
	s13 =	sshll.u32 @!p0 s12, $0x5;
	[sflag:s16] =	ssyncadd.s32 @!p0 $0xFFFFBFE0  }
0x1c: {  	v0 =	vld.msk @!p2 [tilespmem:s13+$0x0 ss:$0x1], $0xffff;
	_ =	sdelay $0x4  }
0x1d: {  	v0 =	vshll.u32 @!p2 v0, $0xA  }
0x1e: {  	v0 =	vmin.u32 @!p2 v0, $0x3090400  }
0x1f: {  	v0 =	vshrl.u32 @!p2 v0, $0x9  }
0x20: {  	s13 =	sor.u32 @!p0 $0x10, s13;
	[tilespmem:$0x8040] =	vst @!p2 v0  }
0x21: {  	v0 =	vld.msk @!p2 [tilespmem:s13+$0x0 ss:$0x1], $0xffff;
	_ =	sdelay $0x3  }
0x22: {  	p4 =	sne.s32 s10, $0x2  }
0x23: {  	p1 =	por $0x1, $0x1;
	s17 =	simm.s32 @!p2 $0x8040;
	s12 =	sshll.u32 @!p0 s12, $0xE;
	v0 =	vshll.u32 @!p2 v0, $0xA  }
.Ltmp1:
0x24: {  	s14 =	simm.s32 @!p2 $0x20;
	s16 =	sadd.s32 $0x20, s5;
	v0 =	vmin.u32 @!p2 v0, $0x3090400;
	(pc) =	sbr.rel @!p4 .LBB2_3-.Ltmp1, $4  }
0x25: {  	s15 =	simm.s32 @!p2 $0x1;
	p3 =	sle.u32 s9, $0x1;
	p5 =	slt.s32 s16, s8;
	v0 =	vshrl.u32 @!p2 v0, $0x9  }
0x26: {  	s13 =	sor.u32 @!p0 $0x40, s12;
	s12 =	simm.s32 $0x2;
	[tilespmem:$0x8050] =	vst @!p2 v0;
	(ifvalue) =	ssetifvalue @!p2 $0x3090400  }
0x27: {  	[hbm:s3] =	stream.indirect.scatter @!p2 [tilespmem:s13], [sflag:$0x1], $0x200, s17, s14, $0x40b8;
	[tilespmem:$0x8060] =	vst v63  }
0x28: {  	p0 =	por $0x0, $0x0;
	s14 =	sxor.u32 @!p3 $0xFFFFFFFF, s11;
	s13 =	simm.s32 @!p3 $0x0  }
.LBB2_4:
0x29: {  	s17 =	sand.u32 @!p3 $0x1, s14;
	s14 =	smov.u32 s5  }
0x2a: {  	_ =	swait.ge @!p2 [sflag:s15], $0x4000;
	s14 =	smov.u32 @p5 s16  }
0x2b: {  	s18 =	sshll.u32 @!p3 s17, $0x5;
	s16 =	sshrl.u32 @!p3 s14, $0x3;
	[sflag:s15] =	ssyncset.done @!p2 $0x0  }
0x2c: {  	s17 =	sshll.u32 @!p3 s17, $0xE;
	s19 =	sshll.u32 @!p3 s14, $0x7;
	[sflag:s15] =	ssyncadd.s32 @!p2 $0xFFFFC000  }
0x2d: {  	s20 =	sand.u32 @!p3 $0x7, s14;
	s16 =	sadd.s32 @!p3 s16, s7;
	[sflag:s15] =	ssyncpa.u1 @!p2 $0x1  }
0x2e: {  	s11 =	sand.u32 @!p0 $0x1, s11;
	s17 =	sor.u32 @!p3 $0x40, s17;
	s15 =	sadd.s32 @!p3 s19, s6  }
0x2f: {  	[tilespmem:s18], [sflag:$0x2] =	stream.linear.gather @!p3 [hbm4b:s16+s20], $0x20, $0x38;
	[tilespmem:$0x8060] =	vst v63  }
0x30: {  	s16 =	simm.s32 @!p0 $0x2;
	s18 =	sshll.u32 @!p0 s11, $0x5;
	s11 =	sshll.u32 @!p0 s11, $0xE  }
0x31: {  	[tilespmem:s17], [sflag:$0x2] =	stream.linear.gather @!p3 [hbm4b:s15+s13], $0x4000, $0x38;
	[tilespmem:$0x8060] =	vst v63  }
0x32: {  	s13 =	sor.u32 @!p0 $0x10, s18;
	s17 =	sor.u32 @!p0 $0x40, s11;
	_ =	swait.ge @!p0 [sflag:s16], $0x4020  }
0x33: {  	s11 =	smov.u32 s12;
	s12 =	sadd.s32 $0x1, s12;
	[sflag:s16] =	ssyncset.done @!p0 $0x0  }
0x34: {  	p2 =	por p0, p0;
	p4 =	sne.s32 s10, s12;
	[sflag:s16] =	ssyncadd.s32 @!p0 $0xFFFFBFE0  }
0x35: {  	v0 =	vld.msk @!p2 [tilespmem:s18+$0x0 ss:$0x1], $0xffff;
	_ =	sdelay $0x5  }
0x36: {  	v0 =	vshll.u32 @!p2 v0, $0xA  }
0x37: {  	v0 =	vmin.u32 @!p2 v0, $0x3090400  }
0x38: {  	v0 =	vshrl.u32 @!p2 v0, $0x9  }
0x39: {  	[tilespmem:$0x8040] =	vst @!p2 v0  }
0x3a: {  	v0 =	vld.msk @!p2 [tilespmem:s13+$0x0 ss:$0x1], $0xffff;
	_ =	sdelay $0x5  }
0x3b: {  	v0 =	vshll.u32 @!p2 v0, $0xA  }
.Ltmp2:
0x3c: {  	s19 =	simm.s32 @!p2 $0x8040;
	s18 =	simm.s32 @!p2 $0x20;
	v0 =	vmin.u32 @!p2 v0, $0x3090400;
	(pc) =	sbr.rel @p4 .LBB2_4-.Ltmp2, $4  }
0x3d: {  	s15 =	simm.s32 @!p2 $0x1;
	s16 =	sadd.s32 $0x20, s14;
	v0 =	vshrl.u32 @!p2 v0, $0x9  }
0x3e: {  	p3 =	sge.u32 s11, s9;
	p0 =	seq.s32 s11, $0x0;
	p5 =	slt.s32 s16, s8;
	[tilespmem:$0x8050] =	vst @!p2 v0  }
0x3f: {  	s14 =	sxor.u32 @!p3 $0xFFFFFFFF, s11;
	s13 =	simm.s32 @!p3 $0x0;
	(ifvalue) =	ssetifvalue @!p2 $0x3090400  }
0x40: {  	[hbm:s3] =	stream.indirect.scatter @!p2 [tilespmem:s17], [sflag:$0x1], $0x200, s19, s18, $0x40b8;
	[tilespmem:$0x8060] =	vst v63  }
0x41: {  	s12 =	smov.u32 s11  }
.LBB2_6:
0x42: {  	p4 =	por !p5, !p1;
	p2 =	por p2, !p1;
	s8 =	sand.u32 @!p3 $0x1, s14  }
0x43: {  	s16 =	smov.u32 @p4 s5;
	_ =	swait.ge @!p2 [sflag:s15], $0x4000;
	s10 =	sshll.u32 @!p3 s8, $0x5  }
0x44: {  	s8 =	sshll.u32 @!p3 s8, $0xE;
	s5 =	smov.u32 @p1 s16;
	[sflag:s15] =	ssyncset.done @!p2 $0x0  }
0x45: {  	s9 =	sshrl.u32 @!p3 s5, $0x3;
	s11 =	sshll.u32 @!p3 s5, $0x7;
	[sflag:s15] =	ssyncadd.s32 @!p2 $0xFFFFC000  }
0x46: {  	s5 =	sand.u32 @!p3 $0x7, s5;
	s7 =	sadd.s32 @!p3 s9, s7;
	[sflag:s15] =	ssyncpa.u1 @!p2 $0x1  }
0x47: {  	[tilespmem:s10], [sflag:$0x2] =	stream.linear.gather @!p3 [hbm4b:s7+s5], $0x20, $0x38;
	[tilespmem:$0x8060] =	vst v63  }
0x48: {  	s5 =	sadd.s32 @!p3 s11, s6;
	s6 =	sor.u32 @!p3 $0x40, s8;
	s7 =	simm.s32 @!p0 $0x2  }
0x49: {  	[tilespmem:s6], [sflag:$0x2] =	stream.linear.gather @!p3 [hbm4b:s5+s13], $0x4000, $0x38;
	[tilespmem:$0x8060] =	vst v63  }
0x4a: {  	_ =	swait.ge @!p0 [sflag:s7], $0x4020  }
0x4b: {  	s5 =	sand.u32 @!p0 $0x1, s12;
	[sflag:s7] =	ssyncset.done @!p0 $0x0  }
0x4c: {  	p1 =	por p0, p0;
	s6 =	sshll.u32 @!p0 s5, $0x5;
	[sflag:s7] =	ssyncadd.s32 @!p0 $0xFFFFBFE0  }
0x4d: {  	v0 =	vld.msk @!p1 [tilespmem:s6+$0x0 ss:$0x1], $0xffff;
	_ =	sdelay $0x4  }
0x4e: {  	v0 =	vshll.u32 @!p1 v0, $0xA  }
0x4f: {  	v0 =	vmin.u32 @!p1 v0, $0x3090400  }
0x50: {  	v0 =	vshrl.u32 @!p1 v0, $0x9  }
0x51: {  	s6 =	sor.u32 @!p0 $0x10, s6;
	[tilespmem:$0x8040] =	vst @!p1 v0  }
0x52: {  	v0 =	vld.msk @!p1 [tilespmem:s6+$0x0 ss:$0x1], $0xffff;
	_ =	sdelay $0x4  }
0x53: {  	v0 =	vshll.u32 @!p1 v0, $0xA  }
0x54: {  	s5 =	sshll.u32 @!p0 s5, $0xE;
	v0 =	vmin.u32 @!p1 v0, $0x3090400  }
0x55: {  	s8 =	simm.s32 @!p1 $0x1;
	s5 =	sor.u32 @!p0 $0x40, s5;
	v0 =	vshrl.u32 @!p1 v0, $0x9  }
0x56: {  	s7 =	simm.s32 @!p1 $0x8040;
	s6 =	simm.s32 @!p1 $0x20;
	[tilespmem:$0x8050] =	vst @!p1 v0;
	(ifvalue) =	ssetifvalue @!p1 $0x3090400  }
0x57: {  	[hbm:s3] =	stream.indirect.scatter @!p1 [tilespmem:s5], [sflag:$0x1], $0x200, s7, s6, $0x40b8;
	[tilespmem:$0x8060] =	vst v63  }
0x58: {  	_ =	swait.ge @!p1 [sflag:s8], $0x4000  }
0x59: {  	[sflag:s8] =	ssyncset.done @!p1 $0x0  }
0x5a: {  	[sflag:s8] =	ssyncadd.s32 @!p1 $0xFFFFC000  }
0x5b: {  	[sflag:s8] =	ssyncpa.u1 @!p1 $0x1  }
0x5c: {  	_ =	sfence.sel $0x180000  }
0x5d: {  	[bflag:$0x0] =	sbarrier.arrive $0xFFFF  }
0x5e: {  	[sflag:s4] =	ssyncpa.u1 $0x1  }
0x5f: {  	[sflag:s2] =	ssyncpa.u1 $0x1  }
0x60: {  	p0 =	sne.s32 s1, $0x0;
	_ =	strace $0x9000004A  }
0x61: {  	s0 =	sadd.s32 @!p0 $0x100000, s0;
	[bflag:$0x2] =	sbarrier.arrive $0xFFFF  }
0x62: {  	[sflag:s0] =	ssyncadd.tile.s32 @!p0 $0x1;
	_ =	shalt  }
.LBB2_1:
.Ltmp3:
0x63: {  	(pc) =	sbr.rel .LBB2_6-.Ltmp3, $2  }
0x64: {  	_ =	sdelay $0x2  }
0x65: {  	_ = 	snop  }
.LBB2_3:
.Ltmp4:
0x66: {  	(pc) =	sbr.rel .LBB2_6-.Ltmp4, $2  }
0x67: {  	_ =	sdelay $0x2  }
0x68: {  	s12 =	simm.s32 $0x1  }
.Lfunc_end2:
_tile_overlayer_lowered:
.L_overlay_start_2:
0x69: {  	(tag) =	ssettag $0x2  }
0x6a: {  	s0 =	rddreg [dreg:$0x0];
	s2 =	stileid.u32  }
0x6b: {  	s1 =	rddreg [dreg:$0x1];
	p0 =	sne.s32 s2, $0x0  }
0x6c: {  	s3 =	rddreg [dreg:$0x2];
	[bflag:$0x3] =	sbarrier.arrive $0xFFFF;
	s2 =	simm.s32 @!p0 $0x1C01  }
0x6d: {  	[timem:s3], [sflag:s2] =	dma.local @!p0 [hbm:s0], s1  }
0x6e: {  	s0 =	simm.s32 @!p0 $0x1  }
0x6f: {  	_ =	swait.ge @!p0 [sflag:s0], s1  }
0x70: {  	s1 =	ssub.s32 @!p0 $0x0, s1;
	[sflag:s0] =	ssyncset.done @!p0 $0x0  }
0x71: {  	[sflag:s0] =	ssyncadd.s32 @!p0 s1  }
0x72: {  	[bflag:$0x3] =	sbarrier.arrive $0xFFFF  }
0x73: {  	_ =	shalt  }

</sc_bundles>
